<compile_context>
chip_gen: v7x
topology: tpu7x:2x2x1
jax: 0.10.2.dev20260603
libtpu: 0.0.44.dev20260713+nightly
codegen_flags: <defaults>
</compile_context>

<pallas_src>
import functools

import jax
import jax.numpy as jnp
import numpy as np
from jax import lax
from jax.experimental import pallas as pl
from jax.experimental.pallas import tpu as pltpu
from jax.experimental.pallas import tpu_sc as plsc

B = 4096
D = 64
NC, NS, L = 2, 16, 16
NW = NC * NS
APT = B // NW
KP = 256
KN = 16
FB = 512
BIGI = 1 << 30
MARGIN = 1.0
EPS = 1e-6


def _rotl32(x, r):
    return ((x << np.uint32(r)) | (x >> np.uint32(32 - r))).astype(np.uint32)


def _threefry2x32(k1, k2, x1, x2):
    x1 = x1.astype(np.uint32).copy()
    x2 = x2.astype(np.uint32).copy()
    ks = [np.uint32(k1), np.uint32(k2), np.uint32(0)]
    ks[2] = np.uint32(ks[0] ^ ks[1] ^ np.uint32(0x1BD11BDA))
    rot = (13, 15, 26, 6, 17, 29, 16, 24)
    x1 += ks[0]
    x2 += ks[1]
    for r in range(5):
        for rr in rot[:4] if r % 2 == 0 else rot[4:]:
            x1 += x2
            x2 = _rotl32(x2, rr)
            x2 ^= x1
        x1 += ks[(r + 1) % 3]
        x2 += ks[(r + 2) % 3] + np.uint32(r + 1)
    return x1, x2


def _np_uniform(key, shape):
    n = int(np.prod(shape))
    o1, o2 = _threefry2x32(key[0], key[1],
                           np.zeros(n, np.uint32), np.arange(n, dtype=np.uint32))
    bits = o1 ^ o2
    f = ((bits >> np.uint32(9)) | np.uint32(0x3F800000)).view(np.float32)
    return (f - np.float32(1.0)).reshape(shape)


def _build_orders():
    s1, s2 = _threefry2x32(np.uint32(0), np.uint32(42),
                           np.zeros(2, np.uint32), np.arange(2, dtype=np.uint32))
    ka, kb = (s1[0], s2[0]), (s1[1], s2[1])
    rp = _np_uniform(ka, (B, B))
    rn = _np_uniform(kb, (B, B))
    op = np.argsort(-rp, axis=1, kind="stable").astype(np.int32)
    on = np.argsort(-rn, axis=1, kind="stable").astype(np.int32)
    return (op, on,
            np.ascontiguousarray(op[:, :KP]), np.ascontiguousarray(on[:, :KN]))


_ORDP_FULL, _ORDN_FULL, _ORDP_PRE, _ORDN_PRE = _build_orders()


def _sqrt16(x):
    xi = lax.bitcast_convert_type(x, jnp.int32)
    yi = lax.shift_right_logical(xi, 1) + jnp.int32(0x1FBD1DF5)
    y = lax.bitcast_convert_type(yi, jnp.float32)
    for _ in range(4):
        y = 0.5 * (y + x / y)
    return y


_mesh = plsc.VectorSubcoreMesh(core_axis_name="c", subcore_axis_name="s")


@functools.partial(
    pl.kernel,
    out_type=[
        jax.ShapeDtypeStruct((NW, L), jnp.float32),
        jax.ShapeDtypeStruct((NW, L), jnp.float32),
    ],
    mesh=_mesh,
    compiler_params=pltpu.CompilerParams(needs_layout_passes=False,
                                         use_tc_tiling_on_sc=False),
    scratch_types=[
        pltpu.VMEM((B,), jnp.int32),
        pltpu.VMEM((APT, KP), jnp.int32),
        pltpu.VMEM((APT, KN), jnp.int32),
        pltpu.VMEM((FB,), jnp.int32),
        pltpu.VMEM((APT,), jnp.int32),
        pltpu.VMEM((APT,), jnp.int32),
        pltpu.VMEM((APT,), jnp.int32),
        pltpu.VMEM((APT,), jnp.int32),
        pltpu.VMEM((APT, D), jnp.float32),
        pltpu.VMEM((APT, D), jnp.float32),
        pltpu.VMEM((APT, D), jnp.float32),
        pltpu.VMEM((APT,), jnp.float32),
        pltpu.VMEM((APT,), jnp.float32),
        pltpu.VMEM((L,), jnp.float32),
        pltpu.VMEM((L,), jnp.float32),
        pltpu.SemaphoreType.DMA,
    ],
)
def _triplet_sc(emb_hbm, labels_hbm, ordp_hbm, ordn_hbm, ordpf_hbm, ordnf_hbm,
                sum_out, cnt_out,
                labels_v, ordp_v, ordn_v, fb_v, pos_v, neg_v, pf_v, nf_v,
                a_v, p_v, n_v, sap_v, san_v, sum_v, cnt_v, sem):
    wid = lax.axis_index("s") * NC + lax.axis_index("c")
    base = wid * APT
    iota = lax.iota(jnp.int32, L)
    lane0 = iota == 0

    def splat_i(x):
        return jnp.full((L,), x, jnp.int32)

    def read1(ref, idx):
        return jnp.min(plsc.load_gather(ref, [splat_i(idx)]))

    def store1(ref, idx, val):
        plsc.store_scatter(ref, [splat_i(idx)],
                           jnp.full((L,), val, ref.dtype), mask=lane0)

    pltpu.sync_copy(labels_hbm, labels_v)
    pltpu.sync_copy(ordp_hbm.at[pl.ds(base, APT)], ordp_v)
    pltpu.sync_copy(ordn_hbm.at[pl.ds(base, APT)], ordn_v)
    pltpu.sync_copy(emb_hbm.at[pl.ds(base, APT)], a_v)

    def scan_body(a_loc, carry):
        i_glob = base + a_loc
        li_v = plsc.load_gather(labels_v, [splat_i(i_glob)])
        bpv = jnp.full((L,), BIGI, jnp.int32)
        for s in range(KP // L):
            idx16 = ordp_v[a_loc, pl.ds(s * L, L)]
            labs = plsc.load_gather(labels_v, [idx16])
            m = jnp.logical_and(labs == li_v, idx16 != i_glob)
            bpv = jnp.minimum(bpv, jnp.where(m, iota + (s * L), BIGI))
        bp = jnp.min(bpv)
        fnd = bp < KP
        bpc = jnp.minimum(bp, KP - 1)
        chosen = jnp.min(plsc.load_gather(ordp_v, [splat_i(a_loc), splat_i(bpc)]))
        store1(pos_v, a_loc, jnp.where(fnd, chosen, 0))
        store1(pf_v, a_loc, fnd.astype(jnp.int32))

        idxn = ordn_v[a_loc, :]
        labsn = plsc.load_gather(labels_v, [idxn])
        bpvn = jnp.where(labsn != li_v, iota, BIGI)
        bn = jnp.min(bpvn)
        fndn = bn < KN
        bnc = jnp.minimum(bn, KN - 1)
        chn = jnp.min(plsc.load_gather(ordn_v, [splat_i(a_loc), splat_i(bnc)]))
        store1(neg_v, a_loc, jnp.where(fndn, chn, 0))
        store1(nf_v, a_loc, fndn.astype(jnp.int32))
        return carry

    lax.fori_loop(0, APT, scan_body, 0)

    def _fb_scan(i_glob, li_v, ord_hbm, is_pos):
        def cond(c):
            k, fnd, _ = c
            return jnp.logical_and(fnd == 0, k < B)

        def body(c):
            k, fnd, ch = c
            off = pl.multiple_of(i_glob * B + k, FB)
            pltpu.sync_copy(ord_hbm.at[pl.ds(off, FB)], fb_v)
            bpv = jnp.full((L,), BIGI, jnp.int32)
            for s in range(FB // L):
                idx16 = fb_v[pl.ds(s * L, L)]
                labs = plsc.load_gather(labels_v, [idx16])
                if is_pos:
                    m = jnp.logical_and(labs == li_v, idx16 != i_glob)
                else:
                    m = labs != li_v
                bpv = jnp.minimum(bpv, jnp.where(m, iota + (s * L), BIGI))
            bp = jnp.min(bpv)
            f2 = bp < FB
            ch2 = read1(fb_v, jnp.minimum(bp, FB - 1))
            return (k + FB, f2.astype(jnp.int32), jnp.where(f2, ch2, ch))

        return lax.while_loop(
            cond, body, (jnp.int32(0), jnp.int32(0), jnp.int32(0)))

    def fix_body(a_loc, carry):
        i_glob = base + a_loc
        li_v = plsc.load_gather(labels_v, [splat_i(i_glob)])

        @pl.when(read1(pf_v, a_loc) == 0)
        def _():
            _, fnd, ch = _fb_scan(i_glob, li_v, ordpf_hbm, True)
            store1(pos_v, a_loc, ch)
            store1(pf_v, a_loc, fnd)

        @pl.when(read1(nf_v, a_loc) == 0)
        def _():
            _, fnd, ch = _fb_scan(i_glob, li_v, ordnf_hbm, False)
            store1(neg_v, a_loc, ch)
            store1(nf_v, a_loc, fnd)

        return carry

    lax.fori_loop(0, APT, fix_body, 0)

    pltpu.async_copy(emb_hbm.at[pos_v], p_v, sem).wait()
    pltpu.async_copy(emb_hbm.at[neg_v], n_v, sem).wait()

    def dist_body(a_loc, carry):
        accp = jnp.zeros((L,), jnp.float32)
        accn = jnp.zeros((L,), jnp.float32)
        for c in range(D // L):
            av = a_v[a_loc, pl.ds(c * L, L)]
            pv = p_v[a_loc, pl.ds(c * L, L)]
            nv = n_v[a_loc, pl.ds(c * L, L)]
            dp = av - pv + EPS
            accp = accp + dp * dp
            dn = av - nv + EPS
            accn = accn + dn * dn
        store1(sap_v, a_loc, jnp.sum(accp))
        store1(san_v, a_loc, jnp.sum(accn))
        return carry

    lax.fori_loop(0, APT, dist_body, 0)

    s_acc = jnp.zeros((L,), jnp.float32)
    c_acc = jnp.zeros((L,), jnp.float32)
    for g in range(APT // L):
        sap = sap_v[pl.ds(g * L, L)]
        san = san_v[pl.ds(g * L, L)]
        hinge = jnp.maximum(_sqrt16(sap) - _sqrt16(san) + MARGIN, 0.0)
        vf = (pf_v[pl.ds(g * L, L)] * nf_v[pl.ds(g * L, L)]).astype(jnp.float32)
        s_acc = s_acc + hinge * vf
        c_acc = c_acc + vf
    sum_v[...] = s_acc
    cnt_v[...] = c_acc
    pltpu.sync_copy(sum_v, sum_out.at[wid])
    pltpu.sync_copy(cnt_v, cnt_out.at[wid])


def kernel(embeddings, labels):
    sums, cnts = _triplet_sc(embeddings, labels, _ORDP_PRE, _ORDN_PRE,
                             _ORDP_FULL.reshape(B * B), _ORDN_FULL.reshape(B * B))
    total = jnp.sum(sums)
    nv = jnp.sum(cnts)
    return jnp.where(nv > 0, total / jnp.maximum(nv, 1.0), 0.0)

# --- scband reference (transcript-rebuilt; emitter-appended) ---
"""Pipeline reference for scband-triplet-loss-wrapper-19731079758399 (READ-ONLY COPY).

The authoritative reference and input builder live on the scoring server;
editing this copy changes nothing except your own understanding.
"""

import jax, jax.numpy as jnp
import numpy as np


def setup_inputs(seed: int = 0) -> dict:
    key = jax.random.key(seed)
    k1, k2 = jax.random.split(key)
    embeddings = jax.random.normal(k1, (4096, 64), dtype=jnp.float32)
    labels = jax.random.randint(k2, (4096,), 0, 100, dtype=jnp.int32)
    return {"embeddings": embeddings, "labels": labels}


def _triplet_forward(embeddings, labels, margin=1.0):
    B = embeddings.shape[0]
    # Pairwise same-label mask; exclude self for positives.
    same = labels[:, None] == labels[None, :]
    eye = jnp.eye(B, dtype=bool)
    pos_mask = same & (~eye)
    neg_mask = ~same
    # Deterministic replacement for torch.randint sampling: pick a uniformly
    # random positive / negative per anchor via the Gumbel/argmax-of-uniform trick.
    kr = jax.random.key(42)
    ka, kb = jax.random.split(kr)
    rp = jax.random.uniform(ka, (B, B), dtype=jnp.float32)
    rn = jax.random.uniform(kb, (B, B), dtype=jnp.float32)
    pos_scores = jnp.where(pos_mask, rp, -jnp.inf)
    neg_scores = jnp.where(neg_mask, rn, -jnp.inf)
    pos_choice = jnp.argmax(pos_scores, axis=1)
    neg_choice = jnp.argmax(neg_scores, axis=1)
    valid = pos_mask.any(axis=1) & neg_mask.any(axis=1)
    a = embeddings
    p = jnp.take(embeddings, pos_choice, axis=0)
    n = jnp.take(embeddings, neg_choice, axis=0)
    # torch F.pairwise_distance adds eps=1e-6 to the difference before the norm.
    eps = 1e-6
    d_ap = jnp.sqrt(jnp.sum((a - p + eps) ** 2, axis=-1))
    d_an = jnp.sqrt(jnp.sum((a - n + eps) ** 2, axis=-1))
    loss = jnp.maximum(d_ap - d_an + margin, 0.0)
    num_valid = jnp.sum(valid.astype(jnp.float32))
    total = jnp.sum(jnp.where(valid, loss, 0.0))
    return jnp.where(num_valid > 0, total / jnp.maximum(num_valid, 1.0), 0.0)


def reference(embeddings, labels):
    return _triplet_forward(embeddings, labels, margin=1.0)

if __name__ == "__main__":
    import jax
    _d = setup_inputs()
    print(jax.jit(kernel)(*tuple(_d.values())))

</pallas_src>

<mosaic_0001>
#map = affine_map<(d0, d1) -> (0, 0)>
#map1 = affine_map<(d0, d1) -> (0)>
module attributes {stable_mosaic.version = 14 : i64} {
  func.func @_triplet_sc(%arg0: i32, %arg1: i32, %arg2: memref<4096x64xf32, #tpu.memory_space<hbm>>, %arg3: memref<4096xi32, #tpu.memory_space<hbm>>, %arg4: memref<4096x256xi32, #tpu.memory_space<hbm>>, %arg5: memref<4096x16xi32, #tpu.memory_space<hbm>>, %arg6: memref<16777216xi32, #tpu.memory_space<hbm>>, %arg7: memref<16777216xi32, #tpu.memory_space<hbm>>, %arg8: memref<32x16xf32, #tpu.memory_space<hbm>>, %arg9: memref<32x16xf32, #tpu.memory_space<hbm>>, %arg10: memref<4096xi32, #tpu.memory_space<vmem>>, %arg11: memref<128x256xi32, #tpu.memory_space<vmem>>, %arg12: memref<128x16xi32, #tpu.memory_space<vmem>>, %arg13: memref<512xi32, #tpu.memory_space<vmem>>, %arg14: memref<128xi32, #tpu.memory_space<vmem>>, %arg15: memref<128xi32, #tpu.memory_space<vmem>>, %arg16: memref<128xi32, #tpu.memory_space<vmem>>, %arg17: memref<128xi32, #tpu.memory_space<vmem>>, %arg18: memref<128x64xf32, #tpu.memory_space<vmem>>, %arg19: memref<128x64xf32, #tpu.memory_space<vmem>>, %arg20: memref<128x64xf32, #tpu.memory_space<vmem>>, %arg21: memref<128xf32, #tpu.memory_space<vmem>>, %arg22: memref<128xf32, #tpu.memory_space<vmem>>, %arg23: memref<16xf32, #tpu.memory_space<vmem>>, %arg24: memref<16xf32, #tpu.memory_space<vmem>>, %arg25: memref<!tpu.dma_semaphore, #tpu.memory_space<semaphore_mem>>) attributes {dimension_semantics = [#tpu.dimension_semantics<core_parallel>, #tpu.dimension_semantics<subcore_parallel>], iteration_bounds = array<i64: 2, 16>, scalar_prefetch = 0 : i64, scratch_operands = 16 : i64, tpu.core_type = #tpu.core_type<sc_vector_subcore>, window_params = [{transform_indices = #map}, {transform_indices = #map1}, {transform_indices = #map}, {transform_indices = #map}, {transform_indices = #map1}, {transform_indices = #map1}, {transform_indices = #map}, {transform_indices = #map}]} {
    %mul3A = arith.constant 2 : i32
    %mul3A_0 = arith.muli %arg1, %mul3A : i32
    %add3A = arith.addi %mul3A_0, %arg0 : i32
    %mul3A_1 = arith.constant 128 : i32
    %mul3A_2 = arith.muli %add3A, %mul3A_1 : i32
    %iota3A = tpu.iota {dimensions = array<i32: 0>} : vector<16xi32>
    %eq3A = arith.constant 0 : i32
    %eq3A_3 = vector.broadcast %eq3A : i32 to vector<16xi32>
    %eq3A_4 = arith.cmpi eq, %iota3A, %eq3A_3 : vector<16xi32>
    "tpu.region"() ({
      %run_scoped3A = tpu.sem_alloc : memref<!tpu.dma_semaphore, #tpu.memory_space<semaphore_mem>>
      tpu.enqueue_dma source(%arg3 : memref<4096xi32, #tpu.memory_space<hbm>>) target(%arg10 : memref<4096xi32, #tpu.memory_space<vmem>>) target_semaphore(%run_scoped3A : memref<!tpu.dma_semaphore, #tpu.memory_space<semaphore_mem>>)
      tpu.wait_dma2 semaphore(%run_scoped3A : memref<!tpu.dma_semaphore, #tpu.memory_space<semaphore_mem>>) src(%arg3 : memref<4096xi32, #tpu.memory_space<hbm>>) dst(%arg10 : memref<4096xi32, #tpu.memory_space<vmem>>)
      tpu.yield
    }) : () -> ()
    "tpu.region"() ({
      %run_scoped3A = tpu.sem_alloc : memref<!tpu.dma_semaphore, #tpu.memory_space<semaphore_mem>>
      %dma_start3A_639 = arith.constant 0 : i32
      %dma_start3A_640 = tpu.memref_slice %arg4[%mul3A_2, %dma_start3A_639] : memref<4096x256xi32, #tpu.memory_space<hbm>> -> memref<128x256xi32, #tpu.memory_space<hbm>>
      %dma_start3A_641 = arith.constant 0 : i32
      %dma_start3A_642 = tpu.memref_slice %arg4[%mul3A_2, %dma_start3A_641] : memref<4096x256xi32, #tpu.memory_space<hbm>> -> memref<128x256xi32, #tpu.memory_space<hbm>>
      tpu.enqueue_dma source(%dma_start3A_642 : memref<128x256xi32, #tpu.memory_space<hbm>>) target(%arg11 : memref<128x256xi32, #tpu.memory_space<vmem>>) target_semaphore(%run_scoped3A : memref<!tpu.dma_semaphore, #tpu.memory_space<semaphore_mem>>)
      %dma_wait3A_643 = arith.constant 0 : i32
      %dma_wait3A_644 = tpu.memref_slice %arg4[%mul3A_2, %dma_wait3A_643] : memref<4096x256xi32, #tpu.memory_space<hbm>> -> memref<128x256xi32, #tpu.memory_space<hbm>>
      %dma_wait3A_645 = arith.constant 0 : i32
      %dma_wait3A_646 = tpu.memref_slice %arg4[%mul3A_2, %dma_wait3A_645] : memref<4096x256xi32, #tpu.memory_space<hbm>> -> memref<128x256xi32, #tpu.memory_space<hbm>>
      tpu.wait_dma2 semaphore(%run_scoped3A : memref<!tpu.dma_semaphore, #tpu.memory_space<semaphore_mem>>) src(%dma_wait3A_646 : memref<128x256xi32, #tpu.memory_space<hbm>>) dst(%arg11 : memref<128x256xi32, #tpu.memory_space<vmem>>)
      tpu.yield
    }) : () -> ()
    "tpu.region"() ({
      %run_scoped3A = tpu.sem_alloc : memref<!tpu.dma_semaphore, #tpu.memory_space<semaphore_mem>>
      %dma_start3A_639 = arith.constant 0 : i32
      %dma_start3A_640 = tpu.memref_slice %arg5[%mul3A_2, %dma_start3A_639] : memref<4096x16xi32, #tpu.memory_space<hbm>> -> memref<128x16xi32, #tpu.memory_space<hbm>>
      %dma_start3A_641 = arith.constant 0 : i32
      %dma_start3A_642 = tpu.memref_slice %arg5[%mul3A_2, %dma_start3A_641] : memref<4096x16xi32, #tpu.memory_space<hbm>> -> memref<128x16xi32, #tpu.memory_space<hbm>>
      tpu.enqueue_dma source(%dma_start3A_642 : memref<128x16xi32, #tpu.memory_space<hbm>>) target(%arg12 : memref<128x16xi32, #tpu.memory_space<vmem>>) target_semaphore(%run_scoped3A : memref<!tpu.dma_semaphore, #tpu.memory_space<semaphore_mem>>)
      %dma_wait3A_643 = arith.constant 0 : i32
      %dma_wait3A_644 = tpu.memref_slice %arg5[%mul3A_2, %dma_wait3A_643] : memref<4096x16xi32, #tpu.memory_space<hbm>> -> memref<128x16xi32, #tpu.memory_space<hbm>>
      %dma_wait3A_645 = arith.constant 0 : i32
      %dma_wait3A_646 = tpu.memref_slice %arg5[%mul3A_2, %dma_wait3A_645] : memref<4096x16xi32, #tpu.memory_space<hbm>> -> memref<128x16xi32, #tpu.memory_space<hbm>>
      tpu.wait_dma2 semaphore(%run_scoped3A : memref<!tpu.dma_semaphore, #tpu.memory_space<semaphore_mem>>) src(%dma_wait3A_646 : memref<128x16xi32, #tpu.memory_space<hbm>>) dst(%arg12 : memref<128x16xi32, #tpu.memory_space<vmem>>)
      tpu.yield
    }) : () -> ()
    "tpu.region"() ({
      %run_scoped3A = tpu.sem_alloc : memref<!tpu.dma_semaphore, #tpu.memory_space<semaphore_mem>>
      %dma_start3A_639 = arith.constant 0 : i32
      %dma_start3A_640 = tpu.memref_slice %arg2[%mul3A_2, %dma_start3A_639] : memref<4096x64xf32, #tpu.memory_space<hbm>> -> memref<128x64xf32, #tpu.memory_space<hbm>>
      %dma_start3A_641 = arith.constant 0 : i32
      %dma_start3A_642 = tpu.memref_slice %arg2[%mul3A_2, %dma_start3A_641] : memref<4096x64xf32, #tpu.memory_space<hbm>> -> memref<128x64xf32, #tpu.memory_space<hbm>>
      tpu.enqueue_dma source(%dma_start3A_642 : memref<128x64xf32, #tpu.memory_space<hbm>>) target(%arg18 : memref<128x64xf32, #tpu.memory_space<vmem>>) target_semaphore(%run_scoped3A : memref<!tpu.dma_semaphore, #tpu.memory_space<semaphore_mem>>)
      %dma_wait3A_643 = arith.constant 0 : i32
      %dma_wait3A_644 = tpu.memref_slice %arg2[%mul3A_2, %dma_wait3A_643] : memref<4096x64xf32, #tpu.memory_space<hbm>> -> memref<128x64xf32, #tpu.memory_space<hbm>>
      %dma_wait3A_645 = arith.constant 0 : i32
      %dma_wait3A_646 = tpu.memref_slice %arg2[%mul3A_2, %dma_wait3A_645] : memref<4096x64xf32, #tpu.memory_space<hbm>> -> memref<128x64xf32, #tpu.memory_space<hbm>>
      tpu.wait_dma2 semaphore(%run_scoped3A : memref<!tpu.dma_semaphore, #tpu.memory_space<semaphore_mem>>) src(%dma_wait3A_646 : memref<128x64xf32, #tpu.memory_space<hbm>>) dst(%arg18 : memref<128x64xf32, #tpu.memory_space<vmem>>)
      tpu.yield
    }) : () -> ()
    %scan3A = arith.constant 0 : i32
    %scan3A_5 = arith.constant 0 : i32
    %scan3A_6 = arith.constant 128 : i32
    %scan3A_7 = arith.addi %scan3A_5, %scan3A_6 : i32
    %scan3A_8 = arith.constant 1 : i32
    scf.for %scan3A_639 = %scan3A_5 to %scan3A_7 step %scan3A_8  : i32 {
      %add3A_640 = arith.addi %mul3A_2, %scan3A_639 : i32
      %broadcast_in_dim3A_641 = vector.broadcast %add3A_640 : i32 to vector<16xi32>
      %gather3A = tpu.vector_load_idx %arg10[%broadcast_in_dim3A_641] : memref<4096xi32, #tpu.memory_space<vmem>>[vector<16xi32>], vector<16xi32>,
      %broadcast_in_dim3A_642 = arith.constant 1073741824 : i32
      %broadcast_in_dim3A_643 = vector.broadcast %broadcast_in_dim3A_642 : i32 to vector<16xi32>
      %get3A_644 = arith.index_cast %scan3A_639 : i32 to index
      %get3A_645 = arith.constant 0 : index
      %get3A_646 = tpu.vector_load %arg11[%get3A_644, %get3A_645] {strides = array<i32>} : memref<128x256xi32, #tpu.memory_space<vmem>>, vector<16xi32>,
      %gather3A_647 = tpu.vector_load_idx %arg10[%get3A_646] : memref<4096xi32, #tpu.memory_space<vmem>>[vector<16xi32>], vector<16xi32>,
      %eq3A_648 = arith.cmpi eq, %gather3A_647, %gather3A : vector<16xi32>
      %ne3A = vector.broadcast %add3A_640 : i32 to vector<16xi32>
      %ne3A_649 = arith.cmpi ne, %get3A_646, %ne3A : vector<16xi32>
      %and3A = arith.andi %eq3A_648, %ne3A_649 : vector<16xi1>
      %add3A_650 = arith.constant 0 : i32
      %add3A_651 = vector.broadcast %add3A_650 : i32 to vector<16xi32>
      %add3A_652 = arith.addi %iota3A, %add3A_651 : vector<16xi32>
      %jit3A = arith.constant 1073741824 : i32
      %broadcast_in_dim3A_653 = vector.broadcast %jit3A : i32 to vector<16xi32>
      %select_n3A = arith.select %and3A, %add3A_652, %broadcast_in_dim3A_653 : vector<16xi1>, vector<16xi32>
      %min3A = arith.minsi %broadcast_in_dim3A_643, %select_n3A : vector<16xi32>
      %get3A_654 = arith.index_cast %scan3A_639 : i32 to index
      %get3A_655 = arith.constant 16 : index
      %get3A_656 = tpu.vector_load %arg11[%get3A_654, %get3A_655] {strides = array<i32>} : memref<128x256xi32, #tpu.memory_space<vmem>>, vector<16xi32>,
      %gather3A_657 = tpu.vector_load_idx %arg10[%get3A_656] : memref<4096xi32, #tpu.memory_space<vmem>>[vector<16xi32>], vector<16xi32>,
      %eq3A_658 = arith.cmpi eq, %gather3A_657, %gather3A : vector<16xi32>
      %ne3A_659 = vector.broadcast %add3A_640 : i32 to vector<16xi32>
      %ne3A_660 = arith.cmpi ne, %get3A_656, %ne3A_659 : vector<16xi32>
      %and3A_661 = arith.andi %eq3A_658, %ne3A_660 : vector<16xi1>
      %add3A_662 = arith.constant 16 : i32
      %add3A_663 = vector.broadcast %add3A_662 : i32 to vector<16xi32>
      %add3A_664 = arith.addi %iota3A, %add3A_663 : vector<16xi32>
      %jit3A_665 = arith.constant 1073741824 : i32
      %broadcast_in_dim3A_666 = vector.broadcast %jit3A_665 : i32 to vector<16xi32>
      %select_n3A_667 = arith.select %and3A_661, %add3A_664, %broadcast_in_dim3A_666 : vector<16xi1>, vector<16xi32>
      %min3A_668 = arith.minsi %min3A, %select_n3A_667 : vector<16xi32>
      %get3A_669 = arith.index_cast %scan3A_639 : i32 to index
      %get3A_670 = arith.constant 32 : index
      %get3A_671 = tpu.vector_load %arg11[%get3A_669, %get3A_670] {strides = array<i32>} : memref<128x256xi32, #tpu.memory_space<vmem>>, vector<16xi32>,
      %gather3A_672 = tpu.vector_load_idx %arg10[%get3A_671] : memref<4096xi32, #tpu.memory_space<vmem>>[vector<16xi32>], vector<16xi32>,
      %eq3A_673 = arith.cmpi eq, %gather3A_672, %gather3A : vector<16xi32>
      %ne3A_674 = vector.broadcast %add3A_640 : i32 to vector<16xi32>
      %ne3A_675 = arith.cmpi ne, %get3A_671, %ne3A_674 : vector<16xi32>
      %and3A_676 = arith.andi %eq3A_673, %ne3A_675 : vector<16xi1>
      %add3A_677 = arith.constant 32 : i32
      %add3A_678 = vector.broadcast %add3A_677 : i32 to vector<16xi32>
      %add3A_679 = arith.addi %iota3A, %add3A_678 : vector<16xi32>
      %jit3A_680 = arith.constant 1073741824 : i32
      %broadcast_in_dim3A_681 = vector.broadcast %jit3A_680 : i32 to vector<16xi32>
      %select_n3A_682 = arith.select %and3A_676, %add3A_679, %broadcast_in_dim3A_681 : vector<16xi1>, vector<16xi32>
      %min3A_683 = arith.minsi %min3A_668, %select_n3A_682 : vector<16xi32>
      %get3A_684 = arith.index_cast %scan3A_639 : i32 to index
      %get3A_685 = arith.constant 48 : index
      %get3A_686 = tpu.vector_load %arg11[%get3A_684, %get3A_685] {strides = array<i32>} : memref<128x256xi32, #tpu.memory_space<vmem>>, vector<16xi32>,
      %gather3A_687 = tpu.vector_load_idx %arg10[%get3A_686] : memref<4096xi32, #tpu.memory_space<vmem>>[vector<16xi32>], vector<16xi32>,
      %eq3A_688 = arith.cmpi eq, %gather3A_687, %gather3A : vector<16xi32>
      %ne3A_689 = vector.broadcast %add3A_640 : i32 to vector<16xi32>
      %ne3A_690 = arith.cmpi ne, %get3A_686, %ne3A_689 : vector<16xi32>
      %and3A_691 = arith.andi %eq3A_688, %ne3A_690 : vector<16xi1>
      %add3A_692 = arith.constant 48 : i32
      %add3A_693 = vector.broadcast %add3A_692 : i32 to vector<16xi32>
      %add3A_694 = arith.addi %iota3A, %add3A_693 : vector<16xi32>
      %jit3A_695 = arith.constant 1073741824 : i32
      %broadcast_in_dim3A_696 = vector.broadcast %jit3A_695 : i32 to vector<16xi32>
      %select_n3A_697 = arith.select %and3A_691, %add3A_694, %broadcast_in_dim3A_696 : vector<16xi1>, vector<16xi32>
      %min3A_698 = arith.minsi %min3A_683, %select_n3A_697 : vector<16xi32>
      %get3A_699 = arith.index_cast %scan3A_639 : i32 to index
      %get3A_700 = arith.constant 64 : index
      %get3A_701 = tpu.vector_load %arg11[%get3A_699, %get3A_700] {strides = array<i32>} : memref<128x256xi32, #tpu.memory_space<vmem>>, vector<16xi32>,
      %gather3A_702 = tpu.vector_load_idx %arg10[%get3A_701] : memref<4096xi32, #tpu.memory_space<vmem>>[vector<16xi32>], vector<16xi32>,
      %eq3A_703 = arith.cmpi eq, %gather3A_702, %gather3A : vector<16xi32>
      %ne3A_704 = vector.broadcast %add3A_640 : i32 to vector<16xi32>
      %ne3A_705 = arith.cmpi ne, %get3A_701, %ne3A_704 : vector<16xi32>
      %and3A_706 = arith.andi %eq3A_703, %ne3A_705 : vector<16xi1>
      %add3A_707 = arith.constant 64 : i32
      %add3A_708 = vector.broadcast %add3A_707 : i32 to vector<16xi32>
      %add3A_709 = arith.addi %iota3A, %add3A_708 : vector<16xi32>
      %jit3A_710 = arith.constant 1073741824 : i32
      %broadcast_in_dim3A_711 = vector.broadcast %jit3A_710 : i32 to vector<16xi32>
      %select_n3A_712 = arith.select %and3A_706, %add3A_709, %broadcast_in_dim3A_711 : vector<16xi1>, vector<16xi32>
      %min3A_713 = arith.minsi %min3A_698, %select_n3A_712 : vector<16xi32>
      %get3A_714 = arith.index_cast %scan3A_639 : i32 to index
      %get3A_715 = arith.constant 80 : index
      %get3A_716 = tpu.vector_load %arg11[%get3A_714, %get3A_715] {strides = array<i32>} : memref<128x256xi32, #tpu.memory_space<vmem>>, vector<16xi32>,
      %gather3A_717 = tpu.vector_load_idx %arg10[%get3A_716] : memref<4096xi32, #tpu.memory_space<vmem>>[vector<16xi32>], vector<16xi32>,
      %eq3A_718 = arith.cmpi eq, %gather3A_717, %gather3A : vector<16xi32>
      %ne3A_719 = vector.broadcast %add3A_640 : i32 to vector<16xi32>
      %ne3A_720 = arith.cmpi ne, %get3A_716, %ne3A_719 : vector<16xi32>
      %and3A_721 = arith.andi %eq3A_718, %ne3A_720 : vector<16xi1>
      %add3A_722 = arith.constant 80 : i32
      %add3A_723 = vector.broadcast %add3A_722 : i32 to vector<16xi32>
      %add3A_724 = arith.addi %iota3A, %add3A_723 : vector<16xi32>
      %jit3A_725 = arith.constant 1073741824 : i32
      %broadcast_in_dim3A_726 = vector.broadcast %jit3A_725 : i32 to vector<16xi32>
      %select_n3A_727 = arith.select %and3A_721, %add3A_724, %broadcast_in_dim3A_726 : vector<16xi1>, vector<16xi32>
      %min3A_728 = arith.minsi %min3A_713, %select_n3A_727 : vector<16xi32>
      %get3A_729 = arith.index_cast %scan3A_639 : i32 to index
      %get3A_730 = arith.constant 96 : index
      %get3A_731 = tpu.vector_load %arg11[%get3A_729, %get3A_730] {strides = array<i32>} : memref<128x256xi32, #tpu.memory_space<vmem>>, vector<16xi32>,
      %gather3A_732 = tpu.vector_load_idx %arg10[%get3A_731] : memref<4096xi32, #tpu.memory_space<vmem>>[vector<16xi32>], vector<16xi32>,
      %eq3A_733 = arith.cmpi eq, %gather3A_732, %gather3A : vector<16xi32>
      %ne3A_734 = vector.broadcast %add3A_640 : i32 to vector<16xi32>
      %ne3A_735 = arith.cmpi ne, %get3A_731, %ne3A_734 : vector<16xi32>
      %and3A_736 = arith.andi %eq3A_733, %ne3A_735 : vector<16xi1>
      %add3A_737 = arith.constant 96 : i32
      %add3A_738 = vector.broadcast %add3A_737 : i32 to vector<16xi32>
      %add3A_739 = arith.addi %iota3A, %add3A_738 : vector<16xi32>
      %jit3A_740 = arith.constant 1073741824 : i32
      %broadcast_in_dim3A_741 = vector.broadcast %jit3A_740 : i32 to vector<16xi32>
      %select_n3A_742 = arith.select %and3A_736, %add3A_739, %broadcast_in_dim3A_741 : vector<16xi1>, vector<16xi32>
      %min3A_743 = arith.minsi %min3A_728, %select_n3A_742 : vector<16xi32>
      %get3A_744 = arith.index_cast %scan3A_639 : i32 to index
      %get3A_745 = arith.constant 112 : index
      %get3A_746 = tpu.vector_load %arg11[%get3A_744, %get3A_745] {strides = array<i32>} : memref<128x256xi32, #tpu.memory_space<vmem>>, vector<16xi32>,
      %gather3A_747 = tpu.vector_load_idx %arg10[%get3A_746] : memref<4096xi32, #tpu.memory_space<vmem>>[vector<16xi32>], vector<16xi32>,
      %eq3A_748 = arith.cmpi eq, %gather3A_747, %gather3A : vector<16xi32>
      %ne3A_749 = vector.broadcast %add3A_640 : i32 to vector<16xi32>
      %ne3A_750 = arith.cmpi ne, %get3A_746, %ne3A_749 : vector<16xi32>
      %and3A_751 = arith.andi %eq3A_748, %ne3A_750 : vector<16xi1>
      %add3A_752 = arith.constant 112 : i32
      %add3A_753 = vector.broadcast %add3A_752 : i32 to vector<16xi32>
      %add3A_754 = arith.addi %iota3A, %add3A_753 : vector<16xi32>
      %jit3A_755 = arith.constant 1073741824 : i32
      %broadcast_in_dim3A_756 = vector.broadcast %jit3A_755 : i32 to vector<16xi32>
      %select_n3A_757 = arith.select %and3A_751, %add3A_754, %broadcast_in_dim3A_756 : vector<16xi1>, vector<16xi32>
      %min3A_758 = arith.minsi %min3A_743, %select_n3A_757 : vector<16xi32>
      %get3A_759 = arith.index_cast %scan3A_639 : i32 to index
      %get3A_760 = arith.constant 128 : index
      %get3A_761 = tpu.vector_load %arg11[%get3A_759, %get3A_760] {strides = array<i32>} : memref<128x256xi32, #tpu.memory_space<vmem>>, vector<16xi32>,
      %gather3A_762 = tpu.vector_load_idx %arg10[%get3A_761] : memref<4096xi32, #tpu.memory_space<vmem>>[vector<16xi32>], vector<16xi32>,
      %eq3A_763 = arith.cmpi eq, %gather3A_762, %gather3A : vector<16xi32>
      %ne3A_764 = vector.broadcast %add3A_640 : i32 to vector<16xi32>
      %ne3A_765 = arith.cmpi ne, %get3A_761, %ne3A_764 : vector<16xi32>
      %and3A_766 = arith.andi %eq3A_763, %ne3A_765 : vector<16xi1>
      %add3A_767 = arith.constant 128 : i32
      %add3A_768 = vector.broadcast %add3A_767 : i32 to vector<16xi32>
      %add3A_769 = arith.addi %iota3A, %add3A_768 : vector<16xi32>
      %jit3A_770 = arith.constant 1073741824 : i32
      %broadcast_in_dim3A_771 = vector.broadcast %jit3A_770 : i32 to vector<16xi32>
      %select_n3A_772 = arith.select %and3A_766, %add3A_769, %broadcast_in_dim3A_771 : vector<16xi1>, vector<16xi32>
      %min3A_773 = arith.minsi %min3A_758, %select_n3A_772 : vector<16xi32>
      %get3A_774 = arith.index_cast %scan3A_639 : i32 to index
      %get3A_775 = arith.constant 144 : index
      %get3A_776 = tpu.vector_load %arg11[%get3A_774, %get3A_775] {strides = array<i32>} : memref<128x256xi32, #tpu.memory_space<vmem>>, vector<16xi32>,
      %gather3A_777 = tpu.vector_load_idx %arg10[%get3A_776] : memref<4096xi32, #tpu.memory_space<vmem>>[vector<16xi32>], vector<16xi32>,
      %eq3A_778 = arith.cmpi eq, %gather3A_777, %gather3A : vector<16xi32>
      %ne3A_779 = vector.broadcast %add3A_640 : i32 to vector<16xi32>
      %ne3A_780 = arith.cmpi ne, %get3A_776, %ne3A_779 : vector<16xi32>
      %and3A_781 = arith.andi %eq3A_778, %ne3A_780 : vector<16xi1>
      %add3A_782 = arith.constant 144 : i32
      %add3A_783 = vector.broadcast %add3A_782 : i32 to vector<16xi32>
      %add3A_784 = arith.addi %iota3A, %add3A_783 : vector<16xi32>
      %jit3A_785 = arith.constant 1073741824 : i32
      %broadcast_in_dim3A_786 = vector.broadcast %jit3A_785 : i32 to vector<16xi32>
      %select_n3A_787 = arith.select %and3A_781, %add3A_784, %broadcast_in_dim3A_786 : vector<16xi1>, vector<16xi32>
      %min3A_788 = arith.minsi %min3A_773, %select_n3A_787 : vector<16xi32>
      %get3A_789 = arith.index_cast %scan3A_639 : i32 to index
      %get3A_790 = arith.constant 160 : index
      %get3A_791 = tpu.vector_load %arg11[%get3A_789, %get3A_790] {strides = array<i32>} : memref<128x256xi32, #tpu.memory_space<vmem>>, vector<16xi32>,
      %gather3A_792 = tpu.vector_load_idx %arg10[%get3A_791] : memref<4096xi32, #tpu.memory_space<vmem>>[vector<16xi32>], vector<16xi32>,
      %eq3A_793 = arith.cmpi eq, %gather3A_792, %gather3A : vector<16xi32>
      %ne3A_794 = vector.broadcast %add3A_640 : i32 to vector<16xi32>
      %ne3A_795 = arith.cmpi ne, %get3A_791, %ne3A_794 : vector<16xi32>
      %and3A_796 = arith.andi %eq3A_793, %ne3A_795 : vector<16xi1>
      %add3A_797 = arith.constant 160 : i32
      %add3A_798 = vector.broadcast %add3A_797 : i32 to vector<16xi32>
      %add3A_799 = arith.addi %iota3A, %add3A_798 : vector<16xi32>
      %jit3A_800 = arith.constant 1073741824 : i32
      %broadcast_in_dim3A_801 = vector.broadcast %jit3A_800 : i32 to vector<16xi32>
      %select_n3A_802 = arith.select %and3A_796, %add3A_799, %broadcast_in_dim3A_801 : vector<16xi1>, vector<16xi32>
      %min3A_803 = arith.minsi %min3A_788, %select_n3A_802 : vector<16xi32>
      %get3A_804 = arith.index_cast %scan3A_639 : i32 to index
      %get3A_805 = arith.constant 176 : index
      %get3A_806 = tpu.vector_load %arg11[%get3A_804, %get3A_805] {strides = array<i32>} : memref<128x256xi32, #tpu.memory_space<vmem>>, vector<16xi32>,
      %gather3A_807 = tpu.vector_load_idx %arg10[%get3A_806] : memref<4096xi32, #tpu.memory_space<vmem>>[vector<16xi32>], vector<16xi32>,
      %eq3A_808 = arith.cmpi eq, %gather3A_807, %gather3A : vector<16xi32>
      %ne3A_809 = vector.broadcast %add3A_640 : i32 to vector<16xi32>
      %ne3A_810 = arith.cmpi ne, %get3A_806, %ne3A_809 : vector<16xi32>
      %and3A_811 = arith.andi %eq3A_808, %ne3A_810 : vector<16xi1>
      %add3A_812 = arith.constant 176 : i32
      %add3A_813 = vector.broadcast %add3A_812 : i32 to vector<16xi32>
      %add3A_814 = arith.addi %iota3A, %add3A_813 : vector<16xi32>
      %jit3A_815 = arith.constant 1073741824 : i32
      %broadcast_in_dim3A_816 = vector.broadcast %jit3A_815 : i32 to vector<16xi32>
      %select_n3A_817 = arith.select %and3A_811, %add3A_814, %broadcast_in_dim3A_816 : vector<16xi1>, vector<16xi32>
      %min3A_818 = arith.minsi %min3A_803, %select_n3A_817 : vector<16xi32>
      %get3A_819 = arith.index_cast %scan3A_639 : i32 to index
      %get3A_820 = arith.constant 192 : index
      %get3A_821 = tpu.vector_load %arg11[%get3A_819, %get3A_820] {strides = array<i32>} : memref<128x256xi32, #tpu.memory_space<vmem>>, vector<16xi32>,
      %gather3A_822 = tpu.vector_load_idx %arg10[%get3A_821] : memref<4096xi32, #tpu.memory_space<vmem>>[vector<16xi32>], vector<16xi32>,
      %eq3A_823 = arith.cmpi eq, %gather3A_822, %gather3A : vector<16xi32>
      %ne3A_824 = vector.broadcast %add3A_640 : i32 to vector<16xi32>
      %ne3A_825 = arith.cmpi ne, %get3A_821, %ne3A_824 : vector<16xi32>
      %and3A_826 = arith.andi %eq3A_823, %ne3A_825 : vector<16xi1>
      %add3A_827 = arith.constant 192 : i32
      %add3A_828 = vector.broadcast %add3A_827 : i32 to vector<16xi32>
      %add3A_829 = arith.addi %iota3A, %add3A_828 : vector<16xi32>
      %jit3A_830 = arith.constant 1073741824 : i32
      %broadcast_in_dim3A_831 = vector.broadcast %jit3A_830 : i32 to vector<16xi32>
      %select_n3A_832 = arith.select %and3A_826, %add3A_829, %broadcast_in_dim3A_831 : vector<16xi1>, vector<16xi32>
      %min3A_833 = arith.minsi %min3A_818, %select_n3A_832 : vector<16xi32>
      %get3A_834 = arith.index_cast %scan3A_639 : i32 to index
      %get3A_835 = arith.constant 208 : index
      %get3A_836 = tpu.vector_load %arg11[%get3A_834, %get3A_835] {strides = array<i32>} : memref<128x256xi32, #tpu.memory_space<vmem>>, vector<16xi32>,
      %gather3A_837 = tpu.vector_load_idx %arg10[%get3A_836] : memref<4096xi32, #tpu.memory_space<vmem>>[vector<16xi32>], vector<16xi32>,
      %eq3A_838 = arith.cmpi eq, %gather3A_837, %gather3A : vector<16xi32>
      %ne3A_839 = vector.broadcast %add3A_640 : i32 to vector<16xi32>
      %ne3A_840 = arith.cmpi ne, %get3A_836, %ne3A_839 : vector<16xi32>
      %and3A_841 = arith.andi %eq3A_838, %ne3A_840 : vector<16xi1>
      %add3A_842 = arith.constant 208 : i32
      %add3A_843 = vector.broadcast %add3A_842 : i32 to vector<16xi32>
      %add3A_844 = arith.addi %iota3A, %add3A_843 : vector<16xi32>
      %jit3A_845 = arith.constant 1073741824 : i32
      %broadcast_in_dim3A_846 = vector.broadcast %jit3A_845 : i32 to vector<16xi32>
      %select_n3A_847 = arith.select %and3A_841, %add3A_844, %broadcast_in_dim3A_846 : vector<16xi1>, vector<16xi32>
      %min3A_848 = arith.minsi %min3A_833, %select_n3A_847 : vector<16xi32>
      %get3A_849 = arith.index_cast %scan3A_639 : i32 to index
      %get3A_850 = arith.constant 224 : index
      %get3A_851 = tpu.vector_load %arg11[%get3A_849, %get3A_850] {strides = array<i32>} : memref<128x256xi32, #tpu.memory_space<vmem>>, vector<16xi32>,
      %gather3A_852 = tpu.vector_load_idx %arg10[%get3A_851] : memref<4096xi32, #tpu.memory_space<vmem>>[vector<16xi32>], vector<16xi32>,
      %eq3A_853 = arith.cmpi eq, %gather3A_852, %gather3A : vector<16xi32>
      %ne3A_854 = vector.broadcast %add3A_640 : i32 to vector<16xi32>
      %ne3A_855 = arith.cmpi ne, %get3A_851, %ne3A_854 : vector<16xi32>
      %and3A_856 = arith.andi %eq3A_853, %ne3A_855 : vector<16xi1>
      %add3A_857 = arith.constant 224 : i32
      %add3A_858 = vector.broadcast %add3A_857 : i32 to vector<16xi32>
      %add3A_859 = arith.addi %iota3A, %add3A_858 : vector<16xi32>
      %jit3A_860 = arith.constant 1073741824 : i32
      %broadcast_in_dim3A_861 = vector.broadcast %jit3A_860 : i32 to vector<16xi32>
      %select_n3A_862 = arith.select %and3A_856, %add3A_859, %broadcast_in_dim3A_861 : vector<16xi1>, vector<16xi32>
      %min3A_863 = arith.minsi %min3A_848, %select_n3A_862 : vector<16xi32>
      %get3A_864 = arith.index_cast %scan3A_639 : i32 to index
      %get3A_865 = arith.constant 240 : index
      %get3A_866 = tpu.vector_load %arg11[%get3A_864, %get3A_865] {strides = array<i32>} : memref<128x256xi32, #tpu.memory_space<vmem>>, vector<16xi32>,
      %gather3A_867 = tpu.vector_load_idx %arg10[%get3A_866] : memref<4096xi32, #tpu.memory_space<vmem>>[vector<16xi32>], vector<16xi32>,
      %eq3A_868 = arith.cmpi eq, %gather3A_867, %gather3A : vector<16xi32>
      %ne3A_869 = vector.broadcast %add3A_640 : i32 to vector<16xi32>
      %ne3A_870 = arith.cmpi ne, %get3A_866, %ne3A_869 : vector<16xi32>
      %and3A_871 = arith.andi %eq3A_868, %ne3A_870 : vector<16xi1>
      %add3A_872 = arith.constant 240 : i32
      %add3A_873 = vector.broadcast %add3A_872 : i32 to vector<16xi32>
      %add3A_874 = arith.addi %iota3A, %add3A_873 : vector<16xi32>
      %jit3A_875 = arith.constant 1073741824 : i32
      %broadcast_in_dim3A_876 = vector.broadcast %jit3A_875 : i32 to vector<16xi32>
      %select_n3A_877 = arith.select %and3A_871, %add3A_874, %broadcast_in_dim3A_876 : vector<16xi1>, vector<16xi32>
      %min3A_878 = arith.minsi %min3A_863, %select_n3A_877 : vector<16xi32>
      %reduce_min3A = arith.constant true
      %reduce_min3A_879 = vector.broadcast %reduce_min3A : i1 to vector<16xi1>
      %reduce_min3A_880 = arith.constant -2147483648 : i32
      %reduce_min3A_881 = vector.broadcast %reduce_min3A_880 : i32 to vector<16xi32>
      %reduce_min3A_882 = arith.xori %min3A_878, %reduce_min3A_881 : vector<16xi32>
      %reduce_min3A_883 = tpu.scan <min>, %reduce_min3A_882 masked %reduce_min3A_879 : vector<16xi32>, vector<16xi1> -> vector<16xi32>
      %reduce_min3A_884 = arith.xori %reduce_min3A_883, %reduce_min3A_881 : vector<16xi32>
      %reduce_min3A_885 = vector.extract %reduce_min3A_884[15] : i32 from vector<16xi32>
      %lt3A = arith.constant 256 : i32
      %lt3A_886 = arith.cmpi slt, %reduce_min3A_885, %lt3A : i32
      %min3A_887 = arith.constant 255 : i32
      %min3A_888 = arith.minsi %reduce_min3A_885, %min3A_887 : i32
      %broadcast_in_dim3A_889 = vector.broadcast %scan3A_639 : i32 to vector<16xi32>
      %broadcast_in_dim3A_890 = vector.broadcast %min3A_888 : i32 to vector<16xi32>
      %gather3A_891 = tpu.vector_load_idx %arg11[%broadcast_in_dim3A_889, %broadcast_in_dim3A_890] : memref<128x256xi32, #tpu.memory_space<vmem>>[vector<16xi32>, vector<16xi32>], vector<16xi32>,
      %reduce_min3A_892 = arith.constant true
      %reduce_min3A_893 = vector.broadcast %reduce_min3A_892 : i1 to vector<16xi1>
      %reduce_min3A_894 = arith.constant -2147483648 : i32
      %reduce_min3A_895 = vector.broadcast %reduce_min3A_894 : i32 to vector<16xi32>
      %reduce_min3A_896 = arith.xori %gather3A_891, %reduce_min3A_895 : vector<16xi32>
      %reduce_min3A_897 = tpu.scan <min>, %reduce_min3A_896 masked %reduce_min3A_893 : vector<16xi32>, vector<16xi1> -> vector<16xi32>
      %reduce_min3A_898 = arith.xori %reduce_min3A_897, %reduce_min3A_895 : vector<16xi32>
      %reduce_min3A_899 = vector.extract %reduce_min3A_898[15] : i32 from vector<16xi32>
      %jit3A_900 = arith.constant 0 : i32
      %select_n3A_901 = arith.select %lt3A_886, %reduce_min3A_899, %jit3A_900 : i32
      %broadcast_in_dim3A_902 = vector.broadcast %scan3A_639 : i32 to vector<16xi32>
      %broadcast_in_dim3A_903 = vector.broadcast %select_n3A_901 : i32 to vector<16xi32>
      tpu.vector_store_idx %arg14[%broadcast_in_dim3A_902], %broadcast_in_dim3A_903 masked %eq3A_4 : memref<128xi32, #tpu.memory_space<vmem>>[vector<16xi32>], vector<16xi32>, vector<16xi1>
      %convert_element_type3A_904 = arith.extui %lt3A_886 : i1 to i32
      %broadcast_in_dim3A_905 = vector.broadcast %scan3A_639 : i32 to vector<16xi32>
      %broadcast_in_dim3A_906 = vector.broadcast %convert_element_type3A_904 : i32 to vector<16xi32>
      tpu.vector_store_idx %arg16[%broadcast_in_dim3A_905], %broadcast_in_dim3A_906 masked %eq3A_4 : memref<128xi32, #tpu.memory_space<vmem>>[vector<16xi32>], vector<16xi32>, vector<16xi1>
      %get3A_907 = arith.index_cast %scan3A_639 : i32 to index
      %get3A_908 = arith.constant 0 : index
      %get3A_909 = tpu.vector_load %arg12[%get3A_907, %get3A_908] {strides = array<i32>} : memref<128x16xi32, #tpu.memory_space<vmem>>, vector<16xi32>,
      %gather3A_910 = tpu.vector_load_idx %arg10[%get3A_909] : memref<4096xi32, #tpu.memory_space<vmem>>[vector<16xi32>], vector<16xi32>,
      %ne3A_911 = arith.cmpi ne, %gather3A_910, %gather3A : vector<16xi32>
      %jit3A_912 = arith.constant 1073741824 : i32
      %broadcast_in_dim3A_913 = vector.broadcast %jit3A_912 : i32 to vector<16xi32>
      %select_n3A_914 = arith.select %ne3A_911, %iota3A, %broadcast_in_dim3A_913 : vector<16xi1>, vector<16xi32>
      %reduce_min3A_915 = arith.constant true
      %reduce_min3A_916 = vector.broadcast %reduce_min3A_915 : i1 to vector<16xi1>
      %reduce_min3A_917 = arith.constant -2147483648 : i32
      %reduce_min3A_918 = vector.broadcast %reduce_min3A_917 : i32 to vector<16xi32>
      %reduce_min3A_919 = arith.xori %select_n3A_914, %reduce_min3A_918 : vector<16xi32>
      %reduce_min3A_920 = tpu.scan <min>, %reduce_min3A_919 masked %reduce_min3A_916 : vector<16xi32>, vector<16xi1> -> vector<16xi32>
      %reduce_min3A_921 = arith.xori %reduce_min3A_920, %reduce_min3A_918 : vector<16xi32>
      %reduce_min3A_922 = vector.extract %reduce_min3A_921[15] : i32 from vector<16xi32>
      %lt3A_923 = arith.constant 16 : i32
      %lt3A_924 = arith.cmpi slt, %reduce_min3A_922, %lt3A_923 : i32
      %min3A_925 = arith.constant 15 : i32
      %min3A_926 = arith.minsi %reduce_min3A_922, %min3A_925 : i32
      %broadcast_in_dim3A_927 = vector.broadcast %scan3A_639 : i32 to vector<16xi32>
      %broadcast_in_dim3A_928 = vector.broadcast %min3A_926 : i32 to vector<16xi32>
      %gather3A_929 = tpu.vector_load_idx %arg12[%broadcast_in_dim3A_927, %broadcast_in_dim3A_928] : memref<128x16xi32, #tpu.memory_space<vmem>>[vector<16xi32>, vector<16xi32>], vector<16xi32>,
      %reduce_min3A_930 = arith.constant true
      %reduce_min3A_931 = vector.broadcast %reduce_min3A_930 : i1 to vector<16xi1>
      %reduce_min3A_932 = arith.constant -2147483648 : i32
      %reduce_min3A_933 = vector.broadcast %reduce_min3A_932 : i32 to vector<16xi32>
      %reduce_min3A_934 = arith.xori %gather3A_929, %reduce_min3A_933 : vector<16xi32>
      %reduce_min3A_935 = tpu.scan <min>, %reduce_min3A_934 masked %reduce_min3A_931 : vector<16xi32>, vector<16xi1> -> vector<16xi32>
      %reduce_min3A_936 = arith.xori %reduce_min3A_935, %reduce_min3A_933 : vector<16xi32>
      %reduce_min3A_937 = vector.extract %reduce_min3A_936[15] : i32 from vector<16xi32>
      %jit3A_938 = arith.constant 0 : i32
      %select_n3A_939 = arith.select %lt3A_924, %reduce_min3A_937, %jit3A_938 : i32
      %broadcast_in_dim3A_940 = vector.broadcast %scan3A_639 : i32 to vector<16xi32>
      %broadcast_in_dim3A_941 = vector.broadcast %select_n3A_939 : i32 to vector<16xi32>
      tpu.vector_store_idx %arg15[%broadcast_in_dim3A_940], %broadcast_in_dim3A_941 masked %eq3A_4 : memref<128xi32, #tpu.memory_space<vmem>>[vector<16xi32>], vector<16xi32>, vector<16xi1>
      %convert_element_type3A_942 = arith.extui %lt3A_924 : i1 to i32
      %broadcast_in_dim3A_943 = vector.broadcast %scan3A_639 : i32 to vector<16xi32>
      %broadcast_in_dim3A_944 = vector.broadcast %convert_element_type3A_942 : i32 to vector<16xi32>
      tpu.vector_store_idx %arg17[%broadcast_in_dim3A_943], %broadcast_in_dim3A_944 masked %eq3A_4 : memref<128xi32, #tpu.memory_space<vmem>>[vector<16xi32>], vector<16xi32>, vector<16xi1>
    }
    %scan3A_9 = arith.constant 128 : i32
    %scan3A_10 = arith.constant 0 : i32
    %scan3A_11 = arith.constant 0 : i32
    %scan3A_12 = arith.constant 128 : i32
    %scan3A_13 = arith.addi %scan3A_11, %scan3A_12 : i32
    %scan3A_14 = arith.constant 1 : i32
    scf.for %scan3A_639 = %scan3A_11 to %scan3A_13 step %scan3A_14  : i32 {
      %add3A_640 = arith.addi %mul3A_2, %scan3A_639 : i32
      %broadcast_in_dim3A_641 = vector.broadcast %add3A_640 : i32 to vector<16xi32>
      %gather3A = tpu.vector_load_idx %arg10[%broadcast_in_dim3A_641] : memref<4096xi32, #tpu.memory_space<vmem>>[vector<16xi32>], vector<16xi32>,
      %broadcast_in_dim3A_642 = vector.broadcast %scan3A_639 : i32 to vector<16xi32>
      %gather3A_643 = tpu.vector_load_idx %arg16[%broadcast_in_dim3A_642] : memref<128xi32, #tpu.memory_space<vmem>>[vector<16xi32>], vector<16xi32>,
      %reduce_min3A = arith.constant true
      %reduce_min3A_644 = vector.broadcast %reduce_min3A : i1 to vector<16xi1>
      %reduce_min3A_645 = arith.constant -2147483648 : i32
      %reduce_min3A_646 = vector.broadcast %reduce_min3A_645 : i32 to vector<16xi32>
      %reduce_min3A_647 = arith.xori %gather3A_643, %reduce_min3A_646 : vector<16xi32>
      %reduce_min3A_648 = tpu.scan <min>, %reduce_min3A_647 masked %reduce_min3A_644 : vector<16xi32>, vector<16xi1> -> vector<16xi32>
      %reduce_min3A_649 = arith.xori %reduce_min3A_648, %reduce_min3A_646 : vector<16xi32>
      %reduce_min3A_650 = vector.extract %reduce_min3A_649[15] : i32 from vector<16xi32>
      %eq3A_651 = arith.constant 0 : i32
      %eq3A_652 = arith.cmpi eq, %reduce_min3A_650, %eq3A_651 : i32
      %convert_element_type3A_653 = arith.extui %eq3A_652 : i1 to i32
      %cond3A = arith.constant 0 : i32
      %cond3A_654 = arith.cmpi ne, %convert_element_type3A_653, %cond3A : i32
      scf.if %cond3A_654 {
        %while3A = arith.constant 0 : i32
        %while3A_670 = arith.constant 0 : i32
        %while3A_671 = arith.constant 0 : i32
        %while3A_672:3 = scf.while (%while3A_677 = %while3A, %while3A_678 = %while3A_670, %while3A_679 = %while3A_671) : (i32, i32, i32) -> (i32, i32, i32) {
          %eq3A_680 = arith.constant 0 : i32
          %eq3A_681 = arith.cmpi eq, %while3A_678, %eq3A_680 : i32
          %lt3A = arith.constant 4096 : i32
          %lt3A_682 = arith.cmpi slt, %while3A_677, %lt3A : i32
          %and3A = arith.andi %eq3A_681, %lt3A_682 : i1
          scf.condition(%and3A) %while3A_677, %while3A_678, %while3A_679 : i32, i32, i32
        } do {
        ^bb0(%while3A_677: i32, %while3A_678: i32, %while3A_679: i32):
          %mul3A_680 = arith.constant 4096 : i32
          %mul3A_681 = arith.muli %add3A_640, %mul3A_680 : i32
          %add3A_682 = arith.addi %mul3A_681, %while3A_677 : i32
          %multiple_of3A = tpu.assume_multiple %add3A_682, 512 : i32
          "tpu.region"() ({
            %run_scoped3A = tpu.sem_alloc : memref<!tpu.dma_semaphore, #tpu.memory_space<semaphore_mem>>
            %dma_start3A_1153 = tpu.memref_slice %arg6[%multiple_of3A] : memref<16777216xi32, #tpu.memory_space<hbm>> -> memref<512xi32, #tpu.memory_space<hbm>>
            %dma_start3A_1154 = tpu.memref_slice %arg6[%multiple_of3A] : memref<16777216xi32, #tpu.memory_space<hbm>> -> memref<512xi32, #tpu.memory_space<hbm>>
            tpu.enqueue_dma source(%dma_start3A_1154 : memref<512xi32, #tpu.memory_space<hbm>>) target(%arg13 : memref<512xi32, #tpu.memory_space<vmem>>) target_semaphore(%run_scoped3A : memref<!tpu.dma_semaphore, #tpu.memory_space<semaphore_mem>>)
            %dma_wait3A_1155 = tpu.memref_slice %arg6[%multiple_of3A] : memref<16777216xi32, #tpu.memory_space<hbm>> -> memref<512xi32, #tpu.memory_space<hbm>>
            %dma_wait3A_1156 = tpu.memref_slice %arg6[%multiple_of3A] : memref<16777216xi32, #tpu.memory_space<hbm>> -> memref<512xi32, #tpu.memory_space<hbm>>
            tpu.wait_dma2 semaphore(%run_scoped3A : memref<!tpu.dma_semaphore, #tpu.memory_space<semaphore_mem>>) src(%dma_wait3A_1156 : memref<512xi32, #tpu.memory_space<hbm>>) dst(%arg13 : memref<512xi32, #tpu.memory_space<vmem>>)
            tpu.yield
          }) : () -> ()
          %broadcast_in_dim3A_683 = arith.constant 1073741824 : i32
          %broadcast_in_dim3A_684 = vector.broadcast %broadcast_in_dim3A_683 : i32 to vector<16xi32>
          %get3A_685 = arith.constant 0 : index
          %get3A_686 = tpu.vector_load %arg13[%get3A_685] {strides = array<i32>} : memref<512xi32, #tpu.memory_space<vmem>>, vector<16xi32>,
          %gather3A_687 = tpu.vector_load_idx %arg10[%get3A_686] : memref<4096xi32, #tpu.memory_space<vmem>>[vector<16xi32>], vector<16xi32>,
          %eq3A_688 = arith.cmpi eq, %gather3A_687, %gather3A : vector<16xi32>
          %ne3A = vector.broadcast %add3A_640 : i32 to vector<16xi32>
          %ne3A_689 = arith.cmpi ne, %get3A_686, %ne3A : vector<16xi32>
          %and3A = arith.andi %eq3A_688, %ne3A_689 : vector<16xi1>
          %add3A_690 = arith.constant 0 : i32
          %add3A_691 = vector.broadcast %add3A_690 : i32 to vector<16xi32>
          %add3A_692 = arith.addi %iota3A, %add3A_691 : vector<16xi32>
          %jit3A = arith.constant 1073741824 : i32
          %broadcast_in_dim3A_693 = vector.broadcast %jit3A : i32 to vector<16xi32>
          %select_n3A = arith.select %and3A, %add3A_692, %broadcast_in_dim3A_693 : vector<16xi1>, vector<16xi32>
          %min3A = arith.minsi %broadcast_in_dim3A_684, %select_n3A : vector<16xi32>
          %get3A_694 = arith.constant 16 : index
          %get3A_695 = tpu.vector_load %arg13[%get3A_694] {strides = array<i32>} : memref<512xi32, #tpu.memory_space<vmem>>, vector<16xi32>,
          %gather3A_696 = tpu.vector_load_idx %arg10[%get3A_695] : memref<4096xi32, #tpu.memory_space<vmem>>[vector<16xi32>], vector<16xi32>,
          %eq3A_697 = arith.cmpi eq, %gather3A_696, %gather3A : vector<16xi32>
          %ne3A_698 = vector.broadcast %add3A_640 : i32 to vector<16xi32>
          %ne3A_699 = arith.cmpi ne, %get3A_695, %ne3A_698 : vector<16xi32>
          %and3A_700 = arith.andi %eq3A_697, %ne3A_699 : vector<16xi1>
          %add3A_701 = arith.constant 16 : i32
          %add3A_702 = vector.broadcast %add3A_701 : i32 to vector<16xi32>
          %add3A_703 = arith.addi %iota3A, %add3A_702 : vector<16xi32>
          %jit3A_704 = arith.constant 1073741824 : i32
          %broadcast_in_dim3A_705 = vector.broadcast %jit3A_704 : i32 to vector<16xi32>
          %select_n3A_706 = arith.select %and3A_700, %add3A_703, %broadcast_in_dim3A_705 : vector<16xi1>, vector<16xi32>
          %min3A_707 = arith.minsi %min3A, %select_n3A_706 : vector<16xi32>
          %get3A_708 = arith.constant 32 : index
          %get3A_709 = tpu.vector_load %arg13[%get3A_708] {strides = array<i32>} : memref<512xi32, #tpu.memory_space<vmem>>, vector<16xi32>,
          %gather3A_710 = tpu.vector_load_idx %arg10[%get3A_709] : memref<4096xi32, #tpu.memory_space<vmem>>[vector<16xi32>], vector<16xi32>,
          %eq3A_711 = arith.cmpi eq, %gather3A_710, %gather3A : vector<16xi32>
          %ne3A_712 = vector.broadcast %add3A_640 : i32 to vector<16xi32>
          %ne3A_713 = arith.cmpi ne, %get3A_709, %ne3A_712 : vector<16xi32>
          %and3A_714 = arith.andi %eq3A_711, %ne3A_713 : vector<16xi1>
          %add3A_715 = arith.constant 32 : i32
          %add3A_716 = vector.broadcast %add3A_715 : i32 to vector<16xi32>
          %add3A_717 = arith.addi %iota3A, %add3A_716 : vector<16xi32>
          %jit3A_718 = arith.constant 1073741824 : i32
          %broadcast_in_dim3A_719 = vector.broadcast %jit3A_718 : i32 to vector<16xi32>
          %select_n3A_720 = arith.select %and3A_714, %add3A_717, %broadcast_in_dim3A_719 : vector<16xi1>, vector<16xi32>
          %min3A_721 = arith.minsi %min3A_707, %select_n3A_720 : vector<16xi32>
          %get3A_722 = arith.constant 48 : index
          %get3A_723 = tpu.vector_load %arg13[%get3A_722] {strides = array<i32>} : memref<512xi32, #tpu.memory_space<vmem>>, vector<16xi32>,
          %gather3A_724 = tpu.vector_load_idx %arg10[%get3A_723] : memref<4096xi32, #tpu.memory_space<vmem>>[vector<16xi32>], vector<16xi32>,
          %eq3A_725 = arith.cmpi eq, %gather3A_724, %gather3A : vector<16xi32>
          %ne3A_726 = vector.broadcast %add3A_640 : i32 to vector<16xi32>
          %ne3A_727 = arith.cmpi ne, %get3A_723, %ne3A_726 : vector<16xi32>
          %and3A_728 = arith.andi %eq3A_725, %ne3A_727 : vector<16xi1>
          %add3A_729 = arith.constant 48 : i32
          %add3A_730 = vector.broadcast %add3A_729 : i32 to vector<16xi32>
          %add3A_731 = arith.addi %iota3A, %add3A_730 : vector<16xi32>
          %jit3A_732 = arith.constant 1073741824 : i32
          %broadcast_in_dim3A_733 = vector.broadcast %jit3A_732 : i32 to vector<16xi32>
          %select_n3A_734 = arith.select %and3A_728, %add3A_731, %broadcast_in_dim3A_733 : vector<16xi1>, vector<16xi32>
          %min3A_735 = arith.minsi %min3A_721, %select_n3A_734 : vector<16xi32>
          %get3A_736 = arith.constant 64 : index
          %get3A_737 = tpu.vector_load %arg13[%get3A_736] {strides = array<i32>} : memref<512xi32, #tpu.memory_space<vmem>>, vector<16xi32>,
          %gather3A_738 = tpu.vector_load_idx %arg10[%get3A_737] : memref<4096xi32, #tpu.memory_space<vmem>>[vector<16xi32>], vector<16xi32>,
          %eq3A_739 = arith.cmpi eq, %gather3A_738, %gather3A : vector<16xi32>
          %ne3A_740 = vector.broadcast %add3A_640 : i32 to vector<16xi32>
          %ne3A_741 = arith.cmpi ne, %get3A_737, %ne3A_740 : vector<16xi32>
          %and3A_742 = arith.andi %eq3A_739, %ne3A_741 : vector<16xi1>
          %add3A_743 = arith.constant 64 : i32
          %add3A_744 = vector.broadcast %add3A_743 : i32 to vector<16xi32>
          %add3A_745 = arith.addi %iota3A, %add3A_744 : vector<16xi32>
          %jit3A_746 = arith.constant 1073741824 : i32
          %broadcast_in_dim3A_747 = vector.broadcast %jit3A_746 : i32 to vector<16xi32>
          %select_n3A_748 = arith.select %and3A_742, %add3A_745, %broadcast_in_dim3A_747 : vector<16xi1>, vector<16xi32>
          %min3A_749 = arith.minsi %min3A_735, %select_n3A_748 : vector<16xi32>
          %get3A_750 = arith.constant 80 : index
          %get3A_751 = tpu.vector_load %arg13[%get3A_750] {strides = array<i32>} : memref<512xi32, #tpu.memory_space<vmem>>, vector<16xi32>,
          %gather3A_752 = tpu.vector_load_idx %arg10[%get3A_751] : memref<4096xi32, #tpu.memory_space<vmem>>[vector<16xi32>], vector<16xi32>,
          %eq3A_753 = arith.cmpi eq, %gather3A_752, %gather3A : vector<16xi32>
          %ne3A_754 = vector.broadcast %add3A_640 : i32 to vector<16xi32>
          %ne3A_755 = arith.cmpi ne, %get3A_751, %ne3A_754 : vector<16xi32>
          %and3A_756 = arith.andi %eq3A_753, %ne3A_755 : vector<16xi1>
          %add3A_757 = arith.constant 80 : i32
          %add3A_758 = vector.broadcast %add3A_757 : i32 to vector<16xi32>
          %add3A_759 = arith.addi %iota3A, %add3A_758 : vector<16xi32>
          %jit3A_760 = arith.constant 1073741824 : i32
          %broadcast_in_dim3A_761 = vector.broadcast %jit3A_760 : i32 to vector<16xi32>
          %select_n3A_762 = arith.select %and3A_756, %add3A_759, %broadcast_in_dim3A_761 : vector<16xi1>, vector<16xi32>
          %min3A_763 = arith.minsi %min3A_749, %select_n3A_762 : vector<16xi32>
          %get3A_764 = arith.constant 96 : index
          %get3A_765 = tpu.vector_load %arg13[%get3A_764] {strides = array<i32>} : memref<512xi32, #tpu.memory_space<vmem>>, vector<16xi32>,
          %gather3A_766 = tpu.vector_load_idx %arg10[%get3A_765] : memref<4096xi32, #tpu.memory_space<vmem>>[vector<16xi32>], vector<16xi32>,
          %eq3A_767 = arith.cmpi eq, %gather3A_766, %gather3A : vector<16xi32>
          %ne3A_768 = vector.broadcast %add3A_640 : i32 to vector<16xi32>
          %ne3A_769 = arith.cmpi ne, %get3A_765, %ne3A_768 : vector<16xi32>
          %and3A_770 = arith.andi %eq3A_767, %ne3A_769 : vector<16xi1>
          %add3A_771 = arith.constant 96 : i32
          %add3A_772 = vector.broadcast %add3A_771 : i32 to vector<16xi32>
          %add3A_773 = arith.addi %iota3A, %add3A_772 : vector<16xi32>
          %jit3A_774 = arith.constant 1073741824 : i32
          %broadcast_in_dim3A_775 = vector.broadcast %jit3A_774 : i32 to vector<16xi32>
          %select_n3A_776 = arith.select %and3A_770, %add3A_773, %broadcast_in_dim3A_775 : vector<16xi1>, vector<16xi32>
          %min3A_777 = arith.minsi %min3A_763, %select_n3A_776 : vector<16xi32>
          %get3A_778 = arith.constant 112 : index
          %get3A_779 = tpu.vector_load %arg13[%get3A_778] {strides = array<i32>} : memref<512xi32, #tpu.memory_space<vmem>>, vector<16xi32>,
          %gather3A_780 = tpu.vector_load_idx %arg10[%get3A_779] : memref<4096xi32, #tpu.memory_space<vmem>>[vector<16xi32>], vector<16xi32>,
          %eq3A_781 = arith.cmpi eq, %gather3A_780, %gather3A : vector<16xi32>
          %ne3A_782 = vector.broadcast %add3A_640 : i32 to vector<16xi32>
          %ne3A_783 = arith.cmpi ne, %get3A_779, %ne3A_782 : vector<16xi32>
          %and3A_784 = arith.andi %eq3A_781, %ne3A_783 : vector<16xi1>
          %add3A_785 = arith.constant 112 : i32
          %add3A_786 = vector.broadcast %add3A_785 : i32 to vector<16xi32>
          %add3A_787 = arith.addi %iota3A, %add3A_786 : vector<16xi32>
          %jit3A_788 = arith.constant 1073741824 : i32
          %broadcast_in_dim3A_789 = vector.broadcast %jit3A_788 : i32 to vector<16xi32>
          %select_n3A_790 = arith.select %and3A_784, %add3A_787, %broadcast_in_dim3A_789 : vector<16xi1>, vector<16xi32>
          %min3A_791 = arith.minsi %min3A_777, %select_n3A_790 : vector<16xi32>
          %get3A_792 = arith.constant 128 : index
          %get3A_793 = tpu.vector_load %arg13[%get3A_792] {strides = array<i32>} : memref<512xi32, #tpu.memory_space<vmem>>, vector<16xi32>,
          %gather3A_794 = tpu.vector_load_idx %arg10[%get3A_793] : memref<4096xi32, #tpu.memory_space<vmem>>[vector<16xi32>], vector<16xi32>,
          %eq3A_795 = arith.cmpi eq, %gather3A_794, %gather3A : vector<16xi32>
          %ne3A_796 = vector.broadcast %add3A_640 : i32 to vector<16xi32>
          %ne3A_797 = arith.cmpi ne, %get3A_793, %ne3A_796 : vector<16xi32>
          %and3A_798 = arith.andi %eq3A_795, %ne3A_797 : vector<16xi1>
          %add3A_799 = arith.constant 128 : i32
          %add3A_800 = vector.broadcast %add3A_799 : i32 to vector<16xi32>
          %add3A_801 = arith.addi %iota3A, %add3A_800 : vector<16xi32>
          %jit3A_802 = arith.constant 1073741824 : i32
          %broadcast_in_dim3A_803 = vector.broadcast %jit3A_802 : i32 to vector<16xi32>
          %select_n3A_804 = arith.select %and3A_798, %add3A_801, %broadcast_in_dim3A_803 : vector<16xi1>, vector<16xi32>
          %min3A_805 = arith.minsi %min3A_791, %select_n3A_804 : vector<16xi32>
          %get3A_806 = arith.constant 144 : index
          %get3A_807 = tpu.vector_load %arg13[%get3A_806] {strides = array<i32>} : memref<512xi32, #tpu.memory_space<vmem>>, vector<16xi32>,
          %gather3A_808 = tpu.vector_load_idx %arg10[%get3A_807] : memref<4096xi32, #tpu.memory_space<vmem>>[vector<16xi32>], vector<16xi32>,
          %eq3A_809 = arith.cmpi eq, %gather3A_808, %gather3A : vector<16xi32>
          %ne3A_810 = vector.broadcast %add3A_640 : i32 to vector<16xi32>
          %ne3A_811 = arith.cmpi ne, %get3A_807, %ne3A_810 : vector<16xi32>
          %and3A_812 = arith.andi %eq3A_809, %ne3A_811 : vector<16xi1>
          %add3A_813 = arith.constant 144 : i32
          %add3A_814 = vector.broadcast %add3A_813 : i32 to vector<16xi32>
          %add3A_815 = arith.addi %iota3A, %add3A_814 : vector<16xi32>
          %jit3A_816 = arith.constant 1073741824 : i32
          %broadcast_in_dim3A_817 = vector.broadcast %jit3A_816 : i32 to vector<16xi32>
          %select_n3A_818 = arith.select %and3A_812, %add3A_815, %broadcast_in_dim3A_817 : vector<16xi1>, vector<16xi32>
          %min3A_819 = arith.minsi %min3A_805, %select_n3A_818 : vector<16xi32>
          %get3A_820 = arith.constant 160 : index
          %get3A_821 = tpu.vector_load %arg13[%get3A_820] {strides = array<i32>} : memref<512xi32, #tpu.memory_space<vmem>>, vector<16xi32>,
          %gather3A_822 = tpu.vector_load_idx %arg10[%get3A_821] : memref<4096xi32, #tpu.memory_space<vmem>>[vector<16xi32>], vector<16xi32>,
          %eq3A_823 = arith.cmpi eq, %gather3A_822, %gather3A : vector<16xi32>
          %ne3A_824 = vector.broadcast %add3A_640 : i32 to vector<16xi32>
          %ne3A_825 = arith.cmpi ne, %get3A_821, %ne3A_824 : vector<16xi32>
          %and3A_826 = arith.andi %eq3A_823, %ne3A_825 : vector<16xi1>
          %add3A_827 = arith.constant 160 : i32
          %add3A_828 = vector.broadcast %add3A_827 : i32 to vector<16xi32>
          %add3A_829 = arith.addi %iota3A, %add3A_828 : vector<16xi32>
          %jit3A_830 = arith.constant 1073741824 : i32
          %broadcast_in_dim3A_831 = vector.broadcast %jit3A_830 : i32 to vector<16xi32>
          %select_n3A_832 = arith.select %and3A_826, %add3A_829, %broadcast_in_dim3A_831 : vector<16xi1>, vector<16xi32>
          %min3A_833 = arith.minsi %min3A_819, %select_n3A_832 : vector<16xi32>
          %get3A_834 = arith.constant 176 : index
          %get3A_835 = tpu.vector_load %arg13[%get3A_834] {strides = array<i32>} : memref<512xi32, #tpu.memory_space<vmem>>, vector<16xi32>,
          %gather3A_836 = tpu.vector_load_idx %arg10[%get3A_835] : memref<4096xi32, #tpu.memory_space<vmem>>[vector<16xi32>], vector<16xi32>,
          %eq3A_837 = arith.cmpi eq, %gather3A_836, %gather3A : vector<16xi32>
          %ne3A_838 = vector.broadcast %add3A_640 : i32 to vector<16xi32>
          %ne3A_839 = arith.cmpi ne, %get3A_835, %ne3A_838 : vector<16xi32>
          %and3A_840 = arith.andi %eq3A_837, %ne3A_839 : vector<16xi1>
          %add3A_841 = arith.constant 176 : i32
          %add3A_842 = vector.broadcast %add3A_841 : i32 to vector<16xi32>
          %add3A_843 = arith.addi %iota3A, %add3A_842 : vector<16xi32>
          %jit3A_844 = arith.constant 1073741824 : i32
          %broadcast_in_dim3A_845 = vector.broadcast %jit3A_844 : i32 to vector<16xi32>
          %select_n3A_846 = arith.select %and3A_840, %add3A_843, %broadcast_in_dim3A_845 : vector<16xi1>, vector<16xi32>
          %min3A_847 = arith.minsi %min3A_833, %select_n3A_846 : vector<16xi32>
          %get3A_848 = arith.constant 192 : index
          %get3A_849 = tpu.vector_load %arg13[%get3A_848] {strides = array<i32>} : memref<512xi32, #tpu.memory_space<vmem>>, vector<16xi32>,
          %gather3A_850 = tpu.vector_load_idx %arg10[%get3A_849] : memref<4096xi32, #tpu.memory_space<vmem>>[vector<16xi32>], vector<16xi32>,
          %eq3A_851 = arith.cmpi eq, %gather3A_850, %gather3A : vector<16xi32>
          %ne3A_852 = vector.broadcast %add3A_640 : i32 to vector<16xi32>
          %ne3A_853 = arith.cmpi ne, %get3A_849, %ne3A_852 : vector<16xi32>
          %and3A_854 = arith.andi %eq3A_851, %ne3A_853 : vector<16xi1>
          %add3A_855 = arith.constant 192 : i32
          %add3A_856 = vector.broadcast %add3A_855 : i32 to vector<16xi32>
          %add3A_857 = arith.addi %iota3A, %add3A_856 : vector<16xi32>
          %jit3A_858 = arith.constant 1073741824 : i32
          %broadcast_in_dim3A_859 = vector.broadcast %jit3A_858 : i32 to vector<16xi32>
          %select_n3A_860 = arith.select %and3A_854, %add3A_857, %broadcast_in_dim3A_859 : vector<16xi1>, vector<16xi32>
          %min3A_861 = arith.minsi %min3A_847, %select_n3A_860 : vector<16xi32>
          %get3A_862 = arith.constant 208 : index
          %get3A_863 = tpu.vector_load %arg13[%get3A_862] {strides = array<i32>} : memref<512xi32, #tpu.memory_space<vmem>>, vector<16xi32>,
          %gather3A_864 = tpu.vector_load_idx %arg10[%get3A_863] : memref<4096xi32, #tpu.memory_space<vmem>>[vector<16xi32>], vector<16xi32>,
          %eq3A_865 = arith.cmpi eq, %gather3A_864, %gather3A : vector<16xi32>
          %ne3A_866 = vector.broadcast %add3A_640 : i32 to vector<16xi32>
          %ne3A_867 = arith.cmpi ne, %get3A_863, %ne3A_866 : vector<16xi32>
          %and3A_868 = arith.andi %eq3A_865, %ne3A_867 : vector<16xi1>
          %add3A_869 = arith.constant 208 : i32
          %add3A_870 = vector.broadcast %add3A_869 : i32 to vector<16xi32>
          %add3A_871 = arith.addi %iota3A, %add3A_870 : vector<16xi32>
          %jit3A_872 = arith.constant 1073741824 : i32
          %broadcast_in_dim3A_873 = vector.broadcast %jit3A_872 : i32 to vector<16xi32>
          %select_n3A_874 = arith.select %and3A_868, %add3A_871, %broadcast_in_dim3A_873 : vector<16xi1>, vector<16xi32>
          %min3A_875 = arith.minsi %min3A_861, %select_n3A_874 : vector<16xi32>
          %get3A_876 = arith.constant 224 : index
          %get3A_877 = tpu.vector_load %arg13[%get3A_876] {strides = array<i32>} : memref<512xi32, #tpu.memory_space<vmem>>, vector<16xi32>,
          %gather3A_878 = tpu.vector_load_idx %arg10[%get3A_877] : memref<4096xi32, #tpu.memory_space<vmem>>[vector<16xi32>], vector<16xi32>,
          %eq3A_879 = arith.cmpi eq, %gather3A_878, %gather3A : vector<16xi32>
          %ne3A_880 = vector.broadcast %add3A_640 : i32 to vector<16xi32>
          %ne3A_881 = arith.cmpi ne, %get3A_877, %ne3A_880 : vector<16xi32>
          %and3A_882 = arith.andi %eq3A_879, %ne3A_881 : vector<16xi1>
          %add3A_883 = arith.constant 224 : i32
          %add3A_884 = vector.broadcast %add3A_883 : i32 to vector<16xi32>
          %add3A_885 = arith.addi %iota3A, %add3A_884 : vector<16xi32>
          %jit3A_886 = arith.constant 1073741824 : i32
          %broadcast_in_dim3A_887 = vector.broadcast %jit3A_886 : i32 to vector<16xi32>
          %select_n3A_888 = arith.select %and3A_882, %add3A_885, %broadcast_in_dim3A_887 : vector<16xi1>, vector<16xi32>
          %min3A_889 = arith.minsi %min3A_875, %select_n3A_888 : vector<16xi32>
          %get3A_890 = arith.constant 240 : index
          %get3A_891 = tpu.vector_load %arg13[%get3A_890] {strides = array<i32>} : memref<512xi32, #tpu.memory_space<vmem>>, vector<16xi32>,
          %gather3A_892 = tpu.vector_load_idx %arg10[%get3A_891] : memref<4096xi32, #tpu.memory_space<vmem>>[vector<16xi32>], vector<16xi32>,
          %eq3A_893 = arith.cmpi eq, %gather3A_892, %gather3A : vector<16xi32>
          %ne3A_894 = vector.broadcast %add3A_640 : i32 to vector<16xi32>
          %ne3A_895 = arith.cmpi ne, %get3A_891, %ne3A_894 : vector<16xi32>
          %and3A_896 = arith.andi %eq3A_893, %ne3A_895 : vector<16xi1>
          %add3A_897 = arith.constant 240 : i32
          %add3A_898 = vector.broadcast %add3A_897 : i32 to vector<16xi32>
          %add3A_899 = arith.addi %iota3A, %add3A_898 : vector<16xi32>
          %jit3A_900 = arith.constant 1073741824 : i32
          %broadcast_in_dim3A_901 = vector.broadcast %jit3A_900 : i32 to vector<16xi32>
          %select_n3A_902 = arith.select %and3A_896, %add3A_899, %broadcast_in_dim3A_901 : vector<16xi1>, vector<16xi32>
          %min3A_903 = arith.minsi %min3A_889, %select_n3A_902 : vector<16xi32>
          %get3A_904 = arith.constant 256 : index
          %get3A_905 = tpu.vector_load %arg13[%get3A_904] {strides = array<i32>} : memref<512xi32, #tpu.memory_space<vmem>>, vector<16xi32>,
          %gather3A_906 = tpu.vector_load_idx %arg10[%get3A_905] : memref<4096xi32, #tpu.memory_space<vmem>>[vector<16xi32>], vector<16xi32>,
          %eq3A_907 = arith.cmpi eq, %gather3A_906, %gather3A : vector<16xi32>
          %ne3A_908 = vector.broadcast %add3A_640 : i32 to vector<16xi32>
          %ne3A_909 = arith.cmpi ne, %get3A_905, %ne3A_908 : vector<16xi32>
          %and3A_910 = arith.andi %eq3A_907, %ne3A_909 : vector<16xi1>
          %add3A_911 = arith.constant 256 : i32
          %add3A_912 = vector.broadcast %add3A_911 : i32 to vector<16xi32>
          %add3A_913 = arith.addi %iota3A, %add3A_912 : vector<16xi32>
          %jit3A_914 = arith.constant 1073741824 : i32
          %broadcast_in_dim3A_915 = vector.broadcast %jit3A_914 : i32 to vector<16xi32>
          %select_n3A_916 = arith.select %and3A_910, %add3A_913, %broadcast_in_dim3A_915 : vector<16xi1>, vector<16xi32>
          %min3A_917 = arith.minsi %min3A_903, %select_n3A_916 : vector<16xi32>
          %get3A_918 = arith.constant 272 : index
          %get3A_919 = tpu.vector_load %arg13[%get3A_918] {strides = array<i32>} : memref<512xi32, #tpu.memory_space<vmem>>, vector<16xi32>,
          %gather3A_920 = tpu.vector_load_idx %arg10[%get3A_919] : memref<4096xi32, #tpu.memory_space<vmem>>[vector<16xi32>], vector<16xi32>,
          %eq3A_921 = arith.cmpi eq, %gather3A_920, %gather3A : vector<16xi32>
          %ne3A_922 = vector.broadcast %add3A_640 : i32 to vector<16xi32>
          %ne3A_923 = arith.cmpi ne, %get3A_919, %ne3A_922 : vector<16xi32>
          %and3A_924 = arith.andi %eq3A_921, %ne3A_923 : vector<16xi1>
          %add3A_925 = arith.constant 272 : i32
          %add3A_926 = vector.broadcast %add3A_925 : i32 to vector<16xi32>
          %add3A_927 = arith.addi %iota3A, %add3A_926 : vector<16xi32>
          %jit3A_928 = arith.constant 1073741824 : i32
          %broadcast_in_dim3A_929 = vector.broadcast %jit3A_928 : i32 to vector<16xi32>
          %select_n3A_930 = arith.select %and3A_924, %add3A_927, %broadcast_in_dim3A_929 : vector<16xi1>, vector<16xi32>
          %min3A_931 = arith.minsi %min3A_917, %select_n3A_930 : vector<16xi32>
          %get3A_932 = arith.constant 288 : index
          %get3A_933 = tpu.vector_load %arg13[%get3A_932] {strides = array<i32>} : memref<512xi32, #tpu.memory_space<vmem>>, vector<16xi32>,
          %gather3A_934 = tpu.vector_load_idx %arg10[%get3A_933] : memref<4096xi32, #tpu.memory_space<vmem>>[vector<16xi32>], vector<16xi32>,
          %eq3A_935 = arith.cmpi eq, %gather3A_934, %gather3A : vector<16xi32>
          %ne3A_936 = vector.broadcast %add3A_640 : i32 to vector<16xi32>
          %ne3A_937 = arith.cmpi ne, %get3A_933, %ne3A_936 : vector<16xi32>
          %and3A_938 = arith.andi %eq3A_935, %ne3A_937 : vector<16xi1>
          %add3A_939 = arith.constant 288 : i32
          %add3A_940 = vector.broadcast %add3A_939 : i32 to vector<16xi32>
          %add3A_941 = arith.addi %iota3A, %add3A_940 : vector<16xi32>
          %jit3A_942 = arith.constant 1073741824 : i32
          %broadcast_in_dim3A_943 = vector.broadcast %jit3A_942 : i32 to vector<16xi32>
          %select_n3A_944 = arith.select %and3A_938, %add3A_941, %broadcast_in_dim3A_943 : vector<16xi1>, vector<16xi32>
          %min3A_945 = arith.minsi %min3A_931, %select_n3A_944 : vector<16xi32>
          %get3A_946 = arith.constant 304 : index
          %get3A_947 = tpu.vector_load %arg13[%get3A_946] {strides = array<i32>} : memref<512xi32, #tpu.memory_space<vmem>>, vector<16xi32>,
          %gather3A_948 = tpu.vector_load_idx %arg10[%get3A_947] : memref<4096xi32, #tpu.memory_space<vmem>>[vector<16xi32>], vector<16xi32>,
          %eq3A_949 = arith.cmpi eq, %gather3A_948, %gather3A : vector<16xi32>
          %ne3A_950 = vector.broadcast %add3A_640 : i32 to vector<16xi32>
          %ne3A_951 = arith.cmpi ne, %get3A_947, %ne3A_950 : vector<16xi32>
          %and3A_952 = arith.andi %eq3A_949, %ne3A_951 : vector<16xi1>
          %add3A_953 = arith.constant 304 : i32
          %add3A_954 = vector.broadcast %add3A_953 : i32 to vector<16xi32>
          %add3A_955 = arith.addi %iota3A, %add3A_954 : vector<16xi32>
          %jit3A_956 = arith.constant 1073741824 : i32
          %broadcast_in_dim3A_957 = vector.broadcast %jit3A_956 : i32 to vector<16xi32>
          %select_n3A_958 = arith.select %and3A_952, %add3A_955, %broadcast_in_dim3A_957 : vector<16xi1>, vector<16xi32>
          %min3A_959 = arith.minsi %min3A_945, %select_n3A_958 : vector<16xi32>
          %get3A_960 = arith.constant 320 : index
          %get3A_961 = tpu.vector_load %arg13[%get3A_960] {strides = array<i32>} : memref<512xi32, #tpu.memory_space<vmem>>, vector<16xi32>,
          %gather3A_962 = tpu.vector_load_idx %arg10[%get3A_961] : memref<4096xi32, #tpu.memory_space<vmem>>[vector<16xi32>], vector<16xi32>,
          %eq3A_963 = arith.cmpi eq, %gather3A_962, %gather3A : vector<16xi32>
          %ne3A_964 = vector.broadcast %add3A_640 : i32 to vector<16xi32>
          %ne3A_965 = arith.cmpi ne, %get3A_961, %ne3A_964 : vector<16xi32>
          %and3A_966 = arith.andi %eq3A_963, %ne3A_965 : vector<16xi1>
          %add3A_967 = arith.constant 320 : i32
          %add3A_968 = vector.broadcast %add3A_967 : i32 to vector<16xi32>
          %add3A_969 = arith.addi %iota3A, %add3A_968 : vector<16xi32>
          %jit3A_970 = arith.constant 1073741824 : i32
          %broadcast_in_dim3A_971 = vector.broadcast %jit3A_970 : i32 to vector<16xi32>
          %select_n3A_972 = arith.select %and3A_966, %add3A_969, %broadcast_in_dim3A_971 : vector<16xi1>, vector<16xi32>
          %min3A_973 = arith.minsi %min3A_959, %select_n3A_972 : vector<16xi32>
          %get3A_974 = arith.constant 336 : index
          %get3A_975 = tpu.vector_load %arg13[%get3A_974] {strides = array<i32>} : memref<512xi32, #tpu.memory_space<vmem>>, vector<16xi32>,
          %gather3A_976 = tpu.vector_load_idx %arg10[%get3A_975] : memref<4096xi32, #tpu.memory_space<vmem>>[vector<16xi32>], vector<16xi32>,
          %eq3A_977 = arith.cmpi eq, %gather3A_976, %gather3A : vector<16xi32>
          %ne3A_978 = vector.broadcast %add3A_640 : i32 to vector<16xi32>
          %ne3A_979 = arith.cmpi ne, %get3A_975, %ne3A_978 : vector<16xi32>
          %and3A_980 = arith.andi %eq3A_977, %ne3A_979 : vector<16xi1>
          %add3A_981 = arith.constant 336 : i32
          %add3A_982 = vector.broadcast %add3A_981 : i32 to vector<16xi32>
          %add3A_983 = arith.addi %iota3A, %add3A_982 : vector<16xi32>
          %jit3A_984 = arith.constant 1073741824 : i32
          %broadcast_in_dim3A_985 = vector.broadcast %jit3A_984 : i32 to vector<16xi32>
          %select_n3A_986 = arith.select %and3A_980, %add3A_983, %broadcast_in_dim3A_985 : vector<16xi1>, vector<16xi32>
          %min3A_987 = arith.minsi %min3A_973, %select_n3A_986 : vector<16xi32>
          %get3A_988 = arith.constant 352 : index
          %get3A_989 = tpu.vector_load %arg13[%get3A_988] {strides = array<i32>} : memref<512xi32, #tpu.memory_space<vmem>>, vector<16xi32>,
          %gather3A_990 = tpu.vector_load_idx %arg10[%get3A_989] : memref<4096xi32, #tpu.memory_space<vmem>>[vector<16xi32>], vector<16xi32>,
          %eq3A_991 = arith.cmpi eq, %gather3A_990, %gather3A : vector<16xi32>
          %ne3A_992 = vector.broadcast %add3A_640 : i32 to vector<16xi32>
          %ne3A_993 = arith.cmpi ne, %get3A_989, %ne3A_992 : vector<16xi32>
          %and3A_994 = arith.andi %eq3A_991, %ne3A_993 : vector<16xi1>
          %add3A_995 = arith.constant 352 : i32
          %add3A_996 = vector.broadcast %add3A_995 : i32 to vector<16xi32>
          %add3A_997 = arith.addi %iota3A, %add3A_996 : vector<16xi32>
          %jit3A_998 = arith.constant 1073741824 : i32
          %broadcast_in_dim3A_999 = vector.broadcast %jit3A_998 : i32 to vector<16xi32>
          %select_n3A_1000 = arith.select %and3A_994, %add3A_997, %broadcast_in_dim3A_999 : vector<16xi1>, vector<16xi32>
          %min3A_1001 = arith.minsi %min3A_987, %select_n3A_1000 : vector<16xi32>
          %get3A_1002 = arith.constant 368 : index
          %get3A_1003 = tpu.vector_load %arg13[%get3A_1002] {strides = array<i32>} : memref<512xi32, #tpu.memory_space<vmem>>, vector<16xi32>,
          %gather3A_1004 = tpu.vector_load_idx %arg10[%get3A_1003] : memref<4096xi32, #tpu.memory_space<vmem>>[vector<16xi32>], vector<16xi32>,
          %eq3A_1005 = arith.cmpi eq, %gather3A_1004, %gather3A : vector<16xi32>
          %ne3A_1006 = vector.broadcast %add3A_640 : i32 to vector<16xi32>
          %ne3A_1007 = arith.cmpi ne, %get3A_1003, %ne3A_1006 : vector<16xi32>
          %and3A_1008 = arith.andi %eq3A_1005, %ne3A_1007 : vector<16xi1>
          %add3A_1009 = arith.constant 368 : i32
          %add3A_1010 = vector.broadcast %add3A_1009 : i32 to vector<16xi32>
          %add3A_1011 = arith.addi %iota3A, %add3A_1010 : vector<16xi32>
          %jit3A_1012 = arith.constant 1073741824 : i32
          %broadcast_in_dim3A_1013 = vector.broadcast %jit3A_1012 : i32 to vector<16xi32>
          %select_n3A_1014 = arith.select %and3A_1008, %add3A_1011, %broadcast_in_dim3A_1013 : vector<16xi1>, vector<16xi32>
          %min3A_1015 = arith.minsi %min3A_1001, %select_n3A_1014 : vector<16xi32>
          %get3A_1016 = arith.constant 384 : index
          %get3A_1017 = tpu.vector_load %arg13[%get3A_1016] {strides = array<i32>} : memref<512xi32, #tpu.memory_space<vmem>>, vector<16xi32>,
          %gather3A_1018 = tpu.vector_load_idx %arg10[%get3A_1017] : memref<4096xi32, #tpu.memory_space<vmem>>[vector<16xi32>], vector<16xi32>,
          %eq3A_1019 = arith.cmpi eq, %gather3A_1018, %gather3A : vector<16xi32>
          %ne3A_1020 = vector.broadcast %add3A_640 : i32 to vector<16xi32>
          %ne3A_1021 = arith.cmpi ne, %get3A_1017, %ne3A_1020 : vector<16xi32>
          %and3A_1022 = arith.andi %eq3A_1019, %ne3A_1021 : vector<16xi1>
          %add3A_1023 = arith.constant 384 : i32
          %add3A_1024 = vector.broadcast %add3A_1023 : i32 to vector<16xi32>
          %add3A_1025 = arith.addi %iota3A, %add3A_1024 : vector<16xi32>
          %jit3A_1026 = arith.constant 1073741824 : i32
          %broadcast_in_dim3A_1027 = vector.broadcast %jit3A_1026 : i32 to vector<16xi32>
          %select_n3A_1028 = arith.select %and3A_1022, %add3A_1025, %broadcast_in_dim3A_1027 : vector<16xi1>, vector<16xi32>
          %min3A_1029 = arith.minsi %min3A_1015, %select_n3A_1028 : vector<16xi32>
          %get3A_1030 = arith.constant 400 : index
          %get3A_1031 = tpu.vector_load %arg13[%get3A_1030] {strides = array<i32>} : memref<512xi32, #tpu.memory_space<vmem>>, vector<16xi32>,
          %gather3A_1032 = tpu.vector_load_idx %arg10[%get3A_1031] : memref<4096xi32, #tpu.memory_space<vmem>>[vector<16xi32>], vector<16xi32>,
          %eq3A_1033 = arith.cmpi eq, %gather3A_1032, %gather3A : vector<16xi32>
          %ne3A_1034 = vector.broadcast %add3A_640 : i32 to vector<16xi32>
          %ne3A_1035 = arith.cmpi ne, %get3A_1031, %ne3A_1034 : vector<16xi32>
          %and3A_1036 = arith.andi %eq3A_1033, %ne3A_1035 : vector<16xi1>
          %add3A_1037 = arith.constant 400 : i32
          %add3A_1038 = vector.broadcast %add3A_1037 : i32 to vector<16xi32>
          %add3A_1039 = arith.addi %iota3A, %add3A_1038 : vector<16xi32>
          %jit3A_1040 = arith.constant 1073741824 : i32
          %broadcast_in_dim3A_1041 = vector.broadcast %jit3A_1040 : i32 to vector<16xi32>
          %select_n3A_1042 = arith.select %and3A_1036, %add3A_1039, %broadcast_in_dim3A_1041 : vector<16xi1>, vector<16xi32>
          %min3A_1043 = arith.minsi %min3A_1029, %select_n3A_1042 : vector<16xi32>
          %get3A_1044 = arith.constant 416 : index
          %get3A_1045 = tpu.vector_load %arg13[%get3A_1044] {strides = array<i32>} : memref<512xi32, #tpu.memory_space<vmem>>, vector<16xi32>,
          %gather3A_1046 = tpu.vector_load_idx %arg10[%get3A_1045] : memref<4096xi32, #tpu.memory_space<vmem>>[vector<16xi32>], vector<16xi32>,
          %eq3A_1047 = arith.cmpi eq, %gather3A_1046, %gather3A : vector<16xi32>
          %ne3A_1048 = vector.broadcast %add3A_640 : i32 to vector<16xi32>
          %ne3A_1049 = arith.cmpi ne, %get3A_1045, %ne3A_1048 : vector<16xi32>
          %and3A_1050 = arith.andi %eq3A_1047, %ne3A_1049 : vector<16xi1>
          %add3A_1051 = arith.constant 416 : i32
          %add3A_1052 = vector.broadcast %add3A_1051 : i32 to vector<16xi32>
          %add3A_1053 = arith.addi %iota3A, %add3A_1052 : vector<16xi32>
          %jit3A_1054 = arith.constant 1073741824 : i32
          %broadcast_in_dim3A_1055 = vector.broadcast %jit3A_1054 : i32 to vector<16xi32>
          %select_n3A_1056 = arith.select %and3A_1050, %add3A_1053, %broadcast_in_dim3A_1055 : vector<16xi1>, vector<16xi32>
          %min3A_1057 = arith.minsi %min3A_1043, %select_n3A_1056 : vector<16xi32>
          %get3A_1058 = arith.constant 432 : index
          %get3A_1059 = tpu.vector_load %arg13[%get3A_1058] {strides = array<i32>} : memref<512xi32, #tpu.memory_space<vmem>>, vector<16xi32>,
          %gather3A_1060 = tpu.vector_load_idx %arg10[%get3A_1059] : memref<4096xi32, #tpu.memory_space<vmem>>[vector<16xi32>], vector<16xi32>,
          %eq3A_1061 = arith.cmpi eq, %gather3A_1060, %gather3A : vector<16xi32>
          %ne3A_1062 = vector.broadcast %add3A_640 : i32 to vector<16xi32>
          %ne3A_1063 = arith.cmpi ne, %get3A_1059, %ne3A_1062 : vector<16xi32>
          %and3A_1064 = arith.andi %eq3A_1061, %ne3A_1063 : vector<16xi1>
          %add3A_1065 = arith.constant 432 : i32
          %add3A_1066 = vector.broadcast %add3A_1065 : i32 to vector<16xi32>
          %add3A_1067 = arith.addi %iota3A, %add3A_1066 : vector<16xi32>
          %jit3A_1068 = arith.constant 1073741824 : i32
          %broadcast_in_dim3A_1069 = vector.broadcast %jit3A_1068 : i32 to vector<16xi32>
          %select_n3A_1070 = arith.select %and3A_1064, %add3A_1067, %broadcast_in_dim3A_1069 : vector<16xi1>, vector<16xi32>
          %min3A_1071 = arith.minsi %min3A_1057, %select_n3A_1070 : vector<16xi32>
          %get3A_1072 = arith.constant 448 : index
          %get3A_1073 = tpu.vector_load %arg13[%get3A_1072] {strides = array<i32>} : memref<512xi32, #tpu.memory_space<vmem>>, vector<16xi32>,
          %gather3A_1074 = tpu.vector_load_idx %arg10[%get3A_1073] : memref<4096xi32, #tpu.memory_space<vmem>>[vector<16xi32>], vector<16xi32>,
          %eq3A_1075 = arith.cmpi eq, %gather3A_1074, %gather3A : vector<16xi32>
          %ne3A_1076 = vector.broadcast %add3A_640 : i32 to vector<16xi32>
          %ne3A_1077 = arith.cmpi ne, %get3A_1073, %ne3A_1076 : vector<16xi32>
          %and3A_1078 = arith.andi %eq3A_1075, %ne3A_1077 : vector<16xi1>
          %add3A_1079 = arith.constant 448 : i32
          %add3A_1080 = vector.broadcast %add3A_1079 : i32 to vector<16xi32>
          %add3A_1081 = arith.addi %iota3A, %add3A_1080 : vector<16xi32>
          %jit3A_1082 = arith.constant 1073741824 : i32
          %broadcast_in_dim3A_1083 = vector.broadcast %jit3A_1082 : i32 to vector<16xi32>
          %select_n3A_1084 = arith.select %and3A_1078, %add3A_1081, %broadcast_in_dim3A_1083 : vector<16xi1>, vector<16xi32>
          %min3A_1085 = arith.minsi %min3A_1071, %select_n3A_1084 : vector<16xi32>
          %get3A_1086 = arith.constant 464 : index
          %get3A_1087 = tpu.vector_load %arg13[%get3A_1086] {strides = array<i32>} : memref<512xi32, #tpu.memory_space<vmem>>, vector<16xi32>,
          %gather3A_1088 = tpu.vector_load_idx %arg10[%get3A_1087] : memref<4096xi32, #tpu.memory_space<vmem>>[vector<16xi32>], vector<16xi32>,
          %eq3A_1089 = arith.cmpi eq, %gather3A_1088, %gather3A : vector<16xi32>
          %ne3A_1090 = vector.broadcast %add3A_640 : i32 to vector<16xi32>
          %ne3A_1091 = arith.cmpi ne, %get3A_1087, %ne3A_1090 : vector<16xi32>
          %and3A_1092 = arith.andi %eq3A_1089, %ne3A_1091 : vector<16xi1>
          %add3A_1093 = arith.constant 464 : i32
          %add3A_1094 = vector.broadcast %add3A_1093 : i32 to vector<16xi32>
          %add3A_1095 = arith.addi %iota3A, %add3A_1094 : vector<16xi32>
          %jit3A_1096 = arith.constant 1073741824 : i32
          %broadcast_in_dim3A_1097 = vector.broadcast %jit3A_1096 : i32 to vector<16xi32>
          %select_n3A_1098 = arith.select %and3A_1092, %add3A_1095, %broadcast_in_dim3A_1097 : vector<16xi1>, vector<16xi32>
          %min3A_1099 = arith.minsi %min3A_1085, %select_n3A_1098 : vector<16xi32>
          %get3A_1100 = arith.constant 480 : index
          %get3A_1101 = tpu.vector_load %arg13[%get3A_1100] {strides = array<i32>} : memref<512xi32, #tpu.memory_space<vmem>>, vector<16xi32>,
          %gather3A_1102 = tpu.vector_load_idx %arg10[%get3A_1101] : memref<4096xi32, #tpu.memory_space<vmem>>[vector<16xi32>], vector<16xi32>,
          %eq3A_1103 = arith.cmpi eq, %gather3A_1102, %gather3A : vector<16xi32>
          %ne3A_1104 = vector.broadcast %add3A_640 : i32 to vector<16xi32>
          %ne3A_1105 = arith.cmpi ne, %get3A_1101, %ne3A_1104 : vector<16xi32>
          %and3A_1106 = arith.andi %eq3A_1103, %ne3A_1105 : vector<16xi1>
          %add3A_1107 = arith.constant 480 : i32
          %add3A_1108 = vector.broadcast %add3A_1107 : i32 to vector<16xi32>
          %add3A_1109 = arith.addi %iota3A, %add3A_1108 : vector<16xi32>
          %jit3A_1110 = arith.constant 1073741824 : i32
          %broadcast_in_dim3A_1111 = vector.broadcast %jit3A_1110 : i32 to vector<16xi32>
          %select_n3A_1112 = arith.select %and3A_1106, %add3A_1109, %broadcast_in_dim3A_1111 : vector<16xi1>, vector<16xi32>
          %min3A_1113 = arith.minsi %min3A_1099, %select_n3A_1112 : vector<16xi32>
          %get3A_1114 = arith.constant 496 : index
          %get3A_1115 = tpu.vector_load %arg13[%get3A_1114] {strides = array<i32>} : memref<512xi32, #tpu.memory_space<vmem>>, vector<16xi32>,
          %gather3A_1116 = tpu.vector_load_idx %arg10[%get3A_1115] : memref<4096xi32, #tpu.memory_space<vmem>>[vector<16xi32>], vector<16xi32>,
          %eq3A_1117 = arith.cmpi eq, %gather3A_1116, %gather3A : vector<16xi32>
          %ne3A_1118 = vector.broadcast %add3A_640 : i32 to vector<16xi32>
          %ne3A_1119 = arith.cmpi ne, %get3A_1115, %ne3A_1118 : vector<16xi32>
          %and3A_1120 = arith.andi %eq3A_1117, %ne3A_1119 : vector<16xi1>
          %add3A_1121 = arith.constant 496 : i32
          %add3A_1122 = vector.broadcast %add3A_1121 : i32 to vector<16xi32>
          %add3A_1123 = arith.addi %iota3A, %add3A_1122 : vector<16xi32>
          %jit3A_1124 = arith.constant 1073741824 : i32
          %broadcast_in_dim3A_1125 = vector.broadcast %jit3A_1124 : i32 to vector<16xi32>
          %select_n3A_1126 = arith.select %and3A_1120, %add3A_1123, %broadcast_in_dim3A_1125 : vector<16xi1>, vector<16xi32>
          %min3A_1127 = arith.minsi %min3A_1113, %select_n3A_1126 : vector<16xi32>
          %reduce_min3A_1128 = arith.constant true
          %reduce_min3A_1129 = vector.broadcast %reduce_min3A_1128 : i1 to vector<16xi1>
          %reduce_min3A_1130 = arith.constant -2147483648 : i32
          %reduce_min3A_1131 = vector.broadcast %reduce_min3A_1130 : i32 to vector<16xi32>
          %reduce_min3A_1132 = arith.xori %min3A_1127, %reduce_min3A_1131 : vector<16xi32>
          %reduce_min3A_1133 = tpu.scan <min>, %reduce_min3A_1132 masked %reduce_min3A_1129 : vector<16xi32>, vector<16xi1> -> vector<16xi32>
          %reduce_min3A_1134 = arith.xori %reduce_min3A_1133, %reduce_min3A_1131 : vector<16xi32>
          %reduce_min3A_1135 = vector.extract %reduce_min3A_1134[15] : i32 from vector<16xi32>
          %lt3A = arith.constant 512 : i32
          %lt3A_1136 = arith.cmpi slt, %reduce_min3A_1135, %lt3A : i32
          %min3A_1137 = arith.constant 511 : i32
          %min3A_1138 = arith.minsi %reduce_min3A_1135, %min3A_1137 : i32
          %broadcast_in_dim3A_1139 = vector.broadcast %min3A_1138 : i32 to vector<16xi32>
          %gather3A_1140 = tpu.vector_load_idx %arg13[%broadcast_in_dim3A_1139] : memref<512xi32, #tpu.memory_space<vmem>>[vector<16xi32>], vector<16xi32>,
          %reduce_min3A_1141 = arith.constant true
          %reduce_min3A_1142 = vector.broadcast %reduce_min3A_1141 : i1 to vector<16xi1>
          %reduce_min3A_1143 = arith.constant -2147483648 : i32
          %reduce_min3A_1144 = vector.broadcast %reduce_min3A_1143 : i32 to vector<16xi32>
          %reduce_min3A_1145 = arith.xori %gather3A_1140, %reduce_min3A_1144 : vector<16xi32>
          %reduce_min3A_1146 = tpu.scan <min>, %reduce_min3A_1145 masked %reduce_min3A_1142 : vector<16xi32>, vector<16xi1> -> vector<16xi32>
          %reduce_min3A_1147 = arith.xori %reduce_min3A_1146, %reduce_min3A_1144 : vector<16xi32>
          %reduce_min3A_1148 = vector.extract %reduce_min3A_1147[15] : i32 from vector<16xi32>
          %add3A_1149 = arith.constant 512 : i32
          %add3A_1150 = arith.addi %while3A_677, %add3A_1149 : i32
          %convert_element_type3A_1151 = arith.extui %lt3A_1136 : i1 to i32
          %select_n3A_1152 = arith.select %lt3A_1136, %reduce_min3A_1148, %while3A_679 : i32
          scf.yield %add3A_1150, %convert_element_type3A_1151, %select_n3A_1152 : i32, i32, i32
        }
        %broadcast_in_dim3A_673 = vector.broadcast %scan3A_639 : i32 to vector<16xi32>
        %broadcast_in_dim3A_674 = vector.broadcast %while3A_672#2 : i32 to vector<16xi32>
        tpu.vector_store_idx %arg14[%broadcast_in_dim3A_673], %broadcast_in_dim3A_674 masked %eq3A_4 : memref<128xi32, #tpu.memory_space<vmem>>[vector<16xi32>], vector<16xi32>, vector<16xi1>
        %broadcast_in_dim3A_675 = vector.broadcast %scan3A_639 : i32 to vector<16xi32>
        %broadcast_in_dim3A_676 = vector.broadcast %while3A_672#1 : i32 to vector<16xi32>
        tpu.vector_store_idx %arg16[%broadcast_in_dim3A_675], %broadcast_in_dim3A_676 masked %eq3A_4 : memref<128xi32, #tpu.memory_space<vmem>>[vector<16xi32>], vector<16xi32>, vector<16xi1>
      } else {
      }
      %broadcast_in_dim3A_655 = vector.broadcast %scan3A_639 : i32 to vector<16xi32>
      %gather3A_656 = tpu.vector_load_idx %arg17[%broadcast_in_dim3A_655] : memref<128xi32, #tpu.memory_space<vmem>>[vector<16xi32>], vector<16xi32>,
      %reduce_min3A_657 = arith.constant true
      %reduce_min3A_658 = vector.broadcast %reduce_min3A_657 : i1 to vector<16xi1>
      %reduce_min3A_659 = arith.constant -2147483648 : i32
      %reduce_min3A_660 = vector.broadcast %reduce_min3A_659 : i32 to vector<16xi32>
      %reduce_min3A_661 = arith.xori %gather3A_656, %reduce_min3A_660 : vector<16xi32>
      %reduce_min3A_662 = tpu.scan <min>, %reduce_min3A_661 masked %reduce_min3A_658 : vector<16xi32>, vector<16xi1> -> vector<16xi32>
      %reduce_min3A_663 = arith.xori %reduce_min3A_662, %reduce_min3A_660 : vector<16xi32>
      %reduce_min3A_664 = vector.extract %reduce_min3A_663[15] : i32 from vector<16xi32>
      %eq3A_665 = arith.constant 0 : i32
      %eq3A_666 = arith.cmpi eq, %reduce_min3A_664, %eq3A_665 : i32
      %convert_element_type3A_667 = arith.extui %eq3A_666 : i1 to i32
      %cond3A_668 = arith.constant 0 : i32
      %cond3A_669 = arith.cmpi ne, %convert_element_type3A_667, %cond3A_668 : i32
      scf.if %cond3A_669 {
        %while3A = arith.constant 0 : i32
        %while3A_670 = arith.constant 0 : i32
        %while3A_671 = arith.constant 0 : i32
        %while3A_672:3 = scf.while (%while3A_677 = %while3A, %while3A_678 = %while3A_670, %while3A_679 = %while3A_671) : (i32, i32, i32) -> (i32, i32, i32) {
          %eq3A_680 = arith.constant 0 : i32
          %eq3A_681 = arith.cmpi eq, %while3A_678, %eq3A_680 : i32
          %lt3A = arith.constant 4096 : i32
          %lt3A_682 = arith.cmpi slt, %while3A_677, %lt3A : i32
          %and3A = arith.andi %eq3A_681, %lt3A_682 : i1
          scf.condition(%and3A) %while3A_677, %while3A_678, %while3A_679 : i32, i32, i32
        } do {
        ^bb0(%while3A_677: i32, %while3A_678: i32, %while3A_679: i32):
          %mul3A_680 = arith.constant 4096 : i32
          %mul3A_681 = arith.muli %add3A_640, %mul3A_680 : i32
          %add3A_682 = arith.addi %mul3A_681, %while3A_677 : i32
          %multiple_of3A = tpu.assume_multiple %add3A_682, 512 : i32
          "tpu.region"() ({
            %run_scoped3A = tpu.sem_alloc : memref<!tpu.dma_semaphore, #tpu.memory_space<semaphore_mem>>
            %dma_start3A_1058 = tpu.memref_slice %arg7[%multiple_of3A] : memref<16777216xi32, #tpu.memory_space<hbm>> -> memref<512xi32, #tpu.memory_space<hbm>>
            %dma_start3A_1059 = tpu.memref_slice %arg7[%multiple_of3A] : memref<16777216xi32, #tpu.memory_space<hbm>> -> memref<512xi32, #tpu.memory_space<hbm>>
            tpu.enqueue_dma source(%dma_start3A_1059 : memref<512xi32, #tpu.memory_space<hbm>>) target(%arg13 : memref<512xi32, #tpu.memory_space<vmem>>) target_semaphore(%run_scoped3A : memref<!tpu.dma_semaphore, #tpu.memory_space<semaphore_mem>>)
            %dma_wait3A_1060 = tpu.memref_slice %arg7[%multiple_of3A] : memref<16777216xi32, #tpu.memory_space<hbm>> -> memref<512xi32, #tpu.memory_space<hbm>>
            %dma_wait3A_1061 = tpu.memref_slice %arg7[%multiple_of3A] : memref<16777216xi32, #tpu.memory_space<hbm>> -> memref<512xi32, #tpu.memory_space<hbm>>
            tpu.wait_dma2 semaphore(%run_scoped3A : memref<!tpu.dma_semaphore, #tpu.memory_space<semaphore_mem>>) src(%dma_wait3A_1061 : memref<512xi32, #tpu.memory_space<hbm>>) dst(%arg13 : memref<512xi32, #tpu.memory_space<vmem>>)
            tpu.yield
          }) : () -> ()
          %broadcast_in_dim3A_683 = arith.constant 1073741824 : i32
          %broadcast_in_dim3A_684 = vector.broadcast %broadcast_in_dim3A_683 : i32 to vector<16xi32>
          %get3A_685 = arith.constant 0 : index
          %get3A_686 = tpu.vector_load %arg13[%get3A_685] {strides = array<i32>} : memref<512xi32, #tpu.memory_space<vmem>>, vector<16xi32>,
          %gather3A_687 = tpu.vector_load_idx %arg10[%get3A_686] : memref<4096xi32, #tpu.memory_space<vmem>>[vector<16xi32>], vector<16xi32>,
          %ne3A = arith.cmpi ne, %gather3A_687, %gather3A : vector<16xi32>
          %add3A_688 = arith.constant 0 : i32
          %add3A_689 = vector.broadcast %add3A_688 : i32 to vector<16xi32>
          %add3A_690 = arith.addi %iota3A, %add3A_689 : vector<16xi32>
          %jit3A = arith.constant 1073741824 : i32
          %broadcast_in_dim3A_691 = vector.broadcast %jit3A : i32 to vector<16xi32>
          %select_n3A = arith.select %ne3A, %add3A_690, %broadcast_in_dim3A_691 : vector<16xi1>, vector<16xi32>
          %min3A = arith.minsi %broadcast_in_dim3A_684, %select_n3A : vector<16xi32>
          %get3A_692 = arith.constant 16 : index
          %get3A_693 = tpu.vector_load %arg13[%get3A_692] {strides = array<i32>} : memref<512xi32, #tpu.memory_space<vmem>>, vector<16xi32>,
          %gather3A_694 = tpu.vector_load_idx %arg10[%get3A_693] : memref<4096xi32, #tpu.memory_space<vmem>>[vector<16xi32>], vector<16xi32>,
          %ne3A_695 = arith.cmpi ne, %gather3A_694, %gather3A : vector<16xi32>
          %add3A_696 = arith.constant 16 : i32
          %add3A_697 = vector.broadcast %add3A_696 : i32 to vector<16xi32>
          %add3A_698 = arith.addi %iota3A, %add3A_697 : vector<16xi32>
          %jit3A_699 = arith.constant 1073741824 : i32
          %broadcast_in_dim3A_700 = vector.broadcast %jit3A_699 : i32 to vector<16xi32>
          %select_n3A_701 = arith.select %ne3A_695, %add3A_698, %broadcast_in_dim3A_700 : vector<16xi1>, vector<16xi32>
          %min3A_702 = arith.minsi %min3A, %select_n3A_701 : vector<16xi32>
          %get3A_703 = arith.constant 32 : index
          %get3A_704 = tpu.vector_load %arg13[%get3A_703] {strides = array<i32>} : memref<512xi32, #tpu.memory_space<vmem>>, vector<16xi32>,
          %gather3A_705 = tpu.vector_load_idx %arg10[%get3A_704] : memref<4096xi32, #tpu.memory_space<vmem>>[vector<16xi32>], vector<16xi32>,
          %ne3A_706 = arith.cmpi ne, %gather3A_705, %gather3A : vector<16xi32>
          %add3A_707 = arith.constant 32 : i32
          %add3A_708 = vector.broadcast %add3A_707 : i32 to vector<16xi32>
          %add3A_709 = arith.addi %iota3A, %add3A_708 : vector<16xi32>
          %jit3A_710 = arith.constant 1073741824 : i32
          %broadcast_in_dim3A_711 = vector.broadcast %jit3A_710 : i32 to vector<16xi32>
          %select_n3A_712 = arith.select %ne3A_706, %add3A_709, %broadcast_in_dim3A_711 : vector<16xi1>, vector<16xi32>
          %min3A_713 = arith.minsi %min3A_702, %select_n3A_712 : vector<16xi32>
          %get3A_714 = arith.constant 48 : index
          %get3A_715 = tpu.vector_load %arg13[%get3A_714] {strides = array<i32>} : memref<512xi32, #tpu.memory_space<vmem>>, vector<16xi32>,
          %gather3A_716 = tpu.vector_load_idx %arg10[%get3A_715] : memref<4096xi32, #tpu.memory_space<vmem>>[vector<16xi32>], vector<16xi32>,
          %ne3A_717 = arith.cmpi ne, %gather3A_716, %gather3A : vector<16xi32>
          %add3A_718 = arith.constant 48 : i32
          %add3A_719 = vector.broadcast %add3A_718 : i32 to vector<16xi32>
          %add3A_720 = arith.addi %iota3A, %add3A_719 : vector<16xi32>
          %jit3A_721 = arith.constant 1073741824 : i32
          %broadcast_in_dim3A_722 = vector.broadcast %jit3A_721 : i32 to vector<16xi32>
          %select_n3A_723 = arith.select %ne3A_717, %add3A_720, %broadcast_in_dim3A_722 : vector<16xi1>, vector<16xi32>
          %min3A_724 = arith.minsi %min3A_713, %select_n3A_723 : vector<16xi32>
          %get3A_725 = arith.constant 64 : index
          %get3A_726 = tpu.vector_load %arg13[%get3A_725] {strides = array<i32>} : memref<512xi32, #tpu.memory_space<vmem>>, vector<16xi32>,
          %gather3A_727 = tpu.vector_load_idx %arg10[%get3A_726] : memref<4096xi32, #tpu.memory_space<vmem>>[vector<16xi32>], vector<16xi32>,
          %ne3A_728 = arith.cmpi ne, %gather3A_727, %gather3A : vector<16xi32>
          %add3A_729 = arith.constant 64 : i32
          %add3A_730 = vector.broadcast %add3A_729 : i32 to vector<16xi32>
          %add3A_731 = arith.addi %iota3A, %add3A_730 : vector<16xi32>
          %jit3A_732 = arith.constant 1073741824 : i32
          %broadcast_in_dim3A_733 = vector.broadcast %jit3A_732 : i32 to vector<16xi32>
          %select_n3A_734 = arith.select %ne3A_728, %add3A_731, %broadcast_in_dim3A_733 : vector<16xi1>, vector<16xi32>
          %min3A_735 = arith.minsi %min3A_724, %select_n3A_734 : vector<16xi32>
          %get3A_736 = arith.constant 80 : index
          %get3A_737 = tpu.vector_load %arg13[%get3A_736] {strides = array<i32>} : memref<512xi32, #tpu.memory_space<vmem>>, vector<16xi32>,
          %gather3A_738 = tpu.vector_load_idx %arg10[%get3A_737] : memref<4096xi32, #tpu.memory_space<vmem>>[vector<16xi32>], vector<16xi32>,
          %ne3A_739 = arith.cmpi ne, %gather3A_738, %gather3A : vector<16xi32>
          %add3A_740 = arith.constant 80 : i32
          %add3A_741 = vector.broadcast %add3A_740 : i32 to vector<16xi32>
          %add3A_742 = arith.addi %iota3A, %add3A_741 : vector<16xi32>
          %jit3A_743 = arith.constant 1073741824 : i32
          %broadcast_in_dim3A_744 = vector.broadcast %jit3A_743 : i32 to vector<16xi32>
          %select_n3A_745 = arith.select %ne3A_739, %add3A_742, %broadcast_in_dim3A_744 : vector<16xi1>, vector<16xi32>
          %min3A_746 = arith.minsi %min3A_735, %select_n3A_745 : vector<16xi32>
          %get3A_747 = arith.constant 96 : index
          %get3A_748 = tpu.vector_load %arg13[%get3A_747] {strides = array<i32>} : memref<512xi32, #tpu.memory_space<vmem>>, vector<16xi32>,
          %gather3A_749 = tpu.vector_load_idx %arg10[%get3A_748] : memref<4096xi32, #tpu.memory_space<vmem>>[vector<16xi32>], vector<16xi32>,
          %ne3A_750 = arith.cmpi ne, %gather3A_749, %gather3A : vector<16xi32>
          %add3A_751 = arith.constant 96 : i32
          %add3A_752 = vector.broadcast %add3A_751 : i32 to vector<16xi32>
          %add3A_753 = arith.addi %iota3A, %add3A_752 : vector<16xi32>
          %jit3A_754 = arith.constant 1073741824 : i32
          %broadcast_in_dim3A_755 = vector.broadcast %jit3A_754 : i32 to vector<16xi32>
          %select_n3A_756 = arith.select %ne3A_750, %add3A_753, %broadcast_in_dim3A_755 : vector<16xi1>, vector<16xi32>
          %min3A_757 = arith.minsi %min3A_746, %select_n3A_756 : vector<16xi32>
          %get3A_758 = arith.constant 112 : index
          %get3A_759 = tpu.vector_load %arg13[%get3A_758] {strides = array<i32>} : memref<512xi32, #tpu.memory_space<vmem>>, vector<16xi32>,
          %gather3A_760 = tpu.vector_load_idx %arg10[%get3A_759] : memref<4096xi32, #tpu.memory_space<vmem>>[vector<16xi32>], vector<16xi32>,
          %ne3A_761 = arith.cmpi ne, %gather3A_760, %gather3A : vector<16xi32>
          %add3A_762 = arith.constant 112 : i32
          %add3A_763 = vector.broadcast %add3A_762 : i32 to vector<16xi32>
          %add3A_764 = arith.addi %iota3A, %add3A_763 : vector<16xi32>
          %jit3A_765 = arith.constant 1073741824 : i32
          %broadcast_in_dim3A_766 = vector.broadcast %jit3A_765 : i32 to vector<16xi32>
          %select_n3A_767 = arith.select %ne3A_761, %add3A_764, %broadcast_in_dim3A_766 : vector<16xi1>, vector<16xi32>
          %min3A_768 = arith.minsi %min3A_757, %select_n3A_767 : vector<16xi32>
          %get3A_769 = arith.constant 128 : index
          %get3A_770 = tpu.vector_load %arg13[%get3A_769] {strides = array<i32>} : memref<512xi32, #tpu.memory_space<vmem>>, vector<16xi32>,
          %gather3A_771 = tpu.vector_load_idx %arg10[%get3A_770] : memref<4096xi32, #tpu.memory_space<vmem>>[vector<16xi32>], vector<16xi32>,
          %ne3A_772 = arith.cmpi ne, %gather3A_771, %gather3A : vector<16xi32>
          %add3A_773 = arith.constant 128 : i32
          %add3A_774 = vector.broadcast %add3A_773 : i32 to vector<16xi32>
          %add3A_775 = arith.addi %iota3A, %add3A_774 : vector<16xi32>
          %jit3A_776 = arith.constant 1073741824 : i32
          %broadcast_in_dim3A_777 = vector.broadcast %jit3A_776 : i32 to vector<16xi32>
          %select_n3A_778 = arith.select %ne3A_772, %add3A_775, %broadcast_in_dim3A_777 : vector<16xi1>, vector<16xi32>
          %min3A_779 = arith.minsi %min3A_768, %select_n3A_778 : vector<16xi32>
          %get3A_780 = arith.constant 144 : index
          %get3A_781 = tpu.vector_load %arg13[%get3A_780] {strides = array<i32>} : memref<512xi32, #tpu.memory_space<vmem>>, vector<16xi32>,
          %gather3A_782 = tpu.vector_load_idx %arg10[%get3A_781] : memref<4096xi32, #tpu.memory_space<vmem>>[vector<16xi32>], vector<16xi32>,
          %ne3A_783 = arith.cmpi ne, %gather3A_782, %gather3A : vector<16xi32>
          %add3A_784 = arith.constant 144 : i32
          %add3A_785 = vector.broadcast %add3A_784 : i32 to vector<16xi32>
          %add3A_786 = arith.addi %iota3A, %add3A_785 : vector<16xi32>
          %jit3A_787 = arith.constant 1073741824 : i32
          %broadcast_in_dim3A_788 = vector.broadcast %jit3A_787 : i32 to vector<16xi32>
          %select_n3A_789 = arith.select %ne3A_783, %add3A_786, %broadcast_in_dim3A_788 : vector<16xi1>, vector<16xi32>
          %min3A_790 = arith.minsi %min3A_779, %select_n3A_789 : vector<16xi32>
          %get3A_791 = arith.constant 160 : index
          %get3A_792 = tpu.vector_load %arg13[%get3A_791] {strides = array<i32>} : memref<512xi32, #tpu.memory_space<vmem>>, vector<16xi32>,
          %gather3A_793 = tpu.vector_load_idx %arg10[%get3A_792] : memref<4096xi32, #tpu.memory_space<vmem>>[vector<16xi32>], vector<16xi32>,
          %ne3A_794 = arith.cmpi ne, %gather3A_793, %gather3A : vector<16xi32>
          %add3A_795 = arith.constant 160 : i32
          %add3A_796 = vector.broadcast %add3A_795 : i32 to vector<16xi32>
          %add3A_797 = arith.addi %iota3A, %add3A_796 : vector<16xi32>
          %jit3A_798 = arith.constant 1073741824 : i32
          %broadcast_in_dim3A_799 = vector.broadcast %jit3A_798 : i32 to vector<16xi32>
          %select_n3A_800 = arith.select %ne3A_794, %add3A_797, %broadcast_in_dim3A_799 : vector<16xi1>, vector<16xi32>
          %min3A_801 = arith.minsi %min3A_790, %select_n3A_800 : vector<16xi32>
          %get3A_802 = arith.constant 176 : index
          %get3A_803 = tpu.vector_load %arg13[%get3A_802] {strides = array<i32>} : memref<512xi32, #tpu.memory_space<vmem>>, vector<16xi32>,
          %gather3A_804 = tpu.vector_load_idx %arg10[%get3A_803] : memref<4096xi32, #tpu.memory_space<vmem>>[vector<16xi32>], vector<16xi32>,
          %ne3A_805 = arith.cmpi ne, %gather3A_804, %gather3A : vector<16xi32>
          %add3A_806 = arith.constant 176 : i32
          %add3A_807 = vector.broadcast %add3A_806 : i32 to vector<16xi32>
          %add3A_808 = arith.addi %iota3A, %add3A_807 : vector<16xi32>
          %jit3A_809 = arith.constant 1073741824 : i32
          %broadcast_in_dim3A_810 = vector.broadcast %jit3A_809 : i32 to vector<16xi32>
          %select_n3A_811 = arith.select %ne3A_805, %add3A_808, %broadcast_in_dim3A_810 : vector<16xi1>, vector<16xi32>
          %min3A_812 = arith.minsi %min3A_801, %select_n3A_811 : vector<16xi32>
          %get3A_813 = arith.constant 192 : index
          %get3A_814 = tpu.vector_load %arg13[%get3A_813] {strides = array<i32>} : memref<512xi32, #tpu.memory_space<vmem>>, vector<16xi32>,
          %gather3A_815 = tpu.vector_load_idx %arg10[%get3A_814] : memref<4096xi32, #tpu.memory_space<vmem>>[vector<16xi32>], vector<16xi32>,
          %ne3A_816 = arith.cmpi ne, %gather3A_815, %gather3A : vector<16xi32>
          %add3A_817 = arith.constant 192 : i32
          %add3A_818 = vector.broadcast %add3A_817 : i32 to vector<16xi32>
          %add3A_819 = arith.addi %iota3A, %add3A_818 : vector<16xi32>
          %jit3A_820 = arith.constant 1073741824 : i32
          %broadcast_in_dim3A_821 = vector.broadcast %jit3A_820 : i32 to vector<16xi32>
          %select_n3A_822 = arith.select %ne3A_816, %add3A_819, %broadcast_in_dim3A_821 : vector<16xi1>, vector<16xi32>
          %min3A_823 = arith.minsi %min3A_812, %select_n3A_822 : vector<16xi32>
          %get3A_824 = arith.constant 208 : index
          %get3A_825 = tpu.vector_load %arg13[%get3A_824] {strides = array<i32>} : memref<512xi32, #tpu.memory_space<vmem>>, vector<16xi32>,
          %gather3A_826 = tpu.vector_load_idx %arg10[%get3A_825] : memref<4096xi32, #tpu.memory_space<vmem>>[vector<16xi32>], vector<16xi32>,
          %ne3A_827 = arith.cmpi ne, %gather3A_826, %gather3A : vector<16xi32>
          %add3A_828 = arith.constant 208 : i32
          %add3A_829 = vector.broadcast %add3A_828 : i32 to vector<16xi32>
          %add3A_830 = arith.addi %iota3A, %add3A_829 : vector<16xi32>
          %jit3A_831 = arith.constant 1073741824 : i32
          %broadcast_in_dim3A_832 = vector.broadcast %jit3A_831 : i32 to vector<16xi32>
          %select_n3A_833 = arith.select %ne3A_827, %add3A_830, %broadcast_in_dim3A_832 : vector<16xi1>, vector<16xi32>
          %min3A_834 = arith.minsi %min3A_823, %select_n3A_833 : vector<16xi32>
          %get3A_835 = arith.constant 224 : index
          %get3A_836 = tpu.vector_load %arg13[%get3A_835] {strides = array<i32>} : memref<512xi32, #tpu.memory_space<vmem>>, vector<16xi32>,
          %gather3A_837 = tpu.vector_load_idx %arg10[%get3A_836] : memref<4096xi32, #tpu.memory_space<vmem>>[vector<16xi32>], vector<16xi32>,
          %ne3A_838 = arith.cmpi ne, %gather3A_837, %gather3A : vector<16xi32>
          %add3A_839 = arith.constant 224 : i32
          %add3A_840 = vector.broadcast %add3A_839 : i32 to vector<16xi32>
          %add3A_841 = arith.addi %iota3A, %add3A_840 : vector<16xi32>
          %jit3A_842 = arith.constant 1073741824 : i32
          %broadcast_in_dim3A_843 = vector.broadcast %jit3A_842 : i32 to vector<16xi32>
          %select_n3A_844 = arith.select %ne3A_838, %add3A_841, %broadcast_in_dim3A_843 : vector<16xi1>, vector<16xi32>
          %min3A_845 = arith.minsi %min3A_834, %select_n3A_844 : vector<16xi32>
          %get3A_846 = arith.constant 240 : index
          %get3A_847 = tpu.vector_load %arg13[%get3A_846] {strides = array<i32>} : memref<512xi32, #tpu.memory_space<vmem>>, vector<16xi32>,
          %gather3A_848 = tpu.vector_load_idx %arg10[%get3A_847] : memref<4096xi32, #tpu.memory_space<vmem>>[vector<16xi32>], vector<16xi32>,
          %ne3A_849 = arith.cmpi ne, %gather3A_848, %gather3A : vector<16xi32>
          %add3A_850 = arith.constant 240 : i32
          %add3A_851 = vector.broadcast %add3A_850 : i32 to vector<16xi32>
          %add3A_852 = arith.addi %iota3A, %add3A_851 : vector<16xi32>
          %jit3A_853 = arith.constant 1073741824 : i32
          %broadcast_in_dim3A_854 = vector.broadcast %jit3A_853 : i32 to vector<16xi32>
          %select_n3A_855 = arith.select %ne3A_849, %add3A_852, %broadcast_in_dim3A_854 : vector<16xi1>, vector<16xi32>
          %min3A_856 = arith.minsi %min3A_845, %select_n3A_855 : vector<16xi32>
          %get3A_857 = arith.constant 256 : index
          %get3A_858 = tpu.vector_load %arg13[%get3A_857] {strides = array<i32>} : memref<512xi32, #tpu.memory_space<vmem>>, vector<16xi32>,
          %gather3A_859 = tpu.vector_load_idx %arg10[%get3A_858] : memref<4096xi32, #tpu.memory_space<vmem>>[vector<16xi32>], vector<16xi32>,
          %ne3A_860 = arith.cmpi ne, %gather3A_859, %gather3A : vector<16xi32>
          %add3A_861 = arith.constant 256 : i32
          %add3A_862 = vector.broadcast %add3A_861 : i32 to vector<16xi32>
          %add3A_863 = arith.addi %iota3A, %add3A_862 : vector<16xi32>
          %jit3A_864 = arith.constant 1073741824 : i32
          %broadcast_in_dim3A_865 = vector.broadcast %jit3A_864 : i32 to vector<16xi32>
          %select_n3A_866 = arith.select %ne3A_860, %add3A_863, %broadcast_in_dim3A_865 : vector<16xi1>, vector<16xi32>
          %min3A_867 = arith.minsi %min3A_856, %select_n3A_866 : vector<16xi32>
          %get3A_868 = arith.constant 272 : index
          %get3A_869 = tpu.vector_load %arg13[%get3A_868] {strides = array<i32>} : memref<512xi32, #tpu.memory_space<vmem>>, vector<16xi32>,
          %gather3A_870 = tpu.vector_load_idx %arg10[%get3A_869] : memref<4096xi32, #tpu.memory_space<vmem>>[vector<16xi32>], vector<16xi32>,
          %ne3A_871 = arith.cmpi ne, %gather3A_870, %gather3A : vector<16xi32>
          %add3A_872 = arith.constant 272 : i32
          %add3A_873 = vector.broadcast %add3A_872 : i32 to vector<16xi32>
          %add3A_874 = arith.addi %iota3A, %add3A_873 : vector<16xi32>
          %jit3A_875 = arith.constant 1073741824 : i32
          %broadcast_in_dim3A_876 = vector.broadcast %jit3A_875 : i32 to vector<16xi32>
          %select_n3A_877 = arith.select %ne3A_871, %add3A_874, %broadcast_in_dim3A_876 : vector<16xi1>, vector<16xi32>
          %min3A_878 = arith.minsi %min3A_867, %select_n3A_877 : vector<16xi32>
          %get3A_879 = arith.constant 288 : index
          %get3A_880 = tpu.vector_load %arg13[%get3A_879] {strides = array<i32>} : memref<512xi32, #tpu.memory_space<vmem>>, vector<16xi32>,
          %gather3A_881 = tpu.vector_load_idx %arg10[%get3A_880] : memref<4096xi32, #tpu.memory_space<vmem>>[vector<16xi32>], vector<16xi32>,
          %ne3A_882 = arith.cmpi ne, %gather3A_881, %gather3A : vector<16xi32>
          %add3A_883 = arith.constant 288 : i32
          %add3A_884 = vector.broadcast %add3A_883 : i32 to vector<16xi32>
          %add3A_885 = arith.addi %iota3A, %add3A_884 : vector<16xi32>
          %jit3A_886 = arith.constant 1073741824 : i32
          %broadcast_in_dim3A_887 = vector.broadcast %jit3A_886 : i32 to vector<16xi32>
          %select_n3A_888 = arith.select %ne3A_882, %add3A_885, %broadcast_in_dim3A_887 : vector<16xi1>, vector<16xi32>
          %min3A_889 = arith.minsi %min3A_878, %select_n3A_888 : vector<16xi32>
          %get3A_890 = arith.constant 304 : index
          %get3A_891 = tpu.vector_load %arg13[%get3A_890] {strides = array<i32>} : memref<512xi32, #tpu.memory_space<vmem>>, vector<16xi32>,
          %gather3A_892 = tpu.vector_load_idx %arg10[%get3A_891] : memref<4096xi32, #tpu.memory_space<vmem>>[vector<16xi32>], vector<16xi32>,
          %ne3A_893 = arith.cmpi ne, %gather3A_892, %gather3A : vector<16xi32>
          %add3A_894 = arith.constant 304 : i32
          %add3A_895 = vector.broadcast %add3A_894 : i32 to vector<16xi32>
          %add3A_896 = arith.addi %iota3A, %add3A_895 : vector<16xi32>
          %jit3A_897 = arith.constant 1073741824 : i32
          %broadcast_in_dim3A_898 = vector.broadcast %jit3A_897 : i32 to vector<16xi32>
          %select_n3A_899 = arith.select %ne3A_893, %add3A_896, %broadcast_in_dim3A_898 : vector<16xi1>, vector<16xi32>
          %min3A_900 = arith.minsi %min3A_889, %select_n3A_899 : vector<16xi32>
          %get3A_901 = arith.constant 320 : index
          %get3A_902 = tpu.vector_load %arg13[%get3A_901] {strides = array<i32>} : memref<512xi32, #tpu.memory_space<vmem>>, vector<16xi32>,
          %gather3A_903 = tpu.vector_load_idx %arg10[%get3A_902] : memref<4096xi32, #tpu.memory_space<vmem>>[vector<16xi32>], vector<16xi32>,
          %ne3A_904 = arith.cmpi ne, %gather3A_903, %gather3A : vector<16xi32>
          %add3A_905 = arith.constant 320 : i32
          %add3A_906 = vector.broadcast %add3A_905 : i32 to vector<16xi32>
          %add3A_907 = arith.addi %iota3A, %add3A_906 : vector<16xi32>
          %jit3A_908 = arith.constant 1073741824 : i32
          %broadcast_in_dim3A_909 = vector.broadcast %jit3A_908 : i32 to vector<16xi32>
          %select_n3A_910 = arith.select %ne3A_904, %add3A_907, %broadcast_in_dim3A_909 : vector<16xi1>, vector<16xi32>
          %min3A_911 = arith.minsi %min3A_900, %select_n3A_910 : vector<16xi32>
          %get3A_912 = arith.constant 336 : index
          %get3A_913 = tpu.vector_load %arg13[%get3A_912] {strides = array<i32>} : memref<512xi32, #tpu.memory_space<vmem>>, vector<16xi32>,
          %gather3A_914 = tpu.vector_load_idx %arg10[%get3A_913] : memref<4096xi32, #tpu.memory_space<vmem>>[vector<16xi32>], vector<16xi32>,
          %ne3A_915 = arith.cmpi ne, %gather3A_914, %gather3A : vector<16xi32>
          %add3A_916 = arith.constant 336 : i32
          %add3A_917 = vector.broadcast %add3A_916 : i32 to vector<16xi32>
          %add3A_918 = arith.addi %iota3A, %add3A_917 : vector<16xi32>
          %jit3A_919 = arith.constant 1073741824 : i32
          %broadcast_in_dim3A_920 = vector.broadcast %jit3A_919 : i32 to vector<16xi32>
          %select_n3A_921 = arith.select %ne3A_915, %add3A_918, %broadcast_in_dim3A_920 : vector<16xi1>, vector<16xi32>
          %min3A_922 = arith.minsi %min3A_911, %select_n3A_921 : vector<16xi32>
          %get3A_923 = arith.constant 352 : index
          %get3A_924 = tpu.vector_load %arg13[%get3A_923] {strides = array<i32>} : memref<512xi32, #tpu.memory_space<vmem>>, vector<16xi32>,
          %gather3A_925 = tpu.vector_load_idx %arg10[%get3A_924] : memref<4096xi32, #tpu.memory_space<vmem>>[vector<16xi32>], vector<16xi32>,
          %ne3A_926 = arith.cmpi ne, %gather3A_925, %gather3A : vector<16xi32>
          %add3A_927 = arith.constant 352 : i32
          %add3A_928 = vector.broadcast %add3A_927 : i32 to vector<16xi32>
          %add3A_929 = arith.addi %iota3A, %add3A_928 : vector<16xi32>
          %jit3A_930 = arith.constant 1073741824 : i32
          %broadcast_in_dim3A_931 = vector.broadcast %jit3A_930 : i32 to vector<16xi32>
          %select_n3A_932 = arith.select %ne3A_926, %add3A_929, %broadcast_in_dim3A_931 : vector<16xi1>, vector<16xi32>
          %min3A_933 = arith.minsi %min3A_922, %select_n3A_932 : vector<16xi32>
          %get3A_934 = arith.constant 368 : index
          %get3A_935 = tpu.vector_load %arg13[%get3A_934] {strides = array<i32>} : memref<512xi32, #tpu.memory_space<vmem>>, vector<16xi32>,
          %gather3A_936 = tpu.vector_load_idx %arg10[%get3A_935] : memref<4096xi32, #tpu.memory_space<vmem>>[vector<16xi32>], vector<16xi32>,
          %ne3A_937 = arith.cmpi ne, %gather3A_936, %gather3A : vector<16xi32>
          %add3A_938 = arith.constant 368 : i32
          %add3A_939 = vector.broadcast %add3A_938 : i32 to vector<16xi32>
          %add3A_940 = arith.addi %iota3A, %add3A_939 : vector<16xi32>
          %jit3A_941 = arith.constant 1073741824 : i32
          %broadcast_in_dim3A_942 = vector.broadcast %jit3A_941 : i32 to vector<16xi32>
          %select_n3A_943 = arith.select %ne3A_937, %add3A_940, %broadcast_in_dim3A_942 : vector<16xi1>, vector<16xi32>
          %min3A_944 = arith.minsi %min3A_933, %select_n3A_943 : vector<16xi32>
          %get3A_945 = arith.constant 384 : index
          %get3A_946 = tpu.vector_load %arg13[%get3A_945] {strides = array<i32>} : memref<512xi32, #tpu.memory_space<vmem>>, vector<16xi32>,
          %gather3A_947 = tpu.vector_load_idx %arg10[%get3A_946] : memref<4096xi32, #tpu.memory_space<vmem>>[vector<16xi32>], vector<16xi32>,
          %ne3A_948 = arith.cmpi ne, %gather3A_947, %gather3A : vector<16xi32>
          %add3A_949 = arith.constant 384 : i32
          %add3A_950 = vector.broadcast %add3A_949 : i32 to vector<16xi32>
          %add3A_951 = arith.addi %iota3A, %add3A_950 : vector<16xi32>
          %jit3A_952 = arith.constant 1073741824 : i32
          %broadcast_in_dim3A_953 = vector.broadcast %jit3A_952 : i32 to vector<16xi32>
          %select_n3A_954 = arith.select %ne3A_948, %add3A_951, %broadcast_in_dim3A_953 : vector<16xi1>, vector<16xi32>
          %min3A_955 = arith.minsi %min3A_944, %select_n3A_954 : vector<16xi32>
          %get3A_956 = arith.constant 400 : index
          %get3A_957 = tpu.vector_load %arg13[%get3A_956] {strides = array<i32>} : memref<512xi32, #tpu.memory_space<vmem>>, vector<16xi32>,
          %gather3A_958 = tpu.vector_load_idx %arg10[%get3A_957] : memref<4096xi32, #tpu.memory_space<vmem>>[vector<16xi32>], vector<16xi32>,
          %ne3A_959 = arith.cmpi ne, %gather3A_958, %gather3A : vector<16xi32>
          %add3A_960 = arith.constant 400 : i32
          %add3A_961 = vector.broadcast %add3A_960 : i32 to vector<16xi32>
          %add3A_962 = arith.addi %iota3A, %add3A_961 : vector<16xi32>
          %jit3A_963 = arith.constant 1073741824 : i32
          %broadcast_in_dim3A_964 = vector.broadcast %jit3A_963 : i32 to vector<16xi32>
          %select_n3A_965 = arith.select %ne3A_959, %add3A_962, %broadcast_in_dim3A_964 : vector<16xi1>, vector<16xi32>
          %min3A_966 = arith.minsi %min3A_955, %select_n3A_965 : vector<16xi32>
          %get3A_967 = arith.constant 416 : index
          %get3A_968 = tpu.vector_load %arg13[%get3A_967] {strides = array<i32>} : memref<512xi32, #tpu.memory_space<vmem>>, vector<16xi32>,
          %gather3A_969 = tpu.vector_load_idx %arg10[%get3A_968] : memref<4096xi32, #tpu.memory_space<vmem>>[vector<16xi32>], vector<16xi32>,
          %ne3A_970 = arith.cmpi ne, %gather3A_969, %gather3A : vector<16xi32>
          %add3A_971 = arith.constant 416 : i32
          %add3A_972 = vector.broadcast %add3A_971 : i32 to vector<16xi32>
          %add3A_973 = arith.addi %iota3A, %add3A_972 : vector<16xi32>
          %jit3A_974 = arith.constant 1073741824 : i32
          %broadcast_in_dim3A_975 = vector.broadcast %jit3A_974 : i32 to vector<16xi32>
          %select_n3A_976 = arith.select %ne3A_970, %add3A_973, %broadcast_in_dim3A_975 : vector<16xi1>, vector<16xi32>
          %min3A_977 = arith.minsi %min3A_966, %select_n3A_976 : vector<16xi32>
          %get3A_978 = arith.constant 432 : index
          %get3A_979 = tpu.vector_load %arg13[%get3A_978] {strides = array<i32>} : memref<512xi32, #tpu.memory_space<vmem>>, vector<16xi32>,
          %gather3A_980 = tpu.vector_load_idx %arg10[%get3A_979] : memref<4096xi32, #tpu.memory_space<vmem>>[vector<16xi32>], vector<16xi32>,
          %ne3A_981 = arith.cmpi ne, %gather3A_980, %gather3A : vector<16xi32>
          %add3A_982 = arith.constant 432 : i32
          %add3A_983 = vector.broadcast %add3A_982 : i32 to vector<16xi32>
          %add3A_984 = arith.addi %iota3A, %add3A_983 : vector<16xi32>
          %jit3A_985 = arith.constant 1073741824 : i32
          %broadcast_in_dim3A_986 = vector.broadcast %jit3A_985 : i32 to vector<16xi32>
          %select_n3A_987 = arith.select %ne3A_981, %add3A_984, %broadcast_in_dim3A_986 : vector<16xi1>, vector<16xi32>
          %min3A_988 = arith.minsi %min3A_977, %select_n3A_987 : vector<16xi32>
          %get3A_989 = arith.constant 448 : index
          %get3A_990 = tpu.vector_load %arg13[%get3A_989] {strides = array<i32>} : memref<512xi32, #tpu.memory_space<vmem>>, vector<16xi32>,
          %gather3A_991 = tpu.vector_load_idx %arg10[%get3A_990] : memref<4096xi32, #tpu.memory_space<vmem>>[vector<16xi32>], vector<16xi32>,
          %ne3A_992 = arith.cmpi ne, %gather3A_991, %gather3A : vector<16xi32>
          %add3A_993 = arith.constant 448 : i32
          %add3A_994 = vector.broadcast %add3A_993 : i32 to vector<16xi32>
          %add3A_995 = arith.addi %iota3A, %add3A_994 : vector<16xi32>
          %jit3A_996 = arith.constant 1073741824 : i32
          %broadcast_in_dim3A_997 = vector.broadcast %jit3A_996 : i32 to vector<16xi32>
          %select_n3A_998 = arith.select %ne3A_992, %add3A_995, %broadcast_in_dim3A_997 : vector<16xi1>, vector<16xi32>
          %min3A_999 = arith.minsi %min3A_988, %select_n3A_998 : vector<16xi32>
          %get3A_1000 = arith.constant 464 : index
          %get3A_1001 = tpu.vector_load %arg13[%get3A_1000] {strides = array<i32>} : memref<512xi32, #tpu.memory_space<vmem>>, vector<16xi32>,
          %gather3A_1002 = tpu.vector_load_idx %arg10[%get3A_1001] : memref<4096xi32, #tpu.memory_space<vmem>>[vector<16xi32>], vector<16xi32>,
          %ne3A_1003 = arith.cmpi ne, %gather3A_1002, %gather3A : vector<16xi32>
          %add3A_1004 = arith.constant 464 : i32
          %add3A_1005 = vector.broadcast %add3A_1004 : i32 to vector<16xi32>
          %add3A_1006 = arith.addi %iota3A, %add3A_1005 : vector<16xi32>
          %jit3A_1007 = arith.constant 1073741824 : i32
          %broadcast_in_dim3A_1008 = vector.broadcast %jit3A_1007 : i32 to vector<16xi32>
          %select_n3A_1009 = arith.select %ne3A_1003, %add3A_1006, %broadcast_in_dim3A_1008 : vector<16xi1>, vector<16xi32>
          %min3A_1010 = arith.minsi %min3A_999, %select_n3A_1009 : vector<16xi32>
          %get3A_1011 = arith.constant 480 : index
          %get3A_1012 = tpu.vector_load %arg13[%get3A_1011] {strides = array<i32>} : memref<512xi32, #tpu.memory_space<vmem>>, vector<16xi32>,
          %gather3A_1013 = tpu.vector_load_idx %arg10[%get3A_1012] : memref<4096xi32, #tpu.memory_space<vmem>>[vector<16xi32>], vector<16xi32>,
          %ne3A_1014 = arith.cmpi ne, %gather3A_1013, %gather3A : vector<16xi32>
          %add3A_1015 = arith.constant 480 : i32
          %add3A_1016 = vector.broadcast %add3A_1015 : i32 to vector<16xi32>
          %add3A_1017 = arith.addi %iota3A, %add3A_1016 : vector<16xi32>
          %jit3A_1018 = arith.constant 1073741824 : i32
          %broadcast_in_dim3A_1019 = vector.broadcast %jit3A_1018 : i32 to vector<16xi32>
          %select_n3A_1020 = arith.select %ne3A_1014, %add3A_1017, %broadcast_in_dim3A_1019 : vector<16xi1>, vector<16xi32>
          %min3A_1021 = arith.minsi %min3A_1010, %select_n3A_1020 : vector<16xi32>
          %get3A_1022 = arith.constant 496 : index
          %get3A_1023 = tpu.vector_load %arg13[%get3A_1022] {strides = array<i32>} : memref<512xi32, #tpu.memory_space<vmem>>, vector<16xi32>,
          %gather3A_1024 = tpu.vector_load_idx %arg10[%get3A_1023] : memref<4096xi32, #tpu.memory_space<vmem>>[vector<16xi32>], vector<16xi32>,
          %ne3A_1025 = arith.cmpi ne, %gather3A_1024, %gather3A : vector<16xi32>
          %add3A_1026 = arith.constant 496 : i32
          %add3A_1027 = vector.broadcast %add3A_1026 : i32 to vector<16xi32>
          %add3A_1028 = arith.addi %iota3A, %add3A_1027 : vector<16xi32>
          %jit3A_1029 = arith.constant 1073741824 : i32
          %broadcast_in_dim3A_1030 = vector.broadcast %jit3A_1029 : i32 to vector<16xi32>
          %select_n3A_1031 = arith.select %ne3A_1025, %add3A_1028, %broadcast_in_dim3A_1030 : vector<16xi1>, vector<16xi32>
          %min3A_1032 = arith.minsi %min3A_1021, %select_n3A_1031 : vector<16xi32>
          %reduce_min3A_1033 = arith.constant true
          %reduce_min3A_1034 = vector.broadcast %reduce_min3A_1033 : i1 to vector<16xi1>
          %reduce_min3A_1035 = arith.constant -2147483648 : i32
          %reduce_min3A_1036 = vector.broadcast %reduce_min3A_1035 : i32 to vector<16xi32>
          %reduce_min3A_1037 = arith.xori %min3A_1032, %reduce_min3A_1036 : vector<16xi32>
          %reduce_min3A_1038 = tpu.scan <min>, %reduce_min3A_1037 masked %reduce_min3A_1034 : vector<16xi32>, vector<16xi1> -> vector<16xi32>
          %reduce_min3A_1039 = arith.xori %reduce_min3A_1038, %reduce_min3A_1036 : vector<16xi32>
          %reduce_min3A_1040 = vector.extract %reduce_min3A_1039[15] : i32 from vector<16xi32>
          %lt3A = arith.constant 512 : i32
          %lt3A_1041 = arith.cmpi slt, %reduce_min3A_1040, %lt3A : i32
          %min3A_1042 = arith.constant 511 : i32
          %min3A_1043 = arith.minsi %reduce_min3A_1040, %min3A_1042 : i32
          %broadcast_in_dim3A_1044 = vector.broadcast %min3A_1043 : i32 to vector<16xi32>
          %gather3A_1045 = tpu.vector_load_idx %arg13[%broadcast_in_dim3A_1044] : memref<512xi32, #tpu.memory_space<vmem>>[vector<16xi32>], vector<16xi32>,
          %reduce_min3A_1046 = arith.constant true
          %reduce_min3A_1047 = vector.broadcast %reduce_min3A_1046 : i1 to vector<16xi1>
          %reduce_min3A_1048 = arith.constant -2147483648 : i32
          %reduce_min3A_1049 = vector.broadcast %reduce_min3A_1048 : i32 to vector<16xi32>
          %reduce_min3A_1050 = arith.xori %gather3A_1045, %reduce_min3A_1049 : vector<16xi32>
          %reduce_min3A_1051 = tpu.scan <min>, %reduce_min3A_1050 masked %reduce_min3A_1047 : vector<16xi32>, vector<16xi1> -> vector<16xi32>
          %reduce_min3A_1052 = arith.xori %reduce_min3A_1051, %reduce_min3A_1049 : vector<16xi32>
          %reduce_min3A_1053 = vector.extract %reduce_min3A_1052[15] : i32 from vector<16xi32>
          %add3A_1054 = arith.constant 512 : i32
          %add3A_1055 = arith.addi %while3A_677, %add3A_1054 : i32
          %convert_element_type3A_1056 = arith.extui %lt3A_1041 : i1 to i32
          %select_n3A_1057 = arith.select %lt3A_1041, %reduce_min3A_1053, %while3A_679 : i32
          scf.yield %add3A_1055, %convert_element_type3A_1056, %select_n3A_1057 : i32, i32, i32
        }
        %broadcast_in_dim3A_673 = vector.broadcast %scan3A_639 : i32 to vector<16xi32>
        %broadcast_in_dim3A_674 = vector.broadcast %while3A_672#2 : i32 to vector<16xi32>
        tpu.vector_store_idx %arg15[%broadcast_in_dim3A_673], %broadcast_in_dim3A_674 masked %eq3A_4 : memref<128xi32, #tpu.memory_space<vmem>>[vector<16xi32>], vector<16xi32>, vector<16xi1>
        %broadcast_in_dim3A_675 = vector.broadcast %scan3A_639 : i32 to vector<16xi32>
        %broadcast_in_dim3A_676 = vector.broadcast %while3A_672#1 : i32 to vector<16xi32>
        tpu.vector_store_idx %arg17[%broadcast_in_dim3A_675], %broadcast_in_dim3A_676 masked %eq3A_4 : memref<128xi32, #tpu.memory_space<vmem>>[vector<16xi32>], vector<16xi32>, vector<16xi1>
      } else {
      }
    }
    %scan3A_15 = arith.constant 128 : i32
    %dma_start3A = arith.constant 0 : i32
    %dma_start3A_16 = arith.constant 0 : i32
    %dma_start3A_17 = tpu.memref_slice %arg2[%dma_start3A, %dma_start3A_16] : memref<4096x64xf32, #tpu.memory_space<hbm>> -> memref<4096x64xf32, #tpu.memory_space<hbm>>
    tpu.enqueue_indirect_dma source(%dma_start3A_17 : memref<4096x64xf32, #tpu.memory_space<hbm>>) target(%arg19 : memref<128x64xf32, #tpu.memory_space<vmem>>) offsets(%arg14 : memref<128xi32, #tpu.memory_space<vmem>>) semaphore(%arg25 : memref<!tpu.dma_semaphore, #tpu.memory_space<semaphore_mem>>)
    %dma_wait3A = arith.constant 0 : i32
    %dma_wait3A_18 = arith.constant 0 : i32
    %dma_wait3A_19 = tpu.memref_slice %arg2[%dma_wait3A, %dma_wait3A_18] : memref<4096x64xf32, #tpu.memory_space<hbm>> -> memref<4096x64xf32, #tpu.memory_space<hbm>>
    tpu.wait_indirect_dma semaphore(%arg25 : memref<!tpu.dma_semaphore, #tpu.memory_space<semaphore_mem>>) src(%dma_wait3A_19 : memref<4096x64xf32, #tpu.memory_space<hbm>>) dst(%arg19 : memref<128x64xf32, #tpu.memory_space<vmem>>)
    %dma_start3A_20 = arith.constant 0 : i32
    %dma_start3A_21 = arith.constant 0 : i32
    %dma_start3A_22 = tpu.memref_slice %arg2[%dma_start3A_20, %dma_start3A_21] : memref<4096x64xf32, #tpu.memory_space<hbm>> -> memref<4096x64xf32, #tpu.memory_space<hbm>>
    tpu.enqueue_indirect_dma source(%dma_start3A_22 : memref<4096x64xf32, #tpu.memory_space<hbm>>) target(%arg20 : memref<128x64xf32, #tpu.memory_space<vmem>>) offsets(%arg15 : memref<128xi32, #tpu.memory_space<vmem>>) semaphore(%arg25 : memref<!tpu.dma_semaphore, #tpu.memory_space<semaphore_mem>>)
    %dma_wait3A_23 = arith.constant 0 : i32
    %dma_wait3A_24 = arith.constant 0 : i32
    %dma_wait3A_25 = tpu.memref_slice %arg2[%dma_wait3A_23, %dma_wait3A_24] : memref<4096x64xf32, #tpu.memory_space<hbm>> -> memref<4096x64xf32, #tpu.memory_space<hbm>>
    tpu.wait_indirect_dma semaphore(%arg25 : memref<!tpu.dma_semaphore, #tpu.memory_space<semaphore_mem>>) src(%dma_wait3A_25 : memref<4096x64xf32, #tpu.memory_space<hbm>>) dst(%arg20 : memref<128x64xf32, #tpu.memory_space<vmem>>)
    %scan3A_26 = arith.constant 0 : i32
    %scan3A_27 = arith.constant 0 : i32
    %scan3A_28 = arith.constant 128 : i32
    %scan3A_29 = arith.addi %scan3A_27, %scan3A_28 : i32
    %scan3A_30 = arith.constant 1 : i32
    scf.for %scan3A_639 = %scan3A_27 to %scan3A_29 step %scan3A_30  : i32 {
      %broadcast_in_dim3A_640 = arith.constant 0.000000e+00 : f32
      %broadcast_in_dim3A_641 = vector.broadcast %broadcast_in_dim3A_640 : f32 to vector<16xf32>
      %broadcast_in_dim3A_642 = arith.constant 0.000000e+00 : f32
      %broadcast_in_dim3A_643 = vector.broadcast %broadcast_in_dim3A_642 : f32 to vector<16xf32>
      %get3A_644 = arith.index_cast %scan3A_639 : i32 to index
      %get3A_645 = arith.constant 0 : index
      %get3A_646 = tpu.vector_load %arg18[%get3A_644, %get3A_645] {strides = array<i32>} : memref<128x64xf32, #tpu.memory_space<vmem>>, vector<16xf32>,
      %get3A_647 = arith.index_cast %scan3A_639 : i32 to index
      %get3A_648 = arith.constant 0 : index
      %get3A_649 = tpu.vector_load %arg19[%get3A_647, %get3A_648] {strides = array<i32>} : memref<128x64xf32, #tpu.memory_space<vmem>>, vector<16xf32>,
      %get3A_650 = arith.index_cast %scan3A_639 : i32 to index
      %get3A_651 = arith.constant 0 : index
      %get3A_652 = tpu.vector_load %arg20[%get3A_650, %get3A_651] {strides = array<i32>} : memref<128x64xf32, #tpu.memory_space<vmem>>, vector<16xf32>,
      %sub3A_653 = arith.subf %get3A_646, %get3A_649 : vector<16xf32>
      %add3A_654 = arith.constant 9.99999997E-7 : f32
      %add3A_655 = vector.broadcast %add3A_654 : f32 to vector<16xf32>
      %add3A_656 = arith.addf %sub3A_653, %add3A_655 : vector<16xf32>
      %mul3A_657 = arith.mulf %add3A_656, %add3A_656 : vector<16xf32>
      %add3A_658 = arith.addf %broadcast_in_dim3A_641, %mul3A_657 : vector<16xf32>
      %sub3A_659 = arith.subf %get3A_646, %get3A_652 : vector<16xf32>
      %add3A_660 = arith.constant 9.99999997E-7 : f32
      %add3A_661 = vector.broadcast %add3A_660 : f32 to vector<16xf32>
      %add3A_662 = arith.addf %sub3A_659, %add3A_661 : vector<16xf32>
      %mul3A_663 = arith.mulf %add3A_662, %add3A_662 : vector<16xf32>
      %add3A_664 = arith.addf %broadcast_in_dim3A_643, %mul3A_663 : vector<16xf32>
      %get3A_665 = arith.index_cast %scan3A_639 : i32 to index
      %get3A_666 = arith.constant 16 : index
      %get3A_667 = tpu.vector_load %arg18[%get3A_665, %get3A_666] {strides = array<i32>} : memref<128x64xf32, #tpu.memory_space<vmem>>, vector<16xf32>,
      %get3A_668 = arith.index_cast %scan3A_639 : i32 to index
      %get3A_669 = arith.constant 16 : index
      %get3A_670 = tpu.vector_load %arg19[%get3A_668, %get3A_669] {strides = array<i32>} : memref<128x64xf32, #tpu.memory_space<vmem>>, vector<16xf32>,
      %get3A_671 = arith.index_cast %scan3A_639 : i32 to index
      %get3A_672 = arith.constant 16 : index
      %get3A_673 = tpu.vector_load %arg20[%get3A_671, %get3A_672] {strides = array<i32>} : memref<128x64xf32, #tpu.memory_space<vmem>>, vector<16xf32>,
      %sub3A_674 = arith.subf %get3A_667, %get3A_670 : vector<16xf32>
      %add3A_675 = arith.constant 9.99999997E-7 : f32
      %add3A_676 = vector.broadcast %add3A_675 : f32 to vector<16xf32>
      %add3A_677 = arith.addf %sub3A_674, %add3A_676 : vector<16xf32>
      %mul3A_678 = arith.mulf %add3A_677, %add3A_677 : vector<16xf32>
      %add3A_679 = arith.addf %add3A_658, %mul3A_678 : vector<16xf32>
      %sub3A_680 = arith.subf %get3A_667, %get3A_673 : vector<16xf32>
      %add3A_681 = arith.constant 9.99999997E-7 : f32
      %add3A_682 = vector.broadcast %add3A_681 : f32 to vector<16xf32>
      %add3A_683 = arith.addf %sub3A_680, %add3A_682 : vector<16xf32>
      %mul3A_684 = arith.mulf %add3A_683, %add3A_683 : vector<16xf32>
      %add3A_685 = arith.addf %add3A_664, %mul3A_684 : vector<16xf32>
      %get3A_686 = arith.index_cast %scan3A_639 : i32 to index
      %get3A_687 = arith.constant 32 : index
      %get3A_688 = tpu.vector_load %arg18[%get3A_686, %get3A_687] {strides = array<i32>} : memref<128x64xf32, #tpu.memory_space<vmem>>, vector<16xf32>,
      %get3A_689 = arith.index_cast %scan3A_639 : i32 to index
      %get3A_690 = arith.constant 32 : index
      %get3A_691 = tpu.vector_load %arg19[%get3A_689, %get3A_690] {strides = array<i32>} : memref<128x64xf32, #tpu.memory_space<vmem>>, vector<16xf32>,
      %get3A_692 = arith.index_cast %scan3A_639 : i32 to index
      %get3A_693 = arith.constant 32 : index
      %get3A_694 = tpu.vector_load %arg20[%get3A_692, %get3A_693] {strides = array<i32>} : memref<128x64xf32, #tpu.memory_space<vmem>>, vector<16xf32>,
      %sub3A_695 = arith.subf %get3A_688, %get3A_691 : vector<16xf32>
      %add3A_696 = arith.constant 9.99999997E-7 : f32
      %add3A_697 = vector.broadcast %add3A_696 : f32 to vector<16xf32>
      %add3A_698 = arith.addf %sub3A_695, %add3A_697 : vector<16xf32>
      %mul3A_699 = arith.mulf %add3A_698, %add3A_698 : vector<16xf32>
      %add3A_700 = arith.addf %add3A_679, %mul3A_699 : vector<16xf32>
      %sub3A_701 = arith.subf %get3A_688, %get3A_694 : vector<16xf32>
      %add3A_702 = arith.constant 9.99999997E-7 : f32
      %add3A_703 = vector.broadcast %add3A_702 : f32 to vector<16xf32>
      %add3A_704 = arith.addf %sub3A_701, %add3A_703 : vector<16xf32>
      %mul3A_705 = arith.mulf %add3A_704, %add3A_704 : vector<16xf32>
      %add3A_706 = arith.addf %add3A_685, %mul3A_705 : vector<16xf32>
      %get3A_707 = arith.index_cast %scan3A_639 : i32 to index
      %get3A_708 = arith.constant 48 : index
      %get3A_709 = tpu.vector_load %arg18[%get3A_707, %get3A_708] {strides = array<i32>} : memref<128x64xf32, #tpu.memory_space<vmem>>, vector<16xf32>,
      %get3A_710 = arith.index_cast %scan3A_639 : i32 to index
      %get3A_711 = arith.constant 48 : index
      %get3A_712 = tpu.vector_load %arg19[%get3A_710, %get3A_711] {strides = array<i32>} : memref<128x64xf32, #tpu.memory_space<vmem>>, vector<16xf32>,
      %get3A_713 = arith.index_cast %scan3A_639 : i32 to index
      %get3A_714 = arith.constant 48 : index
      %get3A_715 = tpu.vector_load %arg20[%get3A_713, %get3A_714] {strides = array<i32>} : memref<128x64xf32, #tpu.memory_space<vmem>>, vector<16xf32>,
      %sub3A_716 = arith.subf %get3A_709, %get3A_712 : vector<16xf32>
      %add3A_717 = arith.constant 9.99999997E-7 : f32
      %add3A_718 = vector.broadcast %add3A_717 : f32 to vector<16xf32>
      %add3A_719 = arith.addf %sub3A_716, %add3A_718 : vector<16xf32>
      %mul3A_720 = arith.mulf %add3A_719, %add3A_719 : vector<16xf32>
      %add3A_721 = arith.addf %add3A_700, %mul3A_720 : vector<16xf32>
      %sub3A_722 = arith.subf %get3A_709, %get3A_715 : vector<16xf32>
      %add3A_723 = arith.constant 9.99999997E-7 : f32
      %add3A_724 = vector.broadcast %add3A_723 : f32 to vector<16xf32>
      %add3A_725 = arith.addf %sub3A_722, %add3A_724 : vector<16xf32>
      %mul3A_726 = arith.mulf %add3A_725, %add3A_725 : vector<16xf32>
      %add3A_727 = arith.addf %add3A_706, %mul3A_726 : vector<16xf32>
      %reduce_sum3A = arith.constant true
      %reduce_sum3A_728 = vector.broadcast %reduce_sum3A : i1 to vector<16xi1>
      %reduce_sum3A_729 = tpu.scan <sum>, %add3A_721 masked %reduce_sum3A_728 : vector<16xf32>, vector<16xi1> -> vector<16xf32>
      %reduce_sum3A_730 = vector.extract %reduce_sum3A_729[15] : f32 from vector<16xf32>
      %broadcast_in_dim3A_731 = vector.broadcast %scan3A_639 : i32 to vector<16xi32>
      %broadcast_in_dim3A_732 = vector.broadcast %reduce_sum3A_730 : f32 to vector<16xf32>
      tpu.vector_store_idx %arg21[%broadcast_in_dim3A_731], %broadcast_in_dim3A_732 masked %eq3A_4 : memref<128xf32, #tpu.memory_space<vmem>>[vector<16xi32>], vector<16xf32>, vector<16xi1>
      %reduce_sum3A_733 = arith.constant true
      %reduce_sum3A_734 = vector.broadcast %reduce_sum3A_733 : i1 to vector<16xi1>
      %reduce_sum3A_735 = tpu.scan <sum>, %add3A_727 masked %reduce_sum3A_734 : vector<16xf32>, vector<16xi1> -> vector<16xf32>
      %reduce_sum3A_736 = vector.extract %reduce_sum3A_735[15] : f32 from vector<16xf32>
      %broadcast_in_dim3A_737 = vector.broadcast %scan3A_639 : i32 to vector<16xi32>
      %broadcast_in_dim3A_738 = vector.broadcast %reduce_sum3A_736 : f32 to vector<16xf32>
      tpu.vector_store_idx %arg22[%broadcast_in_dim3A_737], %broadcast_in_dim3A_738 masked %eq3A_4 : memref<128xf32, #tpu.memory_space<vmem>>[vector<16xi32>], vector<16xf32>, vector<16xi1>
    }
    %scan3A_31 = arith.constant 128 : i32
    %broadcast_in_dim3A = arith.constant 0.000000e+00 : f32
    %broadcast_in_dim3A_32 = vector.broadcast %broadcast_in_dim3A : f32 to vector<16xf32>
    %broadcast_in_dim3A_33 = arith.constant 0.000000e+00 : f32
    %broadcast_in_dim3A_34 = vector.broadcast %broadcast_in_dim3A_33 : f32 to vector<16xf32>
    %get3A = arith.constant 0 : index
    %get3A_35 = tpu.vector_load %arg21[%get3A] {strides = array<i32>} : memref<128xf32, #tpu.memory_space<vmem>>, vector<16xf32>,
    %get3A_36 = arith.constant 0 : index
    %get3A_37 = tpu.vector_load %arg22[%get3A_36] {strides = array<i32>} : memref<128xf32, #tpu.memory_space<vmem>>, vector<16xf32>,
    %bitcast_convert_type3A = tpu.bitcast %get3A_35 : vector<16xf32> -> vector<16xi32>
    %shift_right_logical3A = arith.constant 1 : i32
    %shift_right_logical3A_38 = vector.broadcast %shift_right_logical3A : i32 to vector<16xi32>
    %shift_right_logical3A_39 = arith.shrui %bitcast_convert_type3A, %shift_right_logical3A_38 : vector<16xi32>
    %add3A_40 = arith.constant 532487669 : i32
    %add3A_41 = vector.broadcast %add3A_40 : i32 to vector<16xi32>
    %add3A_42 = arith.addi %shift_right_logical3A_39, %add3A_41 : vector<16xi32>
    %bitcast_convert_type3A_43 = tpu.bitcast %add3A_42 : vector<16xi32> -> vector<16xf32>
    %div3A = arith.divf %get3A_35, %bitcast_convert_type3A_43 : vector<16xf32>
    %add3A_44 = arith.addf %bitcast_convert_type3A_43, %div3A : vector<16xf32>
    %mul3A_45 = arith.constant 5.000000e-01 : f32
    %mul3A_46 = vector.broadcast %mul3A_45 : f32 to vector<16xf32>
    %mul3A_47 = arith.mulf %mul3A_46, %add3A_44 : vector<16xf32>
    %div3A_48 = arith.divf %get3A_35, %mul3A_47 : vector<16xf32>
    %add3A_49 = arith.addf %mul3A_47, %div3A_48 : vector<16xf32>
    %mul3A_50 = arith.constant 5.000000e-01 : f32
    %mul3A_51 = vector.broadcast %mul3A_50 : f32 to vector<16xf32>
    %mul3A_52 = arith.mulf %mul3A_51, %add3A_49 : vector<16xf32>
    %div3A_53 = arith.divf %get3A_35, %mul3A_52 : vector<16xf32>
    %add3A_54 = arith.addf %mul3A_52, %div3A_53 : vector<16xf32>
    %mul3A_55 = arith.constant 5.000000e-01 : f32
    %mul3A_56 = vector.broadcast %mul3A_55 : f32 to vector<16xf32>
    %mul3A_57 = arith.mulf %mul3A_56, %add3A_54 : vector<16xf32>
    %div3A_58 = arith.divf %get3A_35, %mul3A_57 : vector<16xf32>
    %add3A_59 = arith.addf %mul3A_57, %div3A_58 : vector<16xf32>
    %mul3A_60 = arith.constant 5.000000e-01 : f32
    %mul3A_61 = vector.broadcast %mul3A_60 : f32 to vector<16xf32>
    %mul3A_62 = arith.mulf %mul3A_61, %add3A_59 : vector<16xf32>
    %bitcast_convert_type3A_63 = tpu.bitcast %get3A_37 : vector<16xf32> -> vector<16xi32>
    %shift_right_logical3A_64 = arith.constant 1 : i32
    %shift_right_logical3A_65 = vector.broadcast %shift_right_logical3A_64 : i32 to vector<16xi32>
    %shift_right_logical3A_66 = arith.shrui %bitcast_convert_type3A_63, %shift_right_logical3A_65 : vector<16xi32>
    %add3A_67 = arith.constant 532487669 : i32
    %add3A_68 = vector.broadcast %add3A_67 : i32 to vector<16xi32>
    %add3A_69 = arith.addi %shift_right_logical3A_66, %add3A_68 : vector<16xi32>
    %bitcast_convert_type3A_70 = tpu.bitcast %add3A_69 : vector<16xi32> -> vector<16xf32>
    %div3A_71 = arith.divf %get3A_37, %bitcast_convert_type3A_70 : vector<16xf32>
    %add3A_72 = arith.addf %bitcast_convert_type3A_70, %div3A_71 : vector<16xf32>
    %mul3A_73 = arith.constant 5.000000e-01 : f32
    %mul3A_74 = vector.broadcast %mul3A_73 : f32 to vector<16xf32>
    %mul3A_75 = arith.mulf %mul3A_74, %add3A_72 : vector<16xf32>
    %div3A_76 = arith.divf %get3A_37, %mul3A_75 : vector<16xf32>
    %add3A_77 = arith.addf %mul3A_75, %div3A_76 : vector<16xf32>
    %mul3A_78 = arith.constant 5.000000e-01 : f32
    %mul3A_79 = vector.broadcast %mul3A_78 : f32 to vector<16xf32>
    %mul3A_80 = arith.mulf %mul3A_79, %add3A_77 : vector<16xf32>
    %div3A_81 = arith.divf %get3A_37, %mul3A_80 : vector<16xf32>
    %add3A_82 = arith.addf %mul3A_80, %div3A_81 : vector<16xf32>
    %mul3A_83 = arith.constant 5.000000e-01 : f32
    %mul3A_84 = vector.broadcast %mul3A_83 : f32 to vector<16xf32>
    %mul3A_85 = arith.mulf %mul3A_84, %add3A_82 : vector<16xf32>
    %div3A_86 = arith.divf %get3A_37, %mul3A_85 : vector<16xf32>
    %add3A_87 = arith.addf %mul3A_85, %div3A_86 : vector<16xf32>
    %mul3A_88 = arith.constant 5.000000e-01 : f32
    %mul3A_89 = vector.broadcast %mul3A_88 : f32 to vector<16xf32>
    %mul3A_90 = arith.mulf %mul3A_89, %add3A_87 : vector<16xf32>
    %sub3A = arith.subf %mul3A_62, %mul3A_90 : vector<16xf32>
    %add3A_91 = arith.constant 1.000000e+00 : f32
    %add3A_92 = vector.broadcast %add3A_91 : f32 to vector<16xf32>
    %add3A_93 = arith.addf %sub3A, %add3A_92 : vector<16xf32>
    %max3A = arith.constant 0.000000e+00 : f32
    %max3A_94 = vector.broadcast %max3A : f32 to vector<16xf32>
    %max3A_95 = arith.maximumf %add3A_93, %max3A_94 : vector<16xf32>
    %get3A_96 = arith.constant 0 : index
    %get3A_97 = tpu.vector_load %arg16[%get3A_96] {strides = array<i32>} : memref<128xi32, #tpu.memory_space<vmem>>, vector<16xi32>,
    %get3A_98 = arith.constant 0 : index
    %get3A_99 = tpu.vector_load %arg17[%get3A_98] {strides = array<i32>} : memref<128xi32, #tpu.memory_space<vmem>>, vector<16xi32>,
    %mul3A_100 = arith.muli %get3A_97, %get3A_99 : vector<16xi32>
    %convert_element_type3A = arith.sitofp %mul3A_100 : vector<16xi32> to vector<16xf32>
    %mul3A_101 = arith.mulf %max3A_95, %convert_element_type3A : vector<16xf32>
    %add3A_102 = arith.addf %broadcast_in_dim3A_32, %mul3A_101 : vector<16xf32>
    %add3A_103 = arith.addf %broadcast_in_dim3A_34, %convert_element_type3A : vector<16xf32>
    %get3A_104 = arith.constant 16 : index
    %get3A_105 = tpu.vector_load %arg21[%get3A_104] {strides = array<i32>} : memref<128xf32, #tpu.memory_space<vmem>>, vector<16xf32>,
    %get3A_106 = arith.constant 16 : index
    %get3A_107 = tpu.vector_load %arg22[%get3A_106] {strides = array<i32>} : memref<128xf32, #tpu.memory_space<vmem>>, vector<16xf32>,
    %bitcast_convert_type3A_108 = tpu.bitcast %get3A_105 : vector<16xf32> -> vector<16xi32>
    %shift_right_logical3A_109 = arith.constant 1 : i32
    %shift_right_logical3A_110 = vector.broadcast %shift_right_logical3A_109 : i32 to vector<16xi32>
    %shift_right_logical3A_111 = arith.shrui %bitcast_convert_type3A_108, %shift_right_logical3A_110 : vector<16xi32>
    %add3A_112 = arith.constant 532487669 : i32
    %add3A_113 = vector.broadcast %add3A_112 : i32 to vector<16xi32>
    %add3A_114 = arith.addi %shift_right_logical3A_111, %add3A_113 : vector<16xi32>
    %bitcast_convert_type3A_115 = tpu.bitcast %add3A_114 : vector<16xi32> -> vector<16xf32>
    %div3A_116 = arith.divf %get3A_105, %bitcast_convert_type3A_115 : vector<16xf32>
    %add3A_117 = arith.addf %bitcast_convert_type3A_115, %div3A_116 : vector<16xf32>
    %mul3A_118 = arith.constant 5.000000e-01 : f32
    %mul3A_119 = vector.broadcast %mul3A_118 : f32 to vector<16xf32>
    %mul3A_120 = arith.mulf %mul3A_119, %add3A_117 : vector<16xf32>
    %div3A_121 = arith.divf %get3A_105, %mul3A_120 : vector<16xf32>
    %add3A_122 = arith.addf %mul3A_120, %div3A_121 : vector<16xf32>
    %mul3A_123 = arith.constant 5.000000e-01 : f32
    %mul3A_124 = vector.broadcast %mul3A_123 : f32 to vector<16xf32>
    %mul3A_125 = arith.mulf %mul3A_124, %add3A_122 : vector<16xf32>
    %div3A_126 = arith.divf %get3A_105, %mul3A_125 : vector<16xf32>
    %add3A_127 = arith.addf %mul3A_125, %div3A_126 : vector<16xf32>
    %mul3A_128 = arith.constant 5.000000e-01 : f32
    %mul3A_129 = vector.broadcast %mul3A_128 : f32 to vector<16xf32>
    %mul3A_130 = arith.mulf %mul3A_129, %add3A_127 : vector<16xf32>
    %div3A_131 = arith.divf %get3A_105, %mul3A_130 : vector<16xf32>
    %add3A_132 = arith.addf %mul3A_130, %div3A_131 : vector<16xf32>
    %mul3A_133 = arith.constant 5.000000e-01 : f32
    %mul3A_134 = vector.broadcast %mul3A_133 : f32 to vector<16xf32>
    %mul3A_135 = arith.mulf %mul3A_134, %add3A_132 : vector<16xf32>
    %bitcast_convert_type3A_136 = tpu.bitcast %get3A_107 : vector<16xf32> -> vector<16xi32>
    %shift_right_logical3A_137 = arith.constant 1 : i32
    %shift_right_logical3A_138 = vector.broadcast %shift_right_logical3A_137 : i32 to vector<16xi32>
    %shift_right_logical3A_139 = arith.shrui %bitcast_convert_type3A_136, %shift_right_logical3A_138 : vector<16xi32>
    %add3A_140 = arith.constant 532487669 : i32
    %add3A_141 = vector.broadcast %add3A_140 : i32 to vector<16xi32>
    %add3A_142 = arith.addi %shift_right_logical3A_139, %add3A_141 : vector<16xi32>
    %bitcast_convert_type3A_143 = tpu.bitcast %add3A_142 : vector<16xi32> -> vector<16xf32>
    %div3A_144 = arith.divf %get3A_107, %bitcast_convert_type3A_143 : vector<16xf32>
    %add3A_145 = arith.addf %bitcast_convert_type3A_143, %div3A_144 : vector<16xf32>
    %mul3A_146 = arith.constant 5.000000e-01 : f32
    %mul3A_147 = vector.broadcast %mul3A_146 : f32 to vector<16xf32>
    %mul3A_148 = arith.mulf %mul3A_147, %add3A_145 : vector<16xf32>
    %div3A_149 = arith.divf %get3A_107, %mul3A_148 : vector<16xf32>
    %add3A_150 = arith.addf %mul3A_148, %div3A_149 : vector<16xf32>
    %mul3A_151 = arith.constant 5.000000e-01 : f32
    %mul3A_152 = vector.broadcast %mul3A_151 : f32 to vector<16xf32>
    %mul3A_153 = arith.mulf %mul3A_152, %add3A_150 : vector<16xf32>
    %div3A_154 = arith.divf %get3A_107, %mul3A_153 : vector<16xf32>
    %add3A_155 = arith.addf %mul3A_153, %div3A_154 : vector<16xf32>
    %mul3A_156 = arith.constant 5.000000e-01 : f32
    %mul3A_157 = vector.broadcast %mul3A_156 : f32 to vector<16xf32>
    %mul3A_158 = arith.mulf %mul3A_157, %add3A_155 : vector<16xf32>
    %div3A_159 = arith.divf %get3A_107, %mul3A_158 : vector<16xf32>
    %add3A_160 = arith.addf %mul3A_158, %div3A_159 : vector<16xf32>
    %mul3A_161 = arith.constant 5.000000e-01 : f32
    %mul3A_162 = vector.broadcast %mul3A_161 : f32 to vector<16xf32>
    %mul3A_163 = arith.mulf %mul3A_162, %add3A_160 : vector<16xf32>
    %sub3A_164 = arith.subf %mul3A_135, %mul3A_163 : vector<16xf32>
    %add3A_165 = arith.constant 1.000000e+00 : f32
    %add3A_166 = vector.broadcast %add3A_165 : f32 to vector<16xf32>
    %add3A_167 = arith.addf %sub3A_164, %add3A_166 : vector<16xf32>
    %max3A_168 = arith.constant 0.000000e+00 : f32
    %max3A_169 = vector.broadcast %max3A_168 : f32 to vector<16xf32>
    %max3A_170 = arith.maximumf %add3A_167, %max3A_169 : vector<16xf32>
    %get3A_171 = arith.constant 16 : index
    %get3A_172 = tpu.vector_load %arg16[%get3A_171] {strides = array<i32>} : memref<128xi32, #tpu.memory_space<vmem>>, vector<16xi32>,
    %get3A_173 = arith.constant 16 : index
    %get3A_174 = tpu.vector_load %arg17[%get3A_173] {strides = array<i32>} : memref<128xi32, #tpu.memory_space<vmem>>, vector<16xi32>,
    %mul3A_175 = arith.muli %get3A_172, %get3A_174 : vector<16xi32>
    %convert_element_type3A_176 = arith.sitofp %mul3A_175 : vector<16xi32> to vector<16xf32>
    %mul3A_177 = arith.mulf %max3A_170, %convert_element_type3A_176 : vector<16xf32>
    %add3A_178 = arith.addf %add3A_102, %mul3A_177 : vector<16xf32>
    %add3A_179 = arith.addf %add3A_103, %convert_element_type3A_176 : vector<16xf32>
    %get3A_180 = arith.constant 32 : index
    %get3A_181 = tpu.vector_load %arg21[%get3A_180] {strides = array<i32>} : memref<128xf32, #tpu.memory_space<vmem>>, vector<16xf32>,
    %get3A_182 = arith.constant 32 : index
    %get3A_183 = tpu.vector_load %arg22[%get3A_182] {strides = array<i32>} : memref<128xf32, #tpu.memory_space<vmem>>, vector<16xf32>,
    %bitcast_convert_type3A_184 = tpu.bitcast %get3A_181 : vector<16xf32> -> vector<16xi32>
    %shift_right_logical3A_185 = arith.constant 1 : i32
    %shift_right_logical3A_186 = vector.broadcast %shift_right_logical3A_185 : i32 to vector<16xi32>
    %shift_right_logical3A_187 = arith.shrui %bitcast_convert_type3A_184, %shift_right_logical3A_186 : vector<16xi32>
    %add3A_188 = arith.constant 532487669 : i32
    %add3A_189 = vector.broadcast %add3A_188 : i32 to vector<16xi32>
    %add3A_190 = arith.addi %shift_right_logical3A_187, %add3A_189 : vector<16xi32>
    %bitcast_convert_type3A_191 = tpu.bitcast %add3A_190 : vector<16xi32> -> vector<16xf32>
    %div3A_192 = arith.divf %get3A_181, %bitcast_convert_type3A_191 : vector<16xf32>
    %add3A_193 = arith.addf %bitcast_convert_type3A_191, %div3A_192 : vector<16xf32>
    %mul3A_194 = arith.constant 5.000000e-01 : f32
    %mul3A_195 = vector.broadcast %mul3A_194 : f32 to vector<16xf32>
    %mul3A_196 = arith.mulf %mul3A_195, %add3A_193 : vector<16xf32>
    %div3A_197 = arith.divf %get3A_181, %mul3A_196 : vector<16xf32>
    %add3A_198 = arith.addf %mul3A_196, %div3A_197 : vector<16xf32>
    %mul3A_199 = arith.constant 5.000000e-01 : f32
    %mul3A_200 = vector.broadcast %mul3A_199 : f32 to vector<16xf32>
    %mul3A_201 = arith.mulf %mul3A_200, %add3A_198 : vector<16xf32>
    %div3A_202 = arith.divf %get3A_181, %mul3A_201 : vector<16xf32>
    %add3A_203 = arith.addf %mul3A_201, %div3A_202 : vector<16xf32>
    %mul3A_204 = arith.constant 5.000000e-01 : f32
    %mul3A_205 = vector.broadcast %mul3A_204 : f32 to vector<16xf32>
    %mul3A_206 = arith.mulf %mul3A_205, %add3A_203 : vector<16xf32>
    %div3A_207 = arith.divf %get3A_181, %mul3A_206 : vector<16xf32>
    %add3A_208 = arith.addf %mul3A_206, %div3A_207 : vector<16xf32>
    %mul3A_209 = arith.constant 5.000000e-01 : f32
    %mul3A_210 = vector.broadcast %mul3A_209 : f32 to vector<16xf32>
    %mul3A_211 = arith.mulf %mul3A_210, %add3A_208 : vector<16xf32>
    %bitcast_convert_type3A_212 = tpu.bitcast %get3A_183 : vector<16xf32> -> vector<16xi32>
    %shift_right_logical3A_213 = arith.constant 1 : i32
    %shift_right_logical3A_214 = vector.broadcast %shift_right_logical3A_213 : i32 to vector<16xi32>
    %shift_right_logical3A_215 = arith.shrui %bitcast_convert_type3A_212, %shift_right_logical3A_214 : vector<16xi32>
    %add3A_216 = arith.constant 532487669 : i32
    %add3A_217 = vector.broadcast %add3A_216 : i32 to vector<16xi32>
    %add3A_218 = arith.addi %shift_right_logical3A_215, %add3A_217 : vector<16xi32>
    %bitcast_convert_type3A_219 = tpu.bitcast %add3A_218 : vector<16xi32> -> vector<16xf32>
    %div3A_220 = arith.divf %get3A_183, %bitcast_convert_type3A_219 : vector<16xf32>
    %add3A_221 = arith.addf %bitcast_convert_type3A_219, %div3A_220 : vector<16xf32>
    %mul3A_222 = arith.constant 5.000000e-01 : f32
    %mul3A_223 = vector.broadcast %mul3A_222 : f32 to vector<16xf32>
    %mul3A_224 = arith.mulf %mul3A_223, %add3A_221 : vector<16xf32>
    %div3A_225 = arith.divf %get3A_183, %mul3A_224 : vector<16xf32>
    %add3A_226 = arith.addf %mul3A_224, %div3A_225 : vector<16xf32>
    %mul3A_227 = arith.constant 5.000000e-01 : f32
    %mul3A_228 = vector.broadcast %mul3A_227 : f32 to vector<16xf32>
    %mul3A_229 = arith.mulf %mul3A_228, %add3A_226 : vector<16xf32>
    %div3A_230 = arith.divf %get3A_183, %mul3A_229 : vector<16xf32>
    %add3A_231 = arith.addf %mul3A_229, %div3A_230 : vector<16xf32>
    %mul3A_232 = arith.constant 5.000000e-01 : f32
    %mul3A_233 = vector.broadcast %mul3A_232 : f32 to vector<16xf32>
    %mul3A_234 = arith.mulf %mul3A_233, %add3A_231 : vector<16xf32>
    %div3A_235 = arith.divf %get3A_183, %mul3A_234 : vector<16xf32>
    %add3A_236 = arith.addf %mul3A_234, %div3A_235 : vector<16xf32>
    %mul3A_237 = arith.constant 5.000000e-01 : f32
    %mul3A_238 = vector.broadcast %mul3A_237 : f32 to vector<16xf32>
    %mul3A_239 = arith.mulf %mul3A_238, %add3A_236 : vector<16xf32>
    %sub3A_240 = arith.subf %mul3A_211, %mul3A_239 : vector<16xf32>
    %add3A_241 = arith.constant 1.000000e+00 : f32
    %add3A_242 = vector.broadcast %add3A_241 : f32 to vector<16xf32>
    %add3A_243 = arith.addf %sub3A_240, %add3A_242 : vector<16xf32>
    %max3A_244 = arith.constant 0.000000e+00 : f32
    %max3A_245 = vector.broadcast %max3A_244 : f32 to vector<16xf32>
    %max3A_246 = arith.maximumf %add3A_243, %max3A_245 : vector<16xf32>
    %get3A_247 = arith.constant 32 : index
    %get3A_248 = tpu.vector_load %arg16[%get3A_247] {strides = array<i32>} : memref<128xi32, #tpu.memory_space<vmem>>, vector<16xi32>,
    %get3A_249 = arith.constant 32 : index
    %get3A_250 = tpu.vector_load %arg17[%get3A_249] {strides = array<i32>} : memref<128xi32, #tpu.memory_space<vmem>>, vector<16xi32>,
    %mul3A_251 = arith.muli %get3A_248, %get3A_250 : vector<16xi32>
    %convert_element_type3A_252 = arith.sitofp %mul3A_251 : vector<16xi32> to vector<16xf32>
    %mul3A_253 = arith.mulf %max3A_246, %convert_element_type3A_252 : vector<16xf32>
    %add3A_254 = arith.addf %add3A_178, %mul3A_253 : vector<16xf32>
    %add3A_255 = arith.addf %add3A_179, %convert_element_type3A_252 : vector<16xf32>
    %get3A_256 = arith.constant 48 : index
    %get3A_257 = tpu.vector_load %arg21[%get3A_256] {strides = array<i32>} : memref<128xf32, #tpu.memory_space<vmem>>, vector<16xf32>,
    %get3A_258 = arith.constant 48 : index
    %get3A_259 = tpu.vector_load %arg22[%get3A_258] {strides = array<i32>} : memref<128xf32, #tpu.memory_space<vmem>>, vector<16xf32>,
    %bitcast_convert_type3A_260 = tpu.bitcast %get3A_257 : vector<16xf32> -> vector<16xi32>
    %shift_right_logical3A_261 = arith.constant 1 : i32
    %shift_right_logical3A_262 = vector.broadcast %shift_right_logical3A_261 : i32 to vector<16xi32>
    %shift_right_logical3A_263 = arith.shrui %bitcast_convert_type3A_260, %shift_right_logical3A_262 : vector<16xi32>
    %add3A_264 = arith.constant 532487669 : i32
    %add3A_265 = vector.broadcast %add3A_264 : i32 to vector<16xi32>
    %add3A_266 = arith.addi %shift_right_logical3A_263, %add3A_265 : vector<16xi32>
    %bitcast_convert_type3A_267 = tpu.bitcast %add3A_266 : vector<16xi32> -> vector<16xf32>
    %div3A_268 = arith.divf %get3A_257, %bitcast_convert_type3A_267 : vector<16xf32>
    %add3A_269 = arith.addf %bitcast_convert_type3A_267, %div3A_268 : vector<16xf32>
    %mul3A_270 = arith.constant 5.000000e-01 : f32
    %mul3A_271 = vector.broadcast %mul3A_270 : f32 to vector<16xf32>
    %mul3A_272 = arith.mulf %mul3A_271, %add3A_269 : vector<16xf32>
    %div3A_273 = arith.divf %get3A_257, %mul3A_272 : vector<16xf32>
    %add3A_274 = arith.addf %mul3A_272, %div3A_273 : vector<16xf32>
    %mul3A_275 = arith.constant 5.000000e-01 : f32
    %mul3A_276 = vector.broadcast %mul3A_275 : f32 to vector<16xf32>
    %mul3A_277 = arith.mulf %mul3A_276, %add3A_274 : vector<16xf32>
    %div3A_278 = arith.divf %get3A_257, %mul3A_277 : vector<16xf32>
    %add3A_279 = arith.addf %mul3A_277, %div3A_278 : vector<16xf32>
    %mul3A_280 = arith.constant 5.000000e-01 : f32
    %mul3A_281 = vector.broadcast %mul3A_280 : f32 to vector<16xf32>
    %mul3A_282 = arith.mulf %mul3A_281, %add3A_279 : vector<16xf32>
    %div3A_283 = arith.divf %get3A_257, %mul3A_282 : vector<16xf32>
    %add3A_284 = arith.addf %mul3A_282, %div3A_283 : vector<16xf32>
    %mul3A_285 = arith.constant 5.000000e-01 : f32
    %mul3A_286 = vector.broadcast %mul3A_285 : f32 to vector<16xf32>
    %mul3A_287 = arith.mulf %mul3A_286, %add3A_284 : vector<16xf32>
    %bitcast_convert_type3A_288 = tpu.bitcast %get3A_259 : vector<16xf32> -> vector<16xi32>
    %shift_right_logical3A_289 = arith.constant 1 : i32
    %shift_right_logical3A_290 = vector.broadcast %shift_right_logical3A_289 : i32 to vector<16xi32>
    %shift_right_logical3A_291 = arith.shrui %bitcast_convert_type3A_288, %shift_right_logical3A_290 : vector<16xi32>
    %add3A_292 = arith.constant 532487669 : i32
    %add3A_293 = vector.broadcast %add3A_292 : i32 to vector<16xi32>
    %add3A_294 = arith.addi %shift_right_logical3A_291, %add3A_293 : vector<16xi32>
    %bitcast_convert_type3A_295 = tpu.bitcast %add3A_294 : vector<16xi32> -> vector<16xf32>
    %div3A_296 = arith.divf %get3A_259, %bitcast_convert_type3A_295 : vector<16xf32>
    %add3A_297 = arith.addf %bitcast_convert_type3A_295, %div3A_296 : vector<16xf32>
    %mul3A_298 = arith.constant 5.000000e-01 : f32
    %mul3A_299 = vector.broadcast %mul3A_298 : f32 to vector<16xf32>
    %mul3A_300 = arith.mulf %mul3A_299, %add3A_297 : vector<16xf32>
    %div3A_301 = arith.divf %get3A_259, %mul3A_300 : vector<16xf32>
    %add3A_302 = arith.addf %mul3A_300, %div3A_301 : vector<16xf32>
    %mul3A_303 = arith.constant 5.000000e-01 : f32
    %mul3A_304 = vector.broadcast %mul3A_303 : f32 to vector<16xf32>
    %mul3A_305 = arith.mulf %mul3A_304, %add3A_302 : vector<16xf32>
    %div3A_306 = arith.divf %get3A_259, %mul3A_305 : vector<16xf32>
    %add3A_307 = arith.addf %mul3A_305, %div3A_306 : vector<16xf32>
    %mul3A_308 = arith.constant 5.000000e-01 : f32
    %mul3A_309 = vector.broadcast %mul3A_308 : f32 to vector<16xf32>
    %mul3A_310 = arith.mulf %mul3A_309, %add3A_307 : vector<16xf32>
    %div3A_311 = arith.divf %get3A_259, %mul3A_310 : vector<16xf32>
    %add3A_312 = arith.addf %mul3A_310, %div3A_311 : vector<16xf32>
    %mul3A_313 = arith.constant 5.000000e-01 : f32
    %mul3A_314 = vector.broadcast %mul3A_313 : f32 to vector<16xf32>
    %mul3A_315 = arith.mulf %mul3A_314, %add3A_312 : vector<16xf32>
    %sub3A_316 = arith.subf %mul3A_287, %mul3A_315 : vector<16xf32>
    %add3A_317 = arith.constant 1.000000e+00 : f32
    %add3A_318 = vector.broadcast %add3A_317 : f32 to vector<16xf32>
    %add3A_319 = arith.addf %sub3A_316, %add3A_318 : vector<16xf32>
    %max3A_320 = arith.constant 0.000000e+00 : f32
    %max3A_321 = vector.broadcast %max3A_320 : f32 to vector<16xf32>
    %max3A_322 = arith.maximumf %add3A_319, %max3A_321 : vector<16xf32>
    %get3A_323 = arith.constant 48 : index
    %get3A_324 = tpu.vector_load %arg16[%get3A_323] {strides = array<i32>} : memref<128xi32, #tpu.memory_space<vmem>>, vector<16xi32>,
    %get3A_325 = arith.constant 48 : index
    %get3A_326 = tpu.vector_load %arg17[%get3A_325] {strides = array<i32>} : memref<128xi32, #tpu.memory_space<vmem>>, vector<16xi32>,
    %mul3A_327 = arith.muli %get3A_324, %get3A_326 : vector<16xi32>
    %convert_element_type3A_328 = arith.sitofp %mul3A_327 : vector<16xi32> to vector<16xf32>
    %mul3A_329 = arith.mulf %max3A_322, %convert_element_type3A_328 : vector<16xf32>
    %add3A_330 = arith.addf %add3A_254, %mul3A_329 : vector<16xf32>
    %add3A_331 = arith.addf %add3A_255, %convert_element_type3A_328 : vector<16xf32>
    %get3A_332 = arith.constant 64 : index
    %get3A_333 = tpu.vector_load %arg21[%get3A_332] {strides = array<i32>} : memref<128xf32, #tpu.memory_space<vmem>>, vector<16xf32>,
    %get3A_334 = arith.constant 64 : index
    %get3A_335 = tpu.vector_load %arg22[%get3A_334] {strides = array<i32>} : memref<128xf32, #tpu.memory_space<vmem>>, vector<16xf32>,
    %bitcast_convert_type3A_336 = tpu.bitcast %get3A_333 : vector<16xf32> -> vector<16xi32>
    %shift_right_logical3A_337 = arith.constant 1 : i32
    %shift_right_logical3A_338 = vector.broadcast %shift_right_logical3A_337 : i32 to vector<16xi32>
    %shift_right_logical3A_339 = arith.shrui %bitcast_convert_type3A_336, %shift_right_logical3A_338 : vector<16xi32>
    %add3A_340 = arith.constant 532487669 : i32
    %add3A_341 = vector.broadcast %add3A_340 : i32 to vector<16xi32>
    %add3A_342 = arith.addi %shift_right_logical3A_339, %add3A_341 : vector<16xi32>
    %bitcast_convert_type3A_343 = tpu.bitcast %add3A_342 : vector<16xi32> -> vector<16xf32>
    %div3A_344 = arith.divf %get3A_333, %bitcast_convert_type3A_343 : vector<16xf32>
    %add3A_345 = arith.addf %bitcast_convert_type3A_343, %div3A_344 : vector<16xf32>
    %mul3A_346 = arith.constant 5.000000e-01 : f32
    %mul3A_347 = vector.broadcast %mul3A_346 : f32 to vector<16xf32>
    %mul3A_348 = arith.mulf %mul3A_347, %add3A_345 : vector<16xf32>
    %div3A_349 = arith.divf %get3A_333, %mul3A_348 : vector<16xf32>
    %add3A_350 = arith.addf %mul3A_348, %div3A_349 : vector<16xf32>
    %mul3A_351 = arith.constant 5.000000e-01 : f32
    %mul3A_352 = vector.broadcast %mul3A_351 : f32 to vector<16xf32>
    %mul3A_353 = arith.mulf %mul3A_352, %add3A_350 : vector<16xf32>
    %div3A_354 = arith.divf %get3A_333, %mul3A_353 : vector<16xf32>
    %add3A_355 = arith.addf %mul3A_353, %div3A_354 : vector<16xf32>
    %mul3A_356 = arith.constant 5.000000e-01 : f32
    %mul3A_357 = vector.broadcast %mul3A_356 : f32 to vector<16xf32>
    %mul3A_358 = arith.mulf %mul3A_357, %add3A_355 : vector<16xf32>
    %div3A_359 = arith.divf %get3A_333, %mul3A_358 : vector<16xf32>
    %add3A_360 = arith.addf %mul3A_358, %div3A_359 : vector<16xf32>
    %mul3A_361 = arith.constant 5.000000e-01 : f32
    %mul3A_362 = vector.broadcast %mul3A_361 : f32 to vector<16xf32>
    %mul3A_363 = arith.mulf %mul3A_362, %add3A_360 : vector<16xf32>
    %bitcast_convert_type3A_364 = tpu.bitcast %get3A_335 : vector<16xf32> -> vector<16xi32>
    %shift_right_logical3A_365 = arith.constant 1 : i32
    %shift_right_logical3A_366 = vector.broadcast %shift_right_logical3A_365 : i32 to vector<16xi32>
    %shift_right_logical3A_367 = arith.shrui %bitcast_convert_type3A_364, %shift_right_logical3A_366 : vector<16xi32>
    %add3A_368 = arith.constant 532487669 : i32
    %add3A_369 = vector.broadcast %add3A_368 : i32 to vector<16xi32>
    %add3A_370 = arith.addi %shift_right_logical3A_367, %add3A_369 : vector<16xi32>
    %bitcast_convert_type3A_371 = tpu.bitcast %add3A_370 : vector<16xi32> -> vector<16xf32>
    %div3A_372 = arith.divf %get3A_335, %bitcast_convert_type3A_371 : vector<16xf32>
    %add3A_373 = arith.addf %bitcast_convert_type3A_371, %div3A_372 : vector<16xf32>
    %mul3A_374 = arith.constant 5.000000e-01 : f32
    %mul3A_375 = vector.broadcast %mul3A_374 : f32 to vector<16xf32>
    %mul3A_376 = arith.mulf %mul3A_375, %add3A_373 : vector<16xf32>
    %div3A_377 = arith.divf %get3A_335, %mul3A_376 : vector<16xf32>
    %add3A_378 = arith.addf %mul3A_376, %div3A_377 : vector<16xf32>
    %mul3A_379 = arith.constant 5.000000e-01 : f32
    %mul3A_380 = vector.broadcast %mul3A_379 : f32 to vector<16xf32>
    %mul3A_381 = arith.mulf %mul3A_380, %add3A_378 : vector<16xf32>
    %div3A_382 = arith.divf %get3A_335, %mul3A_381 : vector<16xf32>
    %add3A_383 = arith.addf %mul3A_381, %div3A_382 : vector<16xf32>
    %mul3A_384 = arith.constant 5.000000e-01 : f32
    %mul3A_385 = vector.broadcast %mul3A_384 : f32 to vector<16xf32>
    %mul3A_386 = arith.mulf %mul3A_385, %add3A_383 : vector<16xf32>
    %div3A_387 = arith.divf %get3A_335, %mul3A_386 : vector<16xf32>
    %add3A_388 = arith.addf %mul3A_386, %div3A_387 : vector<16xf32>
    %mul3A_389 = arith.constant 5.000000e-01 : f32
    %mul3A_390 = vector.broadcast %mul3A_389 : f32 to vector<16xf32>
    %mul3A_391 = arith.mulf %mul3A_390, %add3A_388 : vector<16xf32>
    %sub3A_392 = arith.subf %mul3A_363, %mul3A_391 : vector<16xf32>
    %add3A_393 = arith.constant 1.000000e+00 : f32
    %add3A_394 = vector.broadcast %add3A_393 : f32 to vector<16xf32>
    %add3A_395 = arith.addf %sub3A_392, %add3A_394 : vector<16xf32>
    %max3A_396 = arith.constant 0.000000e+00 : f32
    %max3A_397 = vector.broadcast %max3A_396 : f32 to vector<16xf32>
    %max3A_398 = arith.maximumf %add3A_395, %max3A_397 : vector<16xf32>
    %get3A_399 = arith.constant 64 : index
    %get3A_400 = tpu.vector_load %arg16[%get3A_399] {strides = array<i32>} : memref<128xi32, #tpu.memory_space<vmem>>, vector<16xi32>,
    %get3A_401 = arith.constant 64 : index
    %get3A_402 = tpu.vector_load %arg17[%get3A_401] {strides = array<i32>} : memref<128xi32, #tpu.memory_space<vmem>>, vector<16xi32>,
    %mul3A_403 = arith.muli %get3A_400, %get3A_402 : vector<16xi32>
    %convert_element_type3A_404 = arith.sitofp %mul3A_403 : vector<16xi32> to vector<16xf32>
    %mul3A_405 = arith.mulf %max3A_398, %convert_element_type3A_404 : vector<16xf32>
    %add3A_406 = arith.addf %add3A_330, %mul3A_405 : vector<16xf32>
    %add3A_407 = arith.addf %add3A_331, %convert_element_type3A_404 : vector<16xf32>
    %get3A_408 = arith.constant 80 : index
    %get3A_409 = tpu.vector_load %arg21[%get3A_408] {strides = array<i32>} : memref<128xf32, #tpu.memory_space<vmem>>, vector<16xf32>,
    %get3A_410 = arith.constant 80 : index
    %get3A_411 = tpu.vector_load %arg22[%get3A_410] {strides = array<i32>} : memref<128xf32, #tpu.memory_space<vmem>>, vector<16xf32>,
    %bitcast_convert_type3A_412 = tpu.bitcast %get3A_409 : vector<16xf32> -> vector<16xi32>
    %shift_right_logical3A_413 = arith.constant 1 : i32
    %shift_right_logical3A_414 = vector.broadcast %shift_right_logical3A_413 : i32 to vector<16xi32>
    %shift_right_logical3A_415 = arith.shrui %bitcast_convert_type3A_412, %shift_right_logical3A_414 : vector<16xi32>
    %add3A_416 = arith.constant 532487669 : i32
    %add3A_417 = vector.broadcast %add3A_416 : i32 to vector<16xi32>
    %add3A_418 = arith.addi %shift_right_logical3A_415, %add3A_417 : vector<16xi32>
    %bitcast_convert_type3A_419 = tpu.bitcast %add3A_418 : vector<16xi32> -> vector<16xf32>
    %div3A_420 = arith.divf %get3A_409, %bitcast_convert_type3A_419 : vector<16xf32>
    %add3A_421 = arith.addf %bitcast_convert_type3A_419, %div3A_420 : vector<16xf32>
    %mul3A_422 = arith.constant 5.000000e-01 : f32
    %mul3A_423 = vector.broadcast %mul3A_422 : f32 to vector<16xf32>
    %mul3A_424 = arith.mulf %mul3A_423, %add3A_421 : vector<16xf32>
    %div3A_425 = arith.divf %get3A_409, %mul3A_424 : vector<16xf32>
    %add3A_426 = arith.addf %mul3A_424, %div3A_425 : vector<16xf32>
    %mul3A_427 = arith.constant 5.000000e-01 : f32
    %mul3A_428 = vector.broadcast %mul3A_427 : f32 to vector<16xf32>
    %mul3A_429 = arith.mulf %mul3A_428, %add3A_426 : vector<16xf32>
    %div3A_430 = arith.divf %get3A_409, %mul3A_429 : vector<16xf32>
    %add3A_431 = arith.addf %mul3A_429, %div3A_430 : vector<16xf32>
    %mul3A_432 = arith.constant 5.000000e-01 : f32
    %mul3A_433 = vector.broadcast %mul3A_432 : f32 to vector<16xf32>
    %mul3A_434 = arith.mulf %mul3A_433, %add3A_431 : vector<16xf32>
    %div3A_435 = arith.divf %get3A_409, %mul3A_434 : vector<16xf32>
    %add3A_436 = arith.addf %mul3A_434, %div3A_435 : vector<16xf32>
    %mul3A_437 = arith.constant 5.000000e-01 : f32
    %mul3A_438 = vector.broadcast %mul3A_437 : f32 to vector<16xf32>
    %mul3A_439 = arith.mulf %mul3A_438, %add3A_436 : vector<16xf32>
    %bitcast_convert_type3A_440 = tpu.bitcast %get3A_411 : vector<16xf32> -> vector<16xi32>
    %shift_right_logical3A_441 = arith.constant 1 : i32
    %shift_right_logical3A_442 = vector.broadcast %shift_right_logical3A_441 : i32 to vector<16xi32>
    %shift_right_logical3A_443 = arith.shrui %bitcast_convert_type3A_440, %shift_right_logical3A_442 : vector<16xi32>
    %add3A_444 = arith.constant 532487669 : i32
    %add3A_445 = vector.broadcast %add3A_444 : i32 to vector<16xi32>
    %add3A_446 = arith.addi %shift_right_logical3A_443, %add3A_445 : vector<16xi32>
    %bitcast_convert_type3A_447 = tpu.bitcast %add3A_446 : vector<16xi32> -> vector<16xf32>
    %div3A_448 = arith.divf %get3A_411, %bitcast_convert_type3A_447 : vector<16xf32>
    %add3A_449 = arith.addf %bitcast_convert_type3A_447, %div3A_448 : vector<16xf32>
    %mul3A_450 = arith.constant 5.000000e-01 : f32
    %mul3A_451 = vector.broadcast %mul3A_450 : f32 to vector<16xf32>
    %mul3A_452 = arith.mulf %mul3A_451, %add3A_449 : vector<16xf32>
    %div3A_453 = arith.divf %get3A_411, %mul3A_452 : vector<16xf32>
    %add3A_454 = arith.addf %mul3A_452, %div3A_453 : vector<16xf32>
    %mul3A_455 = arith.constant 5.000000e-01 : f32
    %mul3A_456 = vector.broadcast %mul3A_455 : f32 to vector<16xf32>
    %mul3A_457 = arith.mulf %mul3A_456, %add3A_454 : vector<16xf32>
    %div3A_458 = arith.divf %get3A_411, %mul3A_457 : vector<16xf32>
    %add3A_459 = arith.addf %mul3A_457, %div3A_458 : vector<16xf32>
    %mul3A_460 = arith.constant 5.000000e-01 : f32
    %mul3A_461 = vector.broadcast %mul3A_460 : f32 to vector<16xf32>
    %mul3A_462 = arith.mulf %mul3A_461, %add3A_459 : vector<16xf32>
    %div3A_463 = arith.divf %get3A_411, %mul3A_462 : vector<16xf32>
    %add3A_464 = arith.addf %mul3A_462, %div3A_463 : vector<16xf32>
    %mul3A_465 = arith.constant 5.000000e-01 : f32
    %mul3A_466 = vector.broadcast %mul3A_465 : f32 to vector<16xf32>
    %mul3A_467 = arith.mulf %mul3A_466, %add3A_464 : vector<16xf32>
    %sub3A_468 = arith.subf %mul3A_439, %mul3A_467 : vector<16xf32>
    %add3A_469 = arith.constant 1.000000e+00 : f32
    %add3A_470 = vector.broadcast %add3A_469 : f32 to vector<16xf32>
    %add3A_471 = arith.addf %sub3A_468, %add3A_470 : vector<16xf32>
    %max3A_472 = arith.constant 0.000000e+00 : f32
    %max3A_473 = vector.broadcast %max3A_472 : f32 to vector<16xf32>
    %max3A_474 = arith.maximumf %add3A_471, %max3A_473 : vector<16xf32>
    %get3A_475 = arith.constant 80 : index
    %get3A_476 = tpu.vector_load %arg16[%get3A_475] {strides = array<i32>} : memref<128xi32, #tpu.memory_space<vmem>>, vector<16xi32>,
    %get3A_477 = arith.constant 80 : index
    %get3A_478 = tpu.vector_load %arg17[%get3A_477] {strides = array<i32>} : memref<128xi32, #tpu.memory_space<vmem>>, vector<16xi32>,
    %mul3A_479 = arith.muli %get3A_476, %get3A_478 : vector<16xi32>
    %convert_element_type3A_480 = arith.sitofp %mul3A_479 : vector<16xi32> to vector<16xf32>
    %mul3A_481 = arith.mulf %max3A_474, %convert_element_type3A_480 : vector<16xf32>
    %add3A_482 = arith.addf %add3A_406, %mul3A_481 : vector<16xf32>
    %add3A_483 = arith.addf %add3A_407, %convert_element_type3A_480 : vector<16xf32>
    %get3A_484 = arith.constant 96 : index
    %get3A_485 = tpu.vector_load %arg21[%get3A_484] {strides = array<i32>} : memref<128xf32, #tpu.memory_space<vmem>>, vector<16xf32>,
    %get3A_486 = arith.constant 96 : index
    %get3A_487 = tpu.vector_load %arg22[%get3A_486] {strides = array<i32>} : memref<128xf32, #tpu.memory_space<vmem>>, vector<16xf32>,
    %bitcast_convert_type3A_488 = tpu.bitcast %get3A_485 : vector<16xf32> -> vector<16xi32>
    %shift_right_logical3A_489 = arith.constant 1 : i32
    %shift_right_logical3A_490 = vector.broadcast %shift_right_logical3A_489 : i32 to vector<16xi32>
    %shift_right_logical3A_491 = arith.shrui %bitcast_convert_type3A_488, %shift_right_logical3A_490 : vector<16xi32>
    %add3A_492 = arith.constant 532487669 : i32
    %add3A_493 = vector.broadcast %add3A_492 : i32 to vector<16xi32>
    %add3A_494 = arith.addi %shift_right_logical3A_491, %add3A_493 : vector<16xi32>
    %bitcast_convert_type3A_495 = tpu.bitcast %add3A_494 : vector<16xi32> -> vector<16xf32>
    %div3A_496 = arith.divf %get3A_485, %bitcast_convert_type3A_495 : vector<16xf32>
    %add3A_497 = arith.addf %bitcast_convert_type3A_495, %div3A_496 : vector<16xf32>
    %mul3A_498 = arith.constant 5.000000e-01 : f32
    %mul3A_499 = vector.broadcast %mul3A_498 : f32 to vector<16xf32>
    %mul3A_500 = arith.mulf %mul3A_499, %add3A_497 : vector<16xf32>
    %div3A_501 = arith.divf %get3A_485, %mul3A_500 : vector<16xf32>
    %add3A_502 = arith.addf %mul3A_500, %div3A_501 : vector<16xf32>
    %mul3A_503 = arith.constant 5.000000e-01 : f32
    %mul3A_504 = vector.broadcast %mul3A_503 : f32 to vector<16xf32>
    %mul3A_505 = arith.mulf %mul3A_504, %add3A_502 : vector<16xf32>
    %div3A_506 = arith.divf %get3A_485, %mul3A_505 : vector<16xf32>
    %add3A_507 = arith.addf %mul3A_505, %div3A_506 : vector<16xf32>
    %mul3A_508 = arith.constant 5.000000e-01 : f32
    %mul3A_509 = vector.broadcast %mul3A_508 : f32 to vector<16xf32>
    %mul3A_510 = arith.mulf %mul3A_509, %add3A_507 : vector<16xf32>
    %div3A_511 = arith.divf %get3A_485, %mul3A_510 : vector<16xf32>
    %add3A_512 = arith.addf %mul3A_510, %div3A_511 : vector<16xf32>
    %mul3A_513 = arith.constant 5.000000e-01 : f32
    %mul3A_514 = vector.broadcast %mul3A_513 : f32 to vector<16xf32>
    %mul3A_515 = arith.mulf %mul3A_514, %add3A_512 : vector<16xf32>
    %bitcast_convert_type3A_516 = tpu.bitcast %get3A_487 : vector<16xf32> -> vector<16xi32>
    %shift_right_logical3A_517 = arith.constant 1 : i32
    %shift_right_logical3A_518 = vector.broadcast %shift_right_logical3A_517 : i32 to vector<16xi32>
    %shift_right_logical3A_519 = arith.shrui %bitcast_convert_type3A_516, %shift_right_logical3A_518 : vector<16xi32>
    %add3A_520 = arith.constant 532487669 : i32
    %add3A_521 = vector.broadcast %add3A_520 : i32 to vector<16xi32>
    %add3A_522 = arith.addi %shift_right_logical3A_519, %add3A_521 : vector<16xi32>
    %bitcast_convert_type3A_523 = tpu.bitcast %add3A_522 : vector<16xi32> -> vector<16xf32>
    %div3A_524 = arith.divf %get3A_487, %bitcast_convert_type3A_523 : vector<16xf32>
    %add3A_525 = arith.addf %bitcast_convert_type3A_523, %div3A_524 : vector<16xf32>
    %mul3A_526 = arith.constant 5.000000e-01 : f32
    %mul3A_527 = vector.broadcast %mul3A_526 : f32 to vector<16xf32>
    %mul3A_528 = arith.mulf %mul3A_527, %add3A_525 : vector<16xf32>
    %div3A_529 = arith.divf %get3A_487, %mul3A_528 : vector<16xf32>
    %add3A_530 = arith.addf %mul3A_528, %div3A_529 : vector<16xf32>
    %mul3A_531 = arith.constant 5.000000e-01 : f32
    %mul3A_532 = vector.broadcast %mul3A_531 : f32 to vector<16xf32>
    %mul3A_533 = arith.mulf %mul3A_532, %add3A_530 : vector<16xf32>
    %div3A_534 = arith.divf %get3A_487, %mul3A_533 : vector<16xf32>
    %add3A_535 = arith.addf %mul3A_533, %div3A_534 : vector<16xf32>
    %mul3A_536 = arith.constant 5.000000e-01 : f32
    %mul3A_537 = vector.broadcast %mul3A_536 : f32 to vector<16xf32>
    %mul3A_538 = arith.mulf %mul3A_537, %add3A_535 : vector<16xf32>
    %div3A_539 = arith.divf %get3A_487, %mul3A_538 : vector<16xf32>
    %add3A_540 = arith.addf %mul3A_538, %div3A_539 : vector<16xf32>
    %mul3A_541 = arith.constant 5.000000e-01 : f32
    %mul3A_542 = vector.broadcast %mul3A_541 : f32 to vector<16xf32>
    %mul3A_543 = arith.mulf %mul3A_542, %add3A_540 : vector<16xf32>
    %sub3A_544 = arith.subf %mul3A_515, %mul3A_543 : vector<16xf32>
    %add3A_545 = arith.constant 1.000000e+00 : f32
    %add3A_546 = vector.broadcast %add3A_545 : f32 to vector<16xf32>
    %add3A_547 = arith.addf %sub3A_544, %add3A_546 : vector<16xf32>
    %max3A_548 = arith.constant 0.000000e+00 : f32
    %max3A_549 = vector.broadcast %max3A_548 : f32 to vector<16xf32>
    %max3A_550 = arith.maximumf %add3A_547, %max3A_549 : vector<16xf32>
    %get3A_551 = arith.constant 96 : index
    %get3A_552 = tpu.vector_load %arg16[%get3A_551] {strides = array<i32>} : memref<128xi32, #tpu.memory_space<vmem>>, vector<16xi32>,
    %get3A_553 = arith.constant 96 : index
    %get3A_554 = tpu.vector_load %arg17[%get3A_553] {strides = array<i32>} : memref<128xi32, #tpu.memory_space<vmem>>, vector<16xi32>,
    %mul3A_555 = arith.muli %get3A_552, %get3A_554 : vector<16xi32>
    %convert_element_type3A_556 = arith.sitofp %mul3A_555 : vector<16xi32> to vector<16xf32>
    %mul3A_557 = arith.mulf %max3A_550, %convert_element_type3A_556 : vector<16xf32>
    %add3A_558 = arith.addf %add3A_482, %mul3A_557 : vector<16xf32>
    %add3A_559 = arith.addf %add3A_483, %convert_element_type3A_556 : vector<16xf32>
    %get3A_560 = arith.constant 112 : index
    %get3A_561 = tpu.vector_load %arg21[%get3A_560] {strides = array<i32>} : memref<128xf32, #tpu.memory_space<vmem>>, vector<16xf32>,
    %get3A_562 = arith.constant 112 : index
    %get3A_563 = tpu.vector_load %arg22[%get3A_562] {strides = array<i32>} : memref<128xf32, #tpu.memory_space<vmem>>, vector<16xf32>,
    %bitcast_convert_type3A_564 = tpu.bitcast %get3A_561 : vector<16xf32> -> vector<16xi32>
    %shift_right_logical3A_565 = arith.constant 1 : i32
    %shift_right_logical3A_566 = vector.broadcast %shift_right_logical3A_565 : i32 to vector<16xi32>
    %shift_right_logical3A_567 = arith.shrui %bitcast_convert_type3A_564, %shift_right_logical3A_566 : vector<16xi32>
    %add3A_568 = arith.constant 532487669 : i32
    %add3A_569 = vector.broadcast %add3A_568 : i32 to vector<16xi32>
    %add3A_570 = arith.addi %shift_right_logical3A_567, %add3A_569 : vector<16xi32>
    %bitcast_convert_type3A_571 = tpu.bitcast %add3A_570 : vector<16xi32> -> vector<16xf32>
    %div3A_572 = arith.divf %get3A_561, %bitcast_convert_type3A_571 : vector<16xf32>
    %add3A_573 = arith.addf %bitcast_convert_type3A_571, %div3A_572 : vector<16xf32>
    %mul3A_574 = arith.constant 5.000000e-01 : f32
    %mul3A_575 = vector.broadcast %mul3A_574 : f32 to vector<16xf32>
    %mul3A_576 = arith.mulf %mul3A_575, %add3A_573 : vector<16xf32>
    %div3A_577 = arith.divf %get3A_561, %mul3A_576 : vector<16xf32>
    %add3A_578 = arith.addf %mul3A_576, %div3A_577 : vector<16xf32>
    %mul3A_579 = arith.constant 5.000000e-01 : f32
    %mul3A_580 = vector.broadcast %mul3A_579 : f32 to vector<16xf32>
    %mul3A_581 = arith.mulf %mul3A_580, %add3A_578 : vector<16xf32>
    %div3A_582 = arith.divf %get3A_561, %mul3A_581 : vector<16xf32>
    %add3A_583 = arith.addf %mul3A_581, %div3A_582 : vector<16xf32>
    %mul3A_584 = arith.constant 5.000000e-01 : f32
    %mul3A_585 = vector.broadcast %mul3A_584 : f32 to vector<16xf32>
    %mul3A_586 = arith.mulf %mul3A_585, %add3A_583 : vector<16xf32>
    %div3A_587 = arith.divf %get3A_561, %mul3A_586 : vector<16xf32>
    %add3A_588 = arith.addf %mul3A_586, %div3A_587 : vector<16xf32>
    %mul3A_589 = arith.constant 5.000000e-01 : f32
    %mul3A_590 = vector.broadcast %mul3A_589 : f32 to vector<16xf32>
    %mul3A_591 = arith.mulf %mul3A_590, %add3A_588 : vector<16xf32>
    %bitcast_convert_type3A_592 = tpu.bitcast %get3A_563 : vector<16xf32> -> vector<16xi32>
    %shift_right_logical3A_593 = arith.constant 1 : i32
    %shift_right_logical3A_594 = vector.broadcast %shift_right_logical3A_593 : i32 to vector<16xi32>
    %shift_right_logical3A_595 = arith.shrui %bitcast_convert_type3A_592, %shift_right_logical3A_594 : vector<16xi32>
    %add3A_596 = arith.constant 532487669 : i32
    %add3A_597 = vector.broadcast %add3A_596 : i32 to vector<16xi32>
    %add3A_598 = arith.addi %shift_right_logical3A_595, %add3A_597 : vector<16xi32>
    %bitcast_convert_type3A_599 = tpu.bitcast %add3A_598 : vector<16xi32> -> vector<16xf32>
    %div3A_600 = arith.divf %get3A_563, %bitcast_convert_type3A_599 : vector<16xf32>
    %add3A_601 = arith.addf %bitcast_convert_type3A_599, %div3A_600 : vector<16xf32>
    %mul3A_602 = arith.constant 5.000000e-01 : f32
    %mul3A_603 = vector.broadcast %mul3A_602 : f32 to vector<16xf32>
    %mul3A_604 = arith.mulf %mul3A_603, %add3A_601 : vector<16xf32>
    %div3A_605 = arith.divf %get3A_563, %mul3A_604 : vector<16xf32>
    %add3A_606 = arith.addf %mul3A_604, %div3A_605 : vector<16xf32>
    %mul3A_607 = arith.constant 5.000000e-01 : f32
    %mul3A_608 = vector.broadcast %mul3A_607 : f32 to vector<16xf32>
    %mul3A_609 = arith.mulf %mul3A_608, %add3A_606 : vector<16xf32>
    %div3A_610 = arith.divf %get3A_563, %mul3A_609 : vector<16xf32>
    %add3A_611 = arith.addf %mul3A_609, %div3A_610 : vector<16xf32>
    %mul3A_612 = arith.constant 5.000000e-01 : f32
    %mul3A_613 = vector.broadcast %mul3A_612 : f32 to vector<16xf32>
    %mul3A_614 = arith.mulf %mul3A_613, %add3A_611 : vector<16xf32>
    %div3A_615 = arith.divf %get3A_563, %mul3A_614 : vector<16xf32>
    %add3A_616 = arith.addf %mul3A_614, %div3A_615 : vector<16xf32>
    %mul3A_617 = arith.constant 5.000000e-01 : f32
    %mul3A_618 = vector.broadcast %mul3A_617 : f32 to vector<16xf32>
    %mul3A_619 = arith.mulf %mul3A_618, %add3A_616 : vector<16xf32>
    %sub3A_620 = arith.subf %mul3A_591, %mul3A_619 : vector<16xf32>
    %add3A_621 = arith.constant 1.000000e+00 : f32
    %add3A_622 = vector.broadcast %add3A_621 : f32 to vector<16xf32>
    %add3A_623 = arith.addf %sub3A_620, %add3A_622 : vector<16xf32>
    %max3A_624 = arith.constant 0.000000e+00 : f32
    %max3A_625 = vector.broadcast %max3A_624 : f32 to vector<16xf32>
    %max3A_626 = arith.maximumf %add3A_623, %max3A_625 : vector<16xf32>
    %get3A_627 = arith.constant 112 : index
    %get3A_628 = tpu.vector_load %arg16[%get3A_627] {strides = array<i32>} : memref<128xi32, #tpu.memory_space<vmem>>, vector<16xi32>,
    %get3A_629 = arith.constant 112 : index
    %get3A_630 = tpu.vector_load %arg17[%get3A_629] {strides = array<i32>} : memref<128xi32, #tpu.memory_space<vmem>>, vector<16xi32>,
    %mul3A_631 = arith.muli %get3A_628, %get3A_630 : vector<16xi32>
    %convert_element_type3A_632 = arith.sitofp %mul3A_631 : vector<16xi32> to vector<16xf32>
    %mul3A_633 = arith.mulf %max3A_626, %convert_element_type3A_632 : vector<16xf32>
    %add3A_634 = arith.addf %add3A_558, %mul3A_633 : vector<16xf32>
    %add3A_635 = arith.addf %add3A_559, %convert_element_type3A_632 : vector<16xf32>
    %swap3A = arith.constant 0 : index
    %swap3A_636 = tpu.vector_load %arg23[%swap3A] {strides = array<i32>} : memref<16xf32, #tpu.memory_space<vmem>>, vector<16xf32>,
    tpu.vector_store %arg23[%swap3A], %add3A_634 {strides = array<i32>} : memref<16xf32, #tpu.memory_space<vmem>>, vector<16xf32>,
    %swap3A_637 = arith.constant 0 : index
    %swap3A_638 = tpu.vector_load %arg24[%swap3A_637] {strides = array<i32>} : memref<16xf32, #tpu.memory_space<vmem>>, vector<16xf32>,
    tpu.vector_store %arg24[%swap3A_637], %add3A_635 {strides = array<i32>} : memref<16xf32, #tpu.memory_space<vmem>>, vector<16xf32>,
    "tpu.region"() ({
      %run_scoped3A = tpu.sem_alloc : memref<!tpu.dma_semaphore, #tpu.memory_space<semaphore_mem>>
      %dma_start3A_639 = arith.constant 0 : i32
      %dma_start3A_640 = tpu.memref_slice %arg8[%add3A, %dma_start3A_639] : memref<32x16xf32, #tpu.memory_space<hbm>> -> memref<1x16xf32, #tpu.memory_space<hbm>>
      %dma_start3A_641 = tpu.memref_squeeze %dma_start3A_640 : memref<1x16xf32, #tpu.memory_space<hbm>> -> memref<16xf32, #tpu.memory_space<hbm>>
      %dma_start3A_642 = arith.constant 0 : i32
      %dma_start3A_643 = tpu.memref_slice %arg8[%add3A, %dma_start3A_642] : memref<32x16xf32, #tpu.memory_space<hbm>> -> memref<1x16xf32, #tpu.memory_space<hbm>>
      %dma_start3A_644 = tpu.memref_squeeze %dma_start3A_643 : memref<1x16xf32, #tpu.memory_space<hbm>> -> memref<16xf32, #tpu.memory_space<hbm>>
      tpu.enqueue_dma source(%arg23 : memref<16xf32, #tpu.memory_space<vmem>>) target(%dma_start3A_644 : memref<16xf32, #tpu.memory_space<hbm>>) target_semaphore(%run_scoped3A : memref<!tpu.dma_semaphore, #tpu.memory_space<semaphore_mem>>)
      %dma_wait3A_645 = arith.constant 0 : i32
      %dma_wait3A_646 = tpu.memref_slice %arg8[%add3A, %dma_wait3A_645] : memref<32x16xf32, #tpu.memory_space<hbm>> -> memref<1x16xf32, #tpu.memory_space<hbm>>
      %dma_wait3A_647 = tpu.memref_squeeze %dma_wait3A_646 : memref<1x16xf32, #tpu.memory_space<hbm>> -> memref<16xf32, #tpu.memory_space<hbm>>
      %dma_wait3A_648 = arith.constant 0 : i32
      %dma_wait3A_649 = tpu.memref_slice %arg8[%add3A, %dma_wait3A_648] : memref<32x16xf32, #tpu.memory_space<hbm>> -> memref<1x16xf32, #tpu.memory_space<hbm>>
      %dma_wait3A_650 = tpu.memref_squeeze %dma_wait3A_649 : memref<1x16xf32, #tpu.memory_space<hbm>> -> memref<16xf32, #tpu.memory_space<hbm>>
      tpu.wait_dma2 semaphore(%run_scoped3A : memref<!tpu.dma_semaphore, #tpu.memory_space<semaphore_mem>>) src(%arg23 : memref<16xf32, #tpu.memory_space<vmem>>) dst(%dma_wait3A_650 : memref<16xf32, #tpu.memory_space<hbm>>)
      tpu.yield
    }) : () -> ()
    "tpu.region"() ({
      %run_scoped3A = tpu.sem_alloc : memref<!tpu.dma_semaphore, #tpu.memory_space<semaphore_mem>>
      %dma_start3A_639 = arith.constant 0 : i32
      %dma_start3A_640 = tpu.memref_slice %arg9[%add3A, %dma_start3A_639] : memref<32x16xf32, #tpu.memory_space<hbm>> -> memref<1x16xf32, #tpu.memory_space<hbm>>
      %dma_start3A_641 = tpu.memref_squeeze %dma_start3A_640 : memref<1x16xf32, #tpu.memory_space<hbm>> -> memref<16xf32, #tpu.memory_space<hbm>>
      %dma_start3A_642 = arith.constant 0 : i32
      %dma_start3A_643 = tpu.memref_slice %arg9[%add3A, %dma_start3A_642] : memref<32x16xf32, #tpu.memory_space<hbm>> -> memref<1x16xf32, #tpu.memory_space<hbm>>
      %dma_start3A_644 = tpu.memref_squeeze %dma_start3A_643 : memref<1x16xf32, #tpu.memory_space<hbm>> -> memref<16xf32, #tpu.memory_space<hbm>>
      tpu.enqueue_dma source(%arg24 : memref<16xf32, #tpu.memory_space<vmem>>) target(%dma_start3A_644 : memref<16xf32, #tpu.memory_space<hbm>>) target_semaphore(%run_scoped3A : memref<!tpu.dma_semaphore, #tpu.memory_space<semaphore_mem>>)
      %dma_wait3A_645 = arith.constant 0 : i32
      %dma_wait3A_646 = tpu.memref_slice %arg9[%add3A, %dma_wait3A_645] : memref<32x16xf32, #tpu.memory_space<hbm>> -> memref<1x16xf32, #tpu.memory_space<hbm>>
      %dma_wait3A_647 = tpu.memref_squeeze %dma_wait3A_646 : memref<1x16xf32, #tpu.memory_space<hbm>> -> memref<16xf32, #tpu.memory_space<hbm>>
      %dma_wait3A_648 = arith.constant 0 : i32
      %dma_wait3A_649 = tpu.memref_slice %arg9[%add3A, %dma_wait3A_648] : memref<32x16xf32, #tpu.memory_space<hbm>> -> memref<1x16xf32, #tpu.memory_space<hbm>>
      %dma_wait3A_650 = tpu.memref_squeeze %dma_wait3A_649 : memref<1x16xf32, #tpu.memory_space<hbm>> -> memref<16xf32, #tpu.memory_space<hbm>>
      tpu.wait_dma2 semaphore(%run_scoped3A : memref<!tpu.dma_semaphore, #tpu.memory_space<semaphore_mem>>) src(%arg24 : memref<16xf32, #tpu.memory_space<vmem>>) dst(%dma_wait3A_650 : memref<16xf32, #tpu.memory_space<hbm>>)
      tpu.yield
    }) : () -> ()
    return
  }
}

</mosaic_0001>

<sc_bundles>
// kernel: kernel.3.cloned.1.call-start
scs
__scs_entry_jumppad:
0x0: {  	(pc) =	sbr.rel $0x88, $3  }
0x1: {  	(tag) =	ssettag $0x0;
	lr =	simm.s32 $0x1  }
0x2: {  	[smem:$0x3F9F] =	sst lr;
	_ =	strace $0xD0000000  }
0x3: {  	_ = 	snop  }
0x4: {  	_ = 	snop  }
0x5: {  	_ = 	snop  }
0x6: {  	_ = 	snop  }
0x7: {  	_ = 	snop  }
__scs_overlays_trampoline_lowered:
0x8: {  	[smem:$0x3FAE] =	sst s0  }
0x9: {  	[smem:$0x3FAF] =	sst s1  }
0xa: {  	[smem:$0x3FB0] =	sst s2  }
0xb: {  	[smem:$0x3FB1] =	sst s3  }
0xc: {  	[smem:$0x3FB2] =	sst s4  }
0xd: {  	[smem:$0x3FB3] =	sst s5  }
0xe: {  	[smem:$0x3FB4] =	sst s6  }
0xf: {  	[smem:$0x3FB5] =	sst s7  }
0x10: {  	[smem:$0x3FB6] =	sst s8  }
0x11: {  	[smem:$0x3FB7] =	sst s9;
	s0 =	simm.s32 @!p0 $0x0  }
0x12: {  	s1 =	sld [smem:$0x3F9D];
	s0 =	simm.s32 @p0 $0x1  }
0x13: {  	[smem:$0x3FB8] =	sst s0;
	s0 =	simm.s32 @!p1 $0x0  }
0x14: {  	s2 =	sld [smem:$0x3F9C];
	s0 =	simm.s32 @p1 $0x1  }
0x15: {  	[smem:$0x3FB9] =	sst s0;
	s0 =	simm.s32 @!p2 $0x0  }
0x16: {  	s3 =	sld [smem:$0x3FDB];
	s0 =	simm.s32 @p2 $0x1  }
0x17: {  	s4 =	simm.s32 $0x1BF5;
	[smem:$0x3FBB] =	sst s0  }
0x18: {  	s0 =	sld [smem:$0x3F9E];
	_ =	swait.ge [sflag:s4], $0x0  }
0x19: {  	s7 =	sld [smem:$0x3F9F]  }
0x1a: {  	s8 =	sadd.s32 $0xFFFFE003, lr  }
0x1b: {  	s9 =	sadd.s32 $0xFFFFFEF7, lr;
	s5 =	simm.s32 $0xFFFFFFFF;
	p2 =	slt.u32 s8, $0xFFFFF086  }
0x1c: {  	p1 =	slt.u32 s9, $0xF7A;
	s5 =	simm.s32 @!p2 $0x0  }
0x1d: {  	s5 =	simm.s32 @p1 $0x1;
	p0 =	seq.s32 s7, s2  }
0x1e: {  	s7 =	smul.u32 @!p0 $0xF7A, s2;
	p2 =	seq.s32 @!p0 s5, $0x0  }
0x1f: {  	s9 =	smul.u32 $0xF7A, s1;
	s8 =	simm.s32 @!p0 $0x1BF5;
	p2 =	por !p2, p0  }
0x20: {  	[sflag:s8] =	ssyncset.s32 @!p0 $0xFFFFF086;
	s6 =	sadd.s32 @!p0 s3, s7;
	s7 =	simm.s32 @!p0 $0x108  }
0x21: {  	s3 =	sadd.s32 s3, s9;
	s6 =	sadd.s32 @!p0 $0x88, s6;
	s7 =	simm.s32 @p2 $0x1082  }
0x22: {  	[simem:s7], [sflag:s8] =	dma.local @!p0 [hbm:s6], $0xF7A  }
0x23: {  	s9 =	sor.u32 $0xD0000000, s2;
	s6 =	simm.s32 $0x108;
	_ =	swait.ge @!p0 [sflag:s8], $0x0  }
0x24: {  	s3 =	sadd.s32 $0x88, s3;
	s6 =	simm.s32 @!p1 $0x1082;
	[sflag:s4] =	ssyncset.s32 $0xFFFFF086  }
0x25: {  	[simem:s6], [sflag:s4] =	dma.local [hbm:s3], $0xF7A  }
0x26: {  	[smem:$0x3F9F] =	sst s1;
	(tag) =	ssettag s2;
	_ =	strace s9  }
0x27: {  	s1 =	sld [smem:$0x3FAF]  }
0x28: {  	s2 =	sld [smem:$0x3FB0]  }
0x29: {  	s4 =	sld [smem:$0x3FB2]  }
0x2a: {  	p0 =	seq.s32 s5, $0x0;
	s5 =	sld [smem:$0x3FB3]  }
0x2b: {  	s6 =	sld [smem:$0x3FB4]  }
0x2c: {  	s7 =	sld [smem:$0x3FB5]  }
0x2d: {  	s3 =	simm.s32 $0x108;
	s8 =	sld [smem:$0x3FB6]  }
0x2e: {  	s3 =	simm.s32 @!p0 $0x1082;
	s9 =	sld [smem:$0x3FB7]  }
0x2f: {  	lr =	sadd.s32 s0, s3;
	s0 =	sld [smem:$0x3FAE]  }
0x30: {  	s3 =	sld [smem:$0x3FB1]  }
0x31: {  	[smem:$0x3FBA] =	sst s10  }
0x32: {  	s10 =	sld [smem:$0x3FB8];
	_ =	sdelay $0x3  }
0x33: {  	p0 =	seq.s32 s10, $0x1;
	s10 =	sld [smem:$0x3FBA];
	_ =	sdelay $0x3  }
0x34: {  	[smem:$0x3FBA] =	sst s10  }
0x35: {  	s10 =	sld [smem:$0x3FB9];
	_ =	sdelay $0x3  }
0x36: {  	p1 =	seq.s32 s10, $0x1;
	s10 =	sld [smem:$0x3FBA];
	_ =	sdelay $0x3  }
0x37: {  	[smem:$0x3FBA] =	sst s10  }
0x38: {  	s10 =	sld [smem:$0x3FBB]  }
0x39: {  	_ = 	snop;
	(pc) =	sbr.ind lr, $3  }
0x3a: {  	_ = 	snop  }
0x3b: {  	_ = 	snop  }
0x3c: {  	p2 =	seq.s32 s10, $0x1;
	s10 =	sld [smem:$0x3FBA]  }
0x3d: {  	_ =	shalt  }
0x3e: {  	_ =	shalt  }
0x3f: {  	_ =	shalt  }
0x40: {  	_ =	shalt  }
0x41: {  	_ =	shalt  }
0x42: {  	_ =	shalt  }
0x43: {  	_ =	shalt  }
0x44: {  	_ =	shalt  }
0x45: {  	_ =	shalt  }
0x46: {  	_ =	shalt  }
0x47: {  	_ =	shalt  }
0x48: {  	_ =	shalt  }
0x49: {  	_ =	shalt  }
0x4a: {  	_ =	shalt  }
0x4b: {  	_ =	shalt  }
0x4c: {  	_ =	shalt  }
0x4d: {  	_ =	shalt  }
0x4e: {  	_ =	shalt  }
0x4f: {  	_ =	shalt  }
0x50: {  	_ =	shalt  }
0x51: {  	_ =	shalt  }
0x52: {  	_ =	shalt  }
0x53: {  	_ =	shalt  }
0x54: {  	_ =	shalt  }
0x55: {  	_ =	shalt  }
0x56: {  	_ =	shalt  }
0x57: {  	_ =	shalt  }
0x58: {  	_ =	shalt  }
0x59: {  	_ =	shalt  }
0x5a: {  	_ =	shalt  }
0x5b: {  	_ =	shalt  }
0x5c: {  	_ =	shalt  }
0x5d: {  	_ =	shalt  }
0x5e: {  	_ =	shalt  }
0x5f: {  	_ =	shalt  }
0x60: {  	_ =	shalt  }
0x61: {  	_ =	shalt  }
0x62: {  	_ =	shalt  }
0x63: {  	_ =	shalt  }
0x64: {  	_ =	shalt  }
0x65: {  	_ =	shalt  }
0x66: {  	_ =	shalt  }
0x67: {  	_ =	shalt  }
0x68: {  	_ =	shalt  }
0x69: {  	_ =	shalt  }
0x6a: {  	_ =	shalt  }
0x6b: {  	_ =	shalt  }
0x6c: {  	_ =	shalt  }
0x6d: {  	_ =	shalt  }
0x6e: {  	_ =	shalt  }
0x6f: {  	_ =	shalt  }
0x70: {  	_ =	shalt  }
0x71: {  	_ =	shalt  }
0x72: {  	_ =	shalt  }
0x73: {  	_ =	shalt  }
0x74: {  	_ =	shalt  }
0x75: {  	_ =	shalt  }
0x76: {  	_ =	shalt  }
0x77: {  	_ =	shalt  }
0x78: {  	_ =	shalt  }
0x79: {  	_ =	shalt  }
0x7a: {  	_ =	shalt  }
0x7b: {  	_ =	shalt  }
0x7c: {  	_ =	shalt  }
0x7d: {  	_ =	shalt  }
0x7e: {  	_ =	shalt  }
0x7f: {  	_ =	shalt  }
0x80: {  	_ =	shalt  }
0x81: {  	_ =	shalt  }
0x82: {  	_ =	shalt  }
0x83: {  	_ =	shalt  }
0x84: {  	_ =	shalt  }
0x85: {  	_ =	shalt  }
0x86: {  	_ =	shalt  }
0x87: {  	_ =	shalt  }
.Lfunc_end0:
.L_simem_size_0:
called_computation_lowered:
.L_overlay_start_0:
0x88: {  	s2 =	sld [smem:$0x3FD9]  }
0x89: {  	s3 =	sld [smem:$0x3FFE];
	_ =	sdelay $0x1  }
0x8a: {  	s1 =	srdreg.scid  }
0x8b: {  	s0 =	sand.u32 $0x1, s1  }
0x8c: {  	s17 =	sshll.u32 s0, $0xA;
	s2 =	sadd.s32 s3, s2  }
0x8d: {  	s2 =	sadd.s32 s2, s17  }
0x8e: {  	[smem:$0x3FC6] =	sst s2  }
0x8f: {  	_ = 	snop  }
0x90: {  	s2 =	sld [smem:$0x3FC8];
	(tm) =	ssettm $0x1  }
0x91: {  	s18 =	sld [smem:$0x3FFB];
	_ =	sdelay $0x3  }
0x92: {  	_ =	strace s18  }
0x93: {  	s3 =	sld [smem:$0x3FFC];
	_ =	sdelay $0x3  }
0x94: {  	_ =	strace s3  }
0x95: {  	s3 =	sld [smem:$0x3FFD];
	_ =	sdelay $0x3  }
0x96: {  	_ =	strace s3  }
0x97: {  	_ =	strace $0x8FFFFFFF  }
0x98: {  	s19 =	sld [smem:$0x3FDB];
	_ =	sdelay $0x1  }
0x99: {  	s4 =	simm.s32 $_scs_section_size  }
0x9a: {  	s5 =	simm.s32 $_size__tile_overlayer_lowered;
	s6 =	simm.s32 $_tile_overlayer_lowered  }
0x9b: {  	s22 =	simm.s32 $0x1BFF;
	s21 =	sshll.u32 s6, $0x1;
	s3 =	sadd.s32 s4, s19  }
0x9c: {  	s7 =	simm.s32 $0x0;
	s20 =	sshll.u32 s5, $0x1;
	s5 =	sadd.s32 s21, s3  }
0x9d: {  	[timem:s7], [sflag:s22] =	dma.local [hbm:s5], s20  }
0x9e: {  	_ =	swait.ge [sflag:s22], s20  }
0x9f: {  	s4 =	ssub.s32 $0x0, s20;
	[sflag:s22] =	ssyncset.done $0x0  }
0xa0: {  	[sflag:s22] =	ssyncadd.s32 s4;
	_ =	sdelay $0x1  }
0xa1: {  	s23 =	simm.s32 $0x1B8B  }
0xa2: {  	_ =	swait.ge [sflag:s23], $0x1  }
0xa3: {  	[sflag:s23] =	ssyncset.done $0x0  }
0xa4: {  	s25 =	simm.s32 $0x1B8E;
	s24 =	sld [smem:$0x3FFE];
	[sflag:s23] =	ssyncadd.s32 $0xFFFFFFFF  }
0xa5: {  	s26 =	simm.s32 $execute0_lowered;
	[smem:$0x3FD2] =	sst s25  }
0xa6: {  	s5 =	sshll.u32 s26, $0x1;
	_ =	strace $0x80000046;
	[dreg:$0x1] =	wrdreg $0xFFFFFFFF  }
0xa7: {  	s28 =	simm.s32 $_size_execute0_lowered;
	s3 =	sadd.s32 s3, s5;
	[dreg:$0x0] =	wrdreg $0x0  }
0xa8: {  	s5 =	sshll.u32 s28, $0x1;
	[dreg:$0x2] =	wrdreg s3  }
0xa9: {  	[dreg:$0x3] =	wrdreg s5  }
0xaa: {  	[dreg:$0x4] =	wrdreg $0xC0  }
0xab: {  	_ =	task [dreg:s7], $0x5FFFF  }
0xac: {  	[dreg:$0x1] =	wrdreg $0xFFFFFFFF  }
0xad: {  	[dreg:$0x0] =	wrdreg $0x60  }
0xae: {  	[dreg:$0x2] =	wrdreg s24  }
0xaf: {  	[dreg:$0x3] =	wrdreg s2  }
0xb0: {  	[dreg:$0x4] =	wrdreg $0x9  }
0xb1: {  	_ =	task.clear_ibuf [dreg:s7], $0x5FFFF;
	_ =	strace $0x90000046  }
0xb2: {  	s29 =	simm.s32 $0x9;
	_ =	strace $0x80000048  }
0xb3: {  	_ =	swait.ge [sflag:s29], $0x1  }
0xb4: {  	[sflag:s29] =	ssyncadd.s32 $0xFFFFFFFF  }
0xb5: {  	_ =	strace $0x90000048  }
0xb6: {  	_ =	sfence  }
0xb7: {  	s30 =	sld [smem:$0x0];
	_ =	sdelay $0x2  }
0xb8: {  	s31 =	sshll.u32 s1, $0xD;
	s1 =	sshrl.u32 s1, $0x2  }
0xb9: {  	s3 =	sand.u32 $0x4000, s31;
	s1 =	sadd.s32 s1, s30  }
0xba: {  	s0 =	sor.u32 s3, s0;
	s1 =	sshll.u32 s1, $0x11  }
0xbb: {  	s0 =	sor.u32 s1, s0  }
0xbc: {  	s0 =	sadd.s32 $0x8F2B, s0  }
0xbd: {  	[sflag:s0] =	ssyncadd.remote.s32 $0x1  }
0xbe: {  	_ =	sfence.sel $0xFFFF  }
0xbf: {  	[dreg:$0x0] =	wrdreg $0xFFFFFFFF;
	(pc) =	sbr.abs _section_cstart, $3  }
0xc0: {  	[dreg:$0x1] =	wrdreg $0xFFFFFFFF  }
0xc1: {  	_ =	task.clear_ibuf [dreg:s7], $0x2FFFF;
	_ =	strace $0x9FFFFFFF  }
0xc2: {  	(tm) =	ssettm $0x7FFFFFFF  }
0xc3: {  	_ =	shalt  }
tec
execute0_lowered:
.L_overlay_start_1:
0x0: {  	(tag) =	ssettag $0x1  }
0x1: {  	s1 =	rddreg [dreg:$0x0];
	s3 =	simm.s32 $0x0  }
0x2: {  	s7 =	stileid.u32;
	s10 =	simm.s32 $0x1000;
	s13 =	simm.s32 $0x9B00  }
0x3: {  	s14 =	simm.s32 $0x9000;
	s15 =	simm.s32 $0x9A80;
	s16 =	simm.s32 $0x9B80  }
0x4: {  	v31 =	vlaneseq.u32;
	s29 =	simm.s32 $0xFC00;
	s30 =	simm.s32 $0xFC80;
	[smem:$0x7FF] =	sst s3  }
0x5: {  	s0 =	srdreg.scid;
	s5 =	sshll.u32 s7, $0x14;
	s4 =	sadd.s32 $0x2000, s1;
	v0 =	vor.u32 $0x800000F0, v31;
	v1 =	vor.u32 $0x800000E0, v31  }
0x6: {  	s2 =	sand.u32 $0x1, s0;
	s21 =	sshll.u32 s7, $0x1;
	v2 =	vor.u32 $0x800000D0, v31;
	v3 =	vor.u32 $0x800000C0, v31;
	v4 =	vor.u32 $0x800000B0, v31  }
0x7: {  	v5 =	vor.u32 $0x800000A0, v31;
	s31 =	sshll.u32 s7, $0x8;
	_ =	strace $0x80000047;
	s6 =	sshll.u32 s2, $0x13  }
0x8: {  	v6 =	vor.u32 $0x80000090, v31;
	v7 =	vor.u32 $0x80000080, v31;
	v8 =	vor.u32 $0x80000070, v31;
	s8 =	sor.u32 s2, s21;
	s28 =	ssub.s32 $0x2, s2;
	s2 =	sshll.u32 s2, $0x7  }
0x9: {  	v9 =	vor.u32 $0x80000060, v31;
	v10 =	vor.u32 $0x80000050, v31;
	s22 =	sor.u32 s6, s5;
	s23 =	sshll.u32 s8, $0xC;
	s24 =	sshll.u32 s8, $0x1  }
0xa: {  	v11 =	vor.u32 $0x80000040, v31;
	v12 =	vor.u32 $0x80000030, v31;
	s26 =	sshll.u32 s8, $0xA;
	s12 =	sshrl.u32 s28, $0x1;
	s18 =	sshll.u32 s8, $0x8  }
0xb: {  	v13 =	vor.u32 $0x80000020, v31;
	v14 =	vor.u32 $0x80000010, v31;
	v15 =	vor.u32 $0x800001F0, v31;
	s17 =	sshll.u32 s8, $0x7;
	s21 =	sor.u32 s2, s31;
	s2 =	simm.s32 $0x0  }
0xc: {  	v16 =	vor.u32 $0x800001E0, v31;
	v17 =	vor.u32 $0x800001D0, v31;
	v18 =	vor.u32 $0x800001C0, v31;
	s0 =	sshrl.u32 s22, $0x3;
	s5 =	sadd.s32 s23, s1;
	s25 =	sadd.s32 s24, s1  }
0xd: {  	v19 =	vor.u32 $0x800001B0, v31;
	v20 =	vor.u32 $0x800001A0, v31;
	v21 =	vor.u32 $0x80000190, v31;
	s18 =	sadd.s32 s1, s18;
	s19 =	sadd.s32 s4, s26;
	s22 =	simm.s32 $0x2  }
0xe: {  	v22 =	vor.u32 $0x80000180, v31;
	v23 =	vor.u32 $0x80000170, v31;
	s23 =	simm.s32 $0x1;
	s24 =	simm.s32 $0x9800;
	s5 =	sadd.s32 $0xA000, s5  }
0xf: {  	v24 =	vor.u32 $0x80000160, v31;
	v25 =	vor.u32 $0x80000150, v31;
	s9 =	sadd.s32 s0, s1;
	s0 =	sadd.s32 $0x42A200, s25;
	[dreg:$0x3] =	wrdreg s5  }
0x10: {  	v26 =	vor.u32 $0x80000140, v31;
	v27 =	vor.u32 $0x80000130, v31;
	s6 =	sadd.s32 $0x42A000, s25;
	s25 =	simm.s32 $0x80;
	[dreg:$0x5] =	wrdreg s0  }
0x11: {  	v29 =	vor.u32 $0x80000120, v31;
	v30 =	vor.u32 $0x80000110, v31;
	s0 =	sadd.s32 $0x22A000, s9;
	s11 =	sadd.s32 $0x2A000, s9;
	s9 =	ssub.s32 s28, s12  }
0x12: {  	v28 =	vor.u32 $0x80000000, v31;
	v31 =	vor.u32 $0x80000100, v31;
	[tilespmem:$0x1FFF0] =	vst v0;
	[dreg:$0x4] =	wrdreg s6;
	s12 =	simm.s32 $0x9A00;
	s20 =	smax.u32 s9, $0x1  }
.LBB2_1:
0x13: {  	s1 =	rddreg [dreg:$0x1]  }
0x14: {  	[tilespmem:s3], [sflag:$0x2] =	stream.linear.gather [hbm4b:s1+s3], $0x1000, $0x38;
	[tilespmem:$0xFD20] =	vst v63  }
0x15: {  	_ =	swait.ge [sflag:s22], $0x1000  }
0x16: {  	[sflag:s22] =	ssyncset.done $0x0  }
0x17: {  	s28 =	rddreg [dreg:$0x3];
	[sflag:s22] =	ssyncadd.s32 $0xFFFFF000  }
0x18: {  	[tilespmem:s10], [sflag:$0x2] =	stream.linear.gather [hbm4b:s28+s3], $0x8000, $0x38;
	[tilespmem:$0xFD20] =	vst v63  }
0x19: {  	_ =	swait.ge [sflag:s22], $0x8000  }
0x1a: {  	[sflag:s22] =	ssyncset.done $0x0  }
0x1b: {  	[sflag:s22] =	ssyncadd.s32 $0xFFFF8000  }
0x1c: {  	[tilespmem:s14], [sflag:$0x2] =	stream.linear.gather [hbm4b:s18+s3], $0x800, $0x38;
	[tilespmem:$0xFD20] =	vst v63  }
0x1d: {  	_ =	swait.ge [sflag:s22], $0x800  }
0x1e: {  	[sflag:s22] =	ssyncset.done $0x0  }
0x1f: {  	s31 =	simm.s32 $0x9C00;
	[sflag:s22] =	ssyncadd.s32 $0xFFFFF800  }
0x20: {  	[tilespmem:s31], [sflag:$0x2] =	stream.linear.gather [hbm4b:s19+s3], $0x2000, $0x38;
	[tilespmem:$0xFD20] =	vst v63  }
0x21: {  	_ =	swait.ge [sflag:s22], $0x2000  }
0x22: {  	s5 =	simm.s32 $0x1080;
	[sflag:s22] =	ssyncset.done $0x0  }
0x23: {  	s8 =	simm.s32 $0x9000;
	s9 =	simm.s32 $0x0;
	[sflag:s22] =	ssyncadd.s32 $0xFFFFE000  }
.LBB2_2:
0x24: {  	v33 =	vld [tilespmem:s5+$0xFFFFFFB0]  }
0x25: {  	v34 =	vld [tilespmem:s5+$0xFFFFFFD0]  }
0x26: {  	v35 =	vld [tilespmem:s5+$0xFFFFFF90]  }
0x27: {  	v36 =	vld [tilespmem:s5+$0xFFFFFFA0]  }
0x28: {  	v38 =	vld [tilespmem:s5+$0x10]  }
0x29: {  	v41 =	vld [tilespmem:s5+$0x30]  }
0x2a: {  	v42 =	vld [tilespmem:s5+$0x50]  }
0x2b: {  	s26 =	sadd.s32 s9, s21;
	v43 =	vld [tilespmem:s5+$0xFFFFFFF0]  }
0x2c: {  	v44 =	vld [tilespmem:s5+$0x70];
	v32 =	vmov s26  }
0x2d: {  	v45 =	vld [tilespmem:s5+$0x60]  }
0x2e: {  	v47 =	vld [tilespmem:s5+$0x40]  }
0x2f: {  	v48 =	vld [tilespmem:s5+$0x20]  }
0x30: {  	s1 =	simm.s32 $0x0;
	v51 =	vld [tilespmem:s5+$0x0]  }
0x31: {  	v32 =	vld.idx.msk [tilespmem:v32+s1+$0x0], $0xffff  }
0x32: {  	v37 =	vld.idx.msk [tilespmem:v33+s1+$0x0], $0xffff  }
0x33: {  	v39 =	vld.idx.msk [tilespmem:v34+s1+$0x0], $0xffff  }
0x34: {  	v46 =	vld.idx.msk [tilespmem:v38+s1+$0x0], $0xffff  }
0x35: {  	v49 =	vld.idx.msk [tilespmem:v41+s1+$0x0], $0xffff  }
0x36: {  	v50 =	vld.idx.msk [tilespmem:v42+s1+$0x0], $0xffff  }
0x37: {  	v55 =	vld.idx.msk [tilespmem:v44+s1+$0x0], $0xffff  }
0x38: {  	vm1 =	vne.s32 v33, s26;
	v56 =	vld.idx.msk [tilespmem:v45+s1+$0x0], $0xffff  }
0x39: {  	v40 =	vld [tilespmem:s5+$0xFFFFFFE0];
	vm3 =	vne.s32 v34, s26;
	vm5 =	vne.s32 v38, s26;
	vm7 =	vne.s32 v41, s26  }
0x3a: {  	v57 =	vld [tilespmem:s5+$0xFFFFFFC0];
	vm15 =	vne.s32 v42, s26;
	vm10 =	vne.s32 v44, s26;
	vm12 =	vne.s32 v45, s26  }
0x3b: {  	vm14 =	vne.s32 v47, s26;
	v58 =	vld.idx.msk [tilespmem:v47+s1+$0x0], $0xffff;
	vm0 =	veq.s32 v37, v32;
	vm2 =	veq.s32 v39, v32  }
0x3c: {  	v59 =	vld.idx.msk [tilespmem:v43+s1+$0x0], $0xffff;
	vm4 =	veq.s32 v46, v32;
	vm6 =	veq.s32 v49, v32;
	vm8 =	veq.s32 v50, v32  }
0x3d: {  	v60 =	vld.idx.msk [tilespmem:v48+s1+$0x0], $0xffff;
	vm9 =	veq.s32 v55, v32;
	vm11 =	veq.s32 v56, v32;
	vm0 =	vmand vm1, vm0  }
0x3e: {  	v61 =	vld [tilespmem:s5+$0xFFFFFF80];
	vm1 =	vmand vm3, vm2;
	vm2 =	vmand vm5, vm4;
	vm5 =	vmand vm10, vm9  }
0x3f: {  	v62 =	vld.idx.msk [tilespmem:v51+s1+$0x0], $0xffff;
	vm4 =	vmand vm7, vm6;
	vm6 =	vmand vm12, vm11;
	v63 =	vnsel vm5, $0xC0000000, v0  }
0x40: {  	vm13 =	veq.s32 v58, v32;
	vm3 =	vmand vm15, vm8;
	v45 =	vsel vm6, v1, v63  }
0x41: {  	v46 =	vld.idx.msk [tilespmem:v40+s1+$0x0], $0xffff;
	vm15 =	veq.s32 v59, v32;
	vm5 =	vmand vm14, vm13;
	v38 =	vsel vm3, v2, v45  }
0x42: {  	vm8 =	veq.s32 v60, v32;
	vm9 =	vne.s32 v48, s26;
	v47 =	vsel vm5, v3, v38  }
0x43: {  	v49 =	vld.idx.msk [tilespmem:v57+s1+$0x0], $0xffff;
	vm10 =	vne.s32 v43, s26;
	vm3 =	vmand vm9, vm8;
	v37 =	vsel vm4, v4, v47  }
0x44: {  	v48 =	vld.idx.msk [tilespmem:v35+s1+$0x0], $0xffff;
	vm11 =	veq.s32 v62, v32;
	vm12 =	vne.s32 v51, s26;
	v50 =	vsel vm3, v5, v37  }
0x45: {  	v51 =	vld.idx.msk [tilespmem:v36+s1+$0x0], $0xffff;
	vm14 =	vne.s32 v40, s26;
	vm3 =	vmand vm12, vm11;
	v33 =	vsel vm2, v6, v50  }
0x46: {  	v52 =	vld.idx.msk [tilespmem:v61+s1+$0x0], $0xffff;
	vm5 =	vmand vm10, vm15;
	vm13 =	veq.s32 v46, v32;
	v33 =	vsel vm3, v7, v33  }
0x47: {  	vm9 =	vne.s32 v57, s26;
	vm2 =	vmand vm14, vm13;
	v33 =	vsel vm5, v8, v33  }
0x48: {  	vm8 =	veq.s32 v49, v32;
	vm10 =	vne.s32 v35, s26;
	v33 =	vsel vm2, v9, v33  }
0x49: {  	vm15 =	veq.s32 v48, v32;
	vm2 =	vmand vm9, vm8;
	v33 =	vsel vm1, v10, v33  }
0x4a: {  	vm11 =	veq.s32 v51, v32;
	vm12 =	vne.s32 v36, s26;
	v33 =	vsel vm2, v11, v33  }
0x4b: {  	vm13 =	veq.s32 v52, v32;
	vm1 =	vmand vm12, vm11;
	v33 =	vsel vm0, v12, v33  }
0x4c: {  	vm14 =	vne.s32 v61, s26;
	vm3 =	vmand vm10, vm15;
	v33 =	vsel vm1, v13, v33  }
0x4d: {  	vm0 =	vmand vm14, vm13;
	v33 =	vsel vm3, v14, v33  }
0x4e: {  	v33 =	vsel vm0, v28, v33  }
0x4f: {  	(xrf0) =	vmin.scan.msk.u32 $0xffff, v33;
	_ =	sdelay $0x5  }
0x50: {  	v33, _, _ =	vpop (xrf0)  }
0x51: {  	(v2sf) =	vpush v33, $0xF;
	_ =	sdelay $0xe  }
0x52: {  	s6 =	spop (v2sf)  }
0x53: {  	s26 =	sxor.u32 $0x80000000, s6  }
0x54: {  	p1 =	slt.s32 s26, $0xFF  }
0x55: {  	p0 =	slt.s32 s26, $0x100;
	s26 =	simm.s32 @!p1 $0xFF  }
0x56: {  	v53 =	vmov s9;
	v54 =	vmov s26  }
0x57: {  	v56 =	vshll.u32 v53, $0x8;
	v55 =	vand.u32 $0xFFFFFFF8, v54  }
0x58: {  	v34 =	vand.u32 $0x7, v54;
	v35 =	vadd.s32 v56, v55  }
0x59: {  	v34 =	vor.u32 v34, v35;
	_ =	sdelay $0x4  }
0x5a: {  	v34 =	vld.idx.msk [tilespmem:v34+s10+$0x0], $0xffff;
	_ =	sdelay $0x4  }
0x5b: {  	v34 =	vxor.u32 $0x80000000, v34  }
0x5c: {  	(xrf0) =	vmin.scan.msk.u32 $0xffff, v34;
	_ =	sdelay $0x5  }
0x5d: {  	v34, _, _ =	vpop (xrf0)  }
0x5e: {  	(v2sf) =	vpush v34, $0xF;
	_ =	sdelay $0xe  }
0x5f: {  	s7 =	spop (v2sf)  }
0x60: {  	s26 =	sxor.u32 $0x80000000, s7  }
0x61: {  	s28 =	simm.s32 $0x1;
	s26 =	simm.s32 @!p0 $0x0  }
0x62: {  	s28 =	simm.s32 @!p0 $0x0;
	v57 =	vmov s26  }
0x63: {  	v58 =	vmov s28;
	[tilespmem:v53+s12+$0x0] =	vst.idx.msk $0x1, v57  }
0x64: {  	[tilespmem:v53+s13+$0x0] =	vst.idx.msk $0x1, v58  }
0x65: {  	v34 =	vld [tilespmem:s8+$0x0];
	_ =	sdelay $0x7  }
0x66: {  	v34 =	vld.idx.msk [tilespmem:v34+s1+$0x0], $0xffff;
	_ =	sdelay $0x4  }
0x67: {  	vm15 =	veq.s32 v34, v32  }
0x68: {  	v32 =	vsel vm15, $0xC0000000, v28  }
0x69: {  	(xrf0) =	vmin.scan.msk.u32 $0xffff, v32;
	_ =	sdelay $0x5  }
0x6a: {  	v32, _, _ =	vpop (xrf0)  }
0x6b: {  	(v2sf) =	vpush v32, $0xF;
	_ =	sdelay $0xe  }
0x6c: {  	s28 =	spop (v2sf)  }
0x6d: {  	s26 =	sxor.u32 $0x80000000, s28  }
0x6e: {  	p1 =	slt.s32 s26, $0xF  }
0x6f: {  	p0 =	slt.s32 s26, $0x10;
	s26 =	simm.s32 @!p1 $0xF  }
0x70: {  	v59 =	vmov s26  }
0x71: {  	v61 =	vshll.u32 v53, $0x4;
	v60 =	vand.u32 $0xFFFFFFF8, v59  }
0x72: {  	v32 =	vand.u32 $0x7, v59;
	v34 =	vadd.s32 v61, v60  }
0x73: {  	v32 =	vor.u32 v32, v34;
	_ =	sdelay $0x4  }
0x74: {  	v32 =	vld.idx.msk [tilespmem:v32+s14+$0x0], $0xffff;
	_ =	sdelay $0x4  }
0x75: {  	v32 =	vxor.u32 $0x80000000, v32  }
0x76: {  	(xrf0) =	vmin.scan.msk.u32 $0xffff, v32;
	_ =	sdelay $0x5  }
0x77: {  	v32, _, _ =	vpop (xrf0)  }
0x78: {  	(v2sf) =	vpush v32, $0xF;
	_ =	sdelay $0xe  }
0x79: {  	s31 =	spop (v2sf)  }
0x7a: {  	s28 =	simm.s32 $0x1;
	s26 =	sxor.u32 $0x80000000, s31  }
0x7b: {  	s28 =	simm.s32 @!p0 $0x0;
	s26 =	simm.s32 @!p0 $0x0;
	p0 =	sne.s32 s9, $0x7F  }
.Ltmp0:
0x7c: {  	_ = 	snop;
	(pc) =	sbr.rel @p0 .LBB2_2-.Ltmp0, $4  }
0x7d: {  	_ = 	snop  }
0x7e: {  	v62 =	vmov s26  }
0x7f: {  	v63 =	vmov s28;
	[tilespmem:v53+s15+$0x0] =	vst.idx.msk $0x1, v62  }
0x80: {  	s5 =	sadd.s32 $0x100, s5;
	s8 =	sadd.s32 $0x10, s8;
	s9 =	sadd.s32 $0x1, s9;
	[tilespmem:v53+s16+$0x0] =	vst.idx.msk $0x1, v63  }
.Ltmp1:
0x81: {  	(pc) =	sbr.rel .LBB2_4-.Ltmp1, $2  }
0x82: {  	_ =	sdelay $0x2  }
0x83: {  	s9 =	smov.u32 s11;
	s26 =	smov.u32 s0;
	s28 =	simm.s32 $0x0  }
.LBB2_9:
0x84: {  	v1 =	vld [tilespmem:$0x1FFE0];
	_ =	sdelay $0x5  }
0x85: {  	s6 =	simm.s32 $0x1  }
0x86: {  	v0 =	vmov s5;
	s6 =	simm.s32 @!p0 $0x0  }
0x87: {  	[tilespmem:v1+s15+$0x0] =	vst.idx.msk $0x1, v0;
	v0 =	vmov s6  }
0x88: {  	[tilespmem:v1+s16+$0x0] =	vst.idx.msk $0x1, v0  }
.LBB2_10:
0x89: {  	s28 =	sadd.s32 $0x1, s28  }
0x8a: {  	p0 =	sne.s32 s28, $0x80  }
.Ltmp2:
0x8b: {  	v1 =	vmov v2;
	v2 =	vmov v3;
	v3 =	vmov v4;
	(pc) =	sbr.rel @!p0 .LBB2_11-.Ltmp2, $4  }
0x8c: {  	v4 =	vmovc v5;
	v16 =	vmovc v63;
	v5 =	vmov v6;
	v6 =	vmov v7;
	v7 =	vmov v18  }
0x8d: {  	v17 =	vmovc v19;
	v18 =	vmovc v10;
	v19 =	vmov v21;
	v10 =	vmov v11;
	v11 =	vmov v20  }
0x8e: {  	v20 =	vmovc v59;
	v21 =	vmovc v22;
	v22 =	vmov v23;
	v23 =	vmov v56;
	v24 =	vmov v25  }
0x8f: {  	s26 =	sadd.s32 $0x200, s26;
	s9 =	sadd.s32 $0x200, s9;
	v25 =	vmovc v54;
	v26 =	vmovc v27;
	v27 =	vmov v52;
	v29 =	vmov v30;
	v30 =	vmov v50  }
.LBB2_4:
0x90: {  	v0 =	vmov s28;
	_ =	sdelay $0x4  }
0x91: {  	v33 =	vld.idx.msk [tilespmem:v0+s13+$0x0], $0xffff;
	_ =	sdelay $0x4  }
0x92: {  	v33 =	vxor.u32 $0x80000000, v33  }
0x93: {  	(xrf0) =	vmin.scan.msk.u32 $0xffff, v33;
	_ =	sdelay $0x5  }
0x94: {  	v33, _, _ =	vpop (xrf0)  }
0x95: {  	(v2sf) =	vpush v33, $0xF;
	_ =	sdelay $0xe  }
0x96: {  	s5 =	sor.u32 s17, s28;
	s8 =	spop (v2sf)  }
0x97: {  	v34 =	vmov s5;
	p0 =	sne.s32 s8, $0x80000000  }
.Ltmp3:
0x98: {  	_ = 	snop;
	(pc) =	sbr.rel @p0 .LBB2_7-.Ltmp3, $3  }
0x99: {  	_ =	sdelay $0x1  }
0x9a: {  	[tilespmem:$0x1FFE0] =	vst v0;
	v0 =	vld [tilespmem:$0x1FFF0]  }
0x9b: {  	s31 =	simm.s32 $0x0;
	s5 =	simm.s32 $0x0;
	v33 =	vld.idx.msk [tilespmem:v34+s1+$0x0], $0xffff;
	s8 =	smov.u32 s26  }
.LBB2_5:
0x9c: {  	[tilespmem:s24], [sflag:$0x2] =	stream.linear.gather [hbm4b:s8+s3], $0x200, $0x38;
	[tilespmem:$0xFD20] =	vst v63  }
0x9d: {  	_ =	swait.ge [sflag:s22], $0x200  }
0x9e: {  	[sflag:s22] =	ssyncset.done $0x0  }
0x9f: {  	[sflag:s22] =	ssyncadd.s32 $0xFFFFFE00  }
0xa0: {  	v39 =	vld [tilespmem:$0x9830]  }
0xa1: {  	v40 =	vld [tilespmem:$0x9850]  }
0xa2: {  	v36 =	vld [tilespmem:$0x9810]  }
0xa3: {  	v41 =	vld [tilespmem:$0x9890]  }
0xa4: {  	v42 =	vld [tilespmem:$0x98B0]  }
0xa5: {  	v38 =	vld [tilespmem:$0x9870]  }
0xa6: {  	v37 =	vld [tilespmem:$0x9880]  }
0xa7: {  	v45 =	vld [tilespmem:$0x98F0]  }
0xa8: {  	v46 =	vld [tilespmem:$0x9910]  }
0xa9: {  	v49 =	vld [tilespmem:$0x9950]  }
0xaa: {  	v50 =	vld [tilespmem:$0x9970]  }
0xab: {  	v51 =	vld [tilespmem:$0x98D0]  }
0xac: {  	v52 =	vld [tilespmem:$0x98E0]  }
0xad: {  	v55 =	vld [tilespmem:$0x9930]  }
0xae: {  	v56 =	vld [tilespmem:$0x9940]  }
0xaf: {  	v59 =	vld [tilespmem:$0x99B0]  }
0xb0: {  	v60 =	vld [tilespmem:$0x99D0]  }
0xb1: {  	v61 =	vld [tilespmem:$0x99F0]  }
0xb2: {  	v62 =	vld [tilespmem:$0x9980]  }
0xb3: {  	v63 =	vld [tilespmem:$0x99E0]  }
0xb4: {  	v32 =	vld [tilespmem:$0x9990]  }
0xb5: {  	v43 =	vld.idx.msk [tilespmem:v39+s3+$0x0], $0xffff  }
0xb6: {  	v44 =	vld.idx.msk [tilespmem:v40+s3+$0x0], $0xffff  }
0xb7: {  	v47 =	vld.idx.msk [tilespmem:v41+s3+$0x0], $0xffff  }
0xb8: {  	v48 =	vld.idx.msk [tilespmem:v42+s3+$0x0], $0xffff  }
0xb9: {  	v53 =	vld.idx.msk [tilespmem:v45+s3+$0x0], $0xffff  }
0xba: {  	v54 =	vld.idx.msk [tilespmem:v46+s3+$0x0], $0xffff  }
0xbb: {  	v57 =	vld.idx.msk [tilespmem:v49+s3+$0x0], $0xffff  }
0xbc: {  	v58 =	vld.idx.msk [tilespmem:v50+s3+$0x0], $0xffff  }
0xbd: {  	vm1 =	vne.s32 v39, v34;
	v39 =	vld [tilespmem:$0x99C0]  }
0xbe: {  	vm3 =	vne.s32 v40, v34;
	v40 =	vld [tilespmem:$0x99A0]  }
0xbf: {  	vm5 =	vne.s32 v41, v34;
	vm7 =	vne.s32 v42, v34;
	vm9 =	vne.s32 v45, v34;
	v45 =	vld [tilespmem:$0x9900]  }
0xc0: {  	vm11 =	vne.s32 v46, v34;
	vm13 =	vne.s32 v49, v34;
	vm6 =	veq.s32 v48, v33;
	v48 =	vld.idx.msk [tilespmem:v59+s3+$0x0], $0xffff  }
0xc1: {  	vm0 =	veq.s32 v43, v33;
	vm2 =	veq.s32 v44, v33;
	vm10 =	veq.s32 v54, v33;
	v54 =	vld.idx.msk [tilespmem:v60+s3+$0x0], $0xffff  }
0xc2: {  	vm4 =	veq.s32 v47, v33;
	vm8 =	veq.s32 v53, v33;
	vm12 =	veq.s32 v57, v33;
	v57 =	vld.idx.msk [tilespmem:v61+s3+$0x0], $0xffff  }
0xc3: {  	vm14 =	veq.s32 v58, v33;
	v44 =	vld [tilespmem:$0x9960];
	vm0 =	vmand vm1, vm0;
	vm1 =	vmand vm3, vm2  }
0xc4: {  	v58 =	vld.idx.msk [tilespmem:v63+s3+$0x0], $0xffff;
	vm2 =	vmand vm5, vm4;
	vm3 =	vmand vm7, vm6;
	vm7 =	vne.s32 v50, v34  }
0xc5: {  	v43 =	vld [tilespmem:$0x9920];
	vm4 =	vmand vm9, vm8;
	vm8 =	vne.s32 v59, v34;
	vm5 =	vmand vm11, vm10  }
0xc6: {  	vm6 =	vmand vm13, vm12;
	vm10 =	vne.s32 v60, v34;
	vm15 =	veq.s32 v48, v33;
	v48 =	vld.idx.msk [tilespmem:v39+s3+$0x0], $0xffff  }
0xc7: {  	v59 =	vld.idx.msk [tilespmem:v32+s3+$0x0], $0xffff;
	vm12 =	vne.s32 v61, v34;
	vm13 =	vne.s32 v39, v34;
	vm9 =	veq.s32 v54, v33  }
0xc8: {  	vm7 =	vmand vm7, vm14;
	v49 =	vld.idx.msk [tilespmem:v40+s3+$0x0], $0xffff;
	vm11 =	veq.s32 v57, v33;
	vm9 =	vmand vm10, vm9  }
0xc9: {  	v42 =	vld [tilespmem:$0x98C0];
	vm10 =	veq.s32 v58, v33;
	vm11 =	vmand vm12, vm11;
	vm12 =	vne.s32 v63, v34  }
0xca: {  	v50 =	vld.idx.msk [tilespmem:v62+s3+$0x0], $0xffff;
	vm14 =	vne.s32 v32, v34;
	vm10 =	vmand vm12, vm10;
	v53 =	vnsel vm11, $0xC0000000, v15  }
0xcb: {  	v54 =	vld.idx.msk [tilespmem:v55+s3+$0x0], $0xffff;
	vm8 =	vmand vm8, vm15;
	v41 =	vsel vm10, v16, v53;
	vm15 =	veq.s32 v48, v33  }
0xcc: {  	vm12 =	veq.s32 v59, v33;
	v57 =	vld.idx.msk [tilespmem:v44+s3+$0x0], $0xffff;
	v41 =	vsel vm9, v17, v41;
	vm10 =	vmand vm13, vm15  }
0xcd: {  	v58 =	vld.idx.msk [tilespmem:v56+s3+$0x0], $0xffff;
	vm15 =	veq.s32 v49, v33;
	vm13 =	vne.s32 v40, v34;
	v41 =	vsel vm10, v18, v41  }
0xce: {  	v63 =	vld.idx.msk [tilespmem:v45+s3+$0x0], $0xffff;
	vm11 =	vmand vm14, vm12;
	vm9 =	vmand vm13, vm15;
	v41 =	vsel vm8, v19, v41  }
0xcf: {  	v59 =	vld [tilespmem:$0x98A0];
	vm14 =	veq.s32 v50, v33;
	vm15 =	vne.s32 v62, v34;
	v41 =	vsel vm9, v20, v41  }
0xd0: {  	v60 =	vld.idx.msk [tilespmem:v43+s3+$0x0], $0xffff;
	vm13 =	vne.s32 v44, v34;
	vm8 =	vmand vm15, vm14;
	v41 =	vsel vm11, v21, v41  }
0xd1: {  	v50 =	vld [tilespmem:$0x9840];
	vm12 =	veq.s32 v57, v33;
	vm14 =	vne.s32 v55, v34;
	v61 =	vsel vm8, v22, v41  }
0xd2: {  	v53 =	vld.idx.msk [tilespmem:v42+s3+$0x0], $0xffff;
	vm15 =	veq.s32 v58, v33;
	vm8 =	vmand vm13, vm12;
	v32 =	vsel vm7, v23, v61  }
0xd3: {  	v48 =	vld [tilespmem:$0x9860];
	vm9 =	veq.s32 v54, v33;
	vm12 =	vne.s32 v56, v34;
	v32 =	vsel vm8, v24, v32  }
0xd4: {  	v49 =	vld.idx.msk [tilespmem:v52+s3+$0x0], $0xffff;
	vm9 =	vmand vm14, vm9;
	vm7 =	vmand vm12, vm15;
	v32 =	vsel vm6, v25, v32  }
0xd5: {  	v62 =	vld.idx.msk [tilespmem:v51+s3+$0x0], $0xffff;
	vm14 =	vne.s32 v43, v34;
	vm13 =	veq.s32 v60, v33;
	v32 =	vsel vm7, v26, v32  }
0xd6: {  	v35 =	vld [tilespmem:$0x9820];
	vm15 =	veq.s32 v63, v33;
	vm6 =	vmand vm14, vm13;
	v32 =	vsel vm9, v27, v32  }
0xd7: {  	v54 =	vld.idx.msk [tilespmem:v38+s3+$0x0], $0xffff;
	vm12 =	vne.s32 v45, v34;
	vm8 =	veq.s32 v53, v33;
	v32 =	vsel vm6, v29, v32  }
0xd8: {  	v55 =	vld.idx.msk [tilespmem:v59+s3+$0x0], $0xffff;
	vm13 =	vne.s32 v51, v34;
	vm6 =	vmand vm12, vm15;
	v32 =	vsel vm5, v30, v32  }
0xd9: {  	v56 =	vld [tilespmem:$0x9800];
	vm14 =	veq.s32 v49, v33;
	vm15 =	vne.s32 v52, v34;
	v32 =	vsel vm6, v31, v32  }
0xda: {  	v57 =	vld.idx.msk [tilespmem:v37+s3+$0x0], $0xffff;
	vm7 =	veq.s32 v62, v33;
	vm5 =	vmand vm15, vm14;
	v32 =	vsel vm4, v0, v32  }
0xdb: {  	v58 =	vld.idx.msk [tilespmem:v48+s3+$0x0], $0xffff;
	vm7 =	vmand vm13, vm7;
	vm9 =	vne.s32 v42, v34;
	v32 =	vsel vm5, v1, v32  }
0xdc: {  	vm10 =	veq.s32 v54, v33;
	vm4 =	vmand vm9, vm8;
	v32 =	vsel vm7, v2, v32  }
0xdd: {  	v60 =	vld.idx.msk [tilespmem:v50+s3+$0x0], $0xffff;
	vm11 =	veq.s32 v55, v33;
	vm12 =	vne.s32 v59, v34;
	v32 =	vsel vm4, v3, v32  }
0xde: {  	vm13 =	vne.s32 v38, v34;
	vm4 =	vmand vm12, vm11;
	v32 =	vsel vm3, v4, v32  }
0xdf: {  	v59 =	vld.idx.msk [tilespmem:v36+s3+$0x0], $0xffff;
	vm14 =	veq.s32 v57, v33;
	vm15 =	vne.s32 v37, v34;
	v32 =	vsel vm4, v5, v32  }
0xe0: {  	v61 =	vld.idx.msk [tilespmem:v35+s3+$0x0], $0xffff;
	vm6 =	veq.s32 v58, v33;
	vm3 =	vmand vm15, vm14;
	v32 =	vsel vm2, v6, v32  }
0xe1: {  	v62 =	vld.idx.msk [tilespmem:v56+s3+$0x0], $0xffff;
	vm5 =	vmand vm13, vm10;
	vm7 =	vne.s32 v48, v34;
	v32 =	vsel vm3, v7, v32  }
0xe2: {  	vm9 =	veq.s32 v60, v33;
	vm2 =	vmand vm7, vm6;
	v32 =	vsel vm5, v8, v32  }
0xe3: {  	vm10 =	vne.s32 v50, v34;
	vm13 =	vne.s32 v35, v34;
	v32 =	vsel vm2, v9, v32  }
0xe4: {  	vm8 =	veq.s32 v59, v33;
	vm2 =	vmand vm10, vm9;
	v32 =	vsel vm1, v10, v32  }
0xe5: {  	vm11 =	vne.s32 v36, v34;
	vm12 =	veq.s32 v61, v33;
	v32 =	vsel vm2, v11, v32  }
0xe6: {  	vm14 =	veq.s32 v62, v33;
	vm1 =	vmand vm13, vm12;
	v32 =	vsel vm0, v12, v32  }
0xe7: {  	vm15 =	vne.s32 v56, v34;
	vm3 =	vmand vm11, vm8;
	v32 =	vsel vm1, v13, v32  }
0xe8: {  	vm0 =	vmand vm15, vm14;
	v32 =	vsel vm3, v14, v32  }
0xe9: {  	v32 =	vsel vm0, v28, v32  }
0xea: {  	(xrf0) =	vmin.scan.msk.u32 $0xffff, v32;
	_ =	sdelay $0x5  }
0xeb: {  	v32, _, _ =	vpop (xrf0)  }
0xec: {  	(v2sf) =	vpush v32, $0xF;
	_ =	sdelay $0xe  }
0xed: {  	s6 =	spop (v2sf)  }
0xee: {  	s7 =	sxor.u32 $0x80000000, s6  }
0xef: {  	p0 =	slt.s32 s7, $0x1FF;
	s6 =	smov.u32 s7  }
0xf0: {  	s6 =	simm.s32 @!p0 $0x1FF  }
0xf1: {  	v63 =	vmov s6;
	_ =	sdelay $0x4  }
0xf2: {  	v32 =	vld.idx.msk [tilespmem:v63+s24+$0x0], $0xffff;
	_ =	sdelay $0x4  }
0xf3: {  	v32 =	vxor.u32 $0x80000000, v32  }
0xf4: {  	(xrf0) =	vmin.scan.msk.u32 $0xffff, v32;
	_ =	sdelay $0x5  }
0xf5: {  	v32, _, _ =	vpop (xrf0)  }
0xf6: {  	(v2sf) =	vpush v32, $0xF;
	_ =	sdelay $0x9  }
0xf7: {  	p1 =	sgt.u32 s5, $0xDFF  }
0xf8: {  	p2 =	sgt.s32 @!p1 s7, $0x1FF  }
0xf9: {  	p1 =	por p1, !p2  }
.Ltmp4:
0xfa: {  	_ = 	snop;
	(pc) =	sbr.rel @!p1 .LBB2_5-.Ltmp4, $4  }
0xfb: {  	_ = 	snop  }
0xfc: {  	s6 =	spop (v2sf)  }
0xfd: {  	p0 =	slt.s32 s7, $0x200;
	s6 =	sxor.u32 $0x80000000, s6  }
0xfe: {  	s5 =	sadd.s32 $0x200, s5;
	s8 =	sadd.s32 $0x40, s8;
	s31 =	smov.u32 @p0 s6  }
0xff: {  	v34 =	vld [tilespmem:$0x1FFE0];
	_ =	sdelay $0x5  }
0x100: {  	s5 =	simm.s32 $0x1  }
0x101: {  	v32 =	vmov s31;
	s5 =	simm.s32 @!p0 $0x0  }
0x102: {  	v63 =	vmov s5;
	[tilespmem:v34+s12+$0x0] =	vst.idx.msk $0x1, v32  }
0x103: {  	[tilespmem:v34+s13+$0x0] =	vst.idx.msk $0x1, v63  }
.LBB2_7:
0x104: {  	v32 =	vld [tilespmem:$0x1FFE0];
	_ =	sdelay $0x7  }
0x105: {  	v32 =	vld.idx.msk [tilespmem:v32+s16+$0x0], $0xffff;
	_ =	sdelay $0x4  }
0x106: {  	v32 =	vxor.u32 $0x80000000, v32  }
0x107: {  	(xrf0) =	vmin.scan.msk.u32 $0xffff, v32;
	_ =	sdelay $0x5  }
0x108: {  	v32, _, _ =	vpop (xrf0)  }
0x109: {  	(v2sf) =	vpush v32, $0xF;
	_ =	sdelay $0xe  }
0x10a: {  	s5 =	spop (v2sf)  }
0x10b: {  	p0 =	sne.s32 s5, $0x80000000  }
.Ltmp5:
0x10c: {  	v50 =	vmov v30;
	v30 =	vmov v29;
	v52 =	vmov v27;
	(pc) =	sbr.rel @p0 .LBB2_10-.Ltmp5, $4  }
0x10d: {  	v27 =	vmovc v26;
	v54 =	vmovc v25;
	v25 =	vmov v24;
	v56 =	vmov v23;
	v23 =	vmov v22  }
0x10e: {  	v22 =	vmovc v21;
	v59 =	vmovc v20;
	v20 =	vmov v11;
	v11 =	vmov v10;
	v21 =	vmov v19  }
0x10f: {  	v10 =	vmovc v18;
	v19 =	vmovc v17;
	v18 =	vmov v7;
	v7 =	vmov v6;
	v6 =	vmov v5  }
0x110: {  	s31 =	simm.s32 $0x0;
	s8 =	smov.u32 s9;
	v63 =	vmovc v16;
	v5 =	vmovc v4;
	v4 =	vmov v3;
	v3 =	vmov v2;
	v2 =	vmov v1;
	s5 =	simm.s32 $0x0  }
.LBB2_8:
0x111: {  	[tilespmem:s24], [sflag:$0x2] =	stream.linear.gather [hbm4b:s8+s3], $0x200, $0x38;
	[tilespmem:$0xFD20] =	vst v63  }
0x112: {  	_ =	swait.ge [sflag:s22], $0x200  }
0x113: {  	[sflag:s22] =	ssyncset.done $0x0  }
0x114: {  	[sflag:s22] =	ssyncadd.s32 $0xFFFFFE00  }
0x115: {  	v32 =	vld [tilespmem:$0x9800]  }
0x116: {  	v34 =	vld [tilespmem:$0x9810]  }
0x117: {  	v35 =	vld [tilespmem:$0x9820]  }
0x118: {  	v36 =	vld [tilespmem:$0x9830]  }
0x119: {  	v37 =	vld [tilespmem:$0x9840]  }
0x11a: {  	v38 =	vld [tilespmem:$0x9850]  }
0x11b: {  	v39 =	vld [tilespmem:$0x9860]  }
0x11c: {  	v40 =	vld [tilespmem:$0x9870]  }
0x11d: {  	v41 =	vld [tilespmem:$0x9880]  }
0x11e: {  	v42 =	vld [tilespmem:$0x9890]  }
0x11f: {  	v43 =	vld [tilespmem:$0x98A0]  }
0x120: {  	v44 =	vld [tilespmem:$0x98B0]  }
0x121: {  	v45 =	vld [tilespmem:$0x98C0]  }
0x122: {  	v46 =	vld [tilespmem:$0x98D0]  }
0x123: {  	v47 =	vld [tilespmem:$0x98E0]  }
0x124: {  	v48 =	vld [tilespmem:$0x98F0]  }
0x125: {  	v49 =	vld [tilespmem:$0x9900]  }
0x126: {  	v29 =	vmov v50;
	v50 =	vld [tilespmem:$0x9910]  }
0x127: {  	v51 =	vld [tilespmem:$0x9920]  }
0x128: {  	v26 =	vmov v30;
	v30 =	vmov v52;
	v52 =	vld [tilespmem:$0x9930]  }
0x129: {  	v53 =	vld [tilespmem:$0x9940]  }
0x12a: {  	v24 =	vmov v27;
	v27 =	vmov v54;
	v54 =	vld [tilespmem:$0x9950]  }
0x12b: {  	v17 =	vmovc v8;
	v8 =	vmov v9;
	v9 =	vmov v20;
	v20 =	vmov v11;
	v55 =	vld [tilespmem:$0x9960]  }
0x12c: {  	v11 =	vmovc v12;
	v12 =	vmovc v13;
	v13 =	vmov v14;
	v14 =	vmov v25;
	v25 =	vmov v56;
	v56 =	vld [tilespmem:$0x9970]  }
0x12d: {  	v57 =	vld [tilespmem:$0x99F0]  }
0x12e: {  	v58 =	vld [tilespmem:$0x99E0]  }
0x12f: {  	v1 =	vmov v59;
	v59 =	vld [tilespmem:$0x99D0]  }
0x130: {  	v60 =	vld [tilespmem:$0x99C0]  }
0x131: {  	v61 =	vld [tilespmem:$0x99B0]  }
0x132: {  	v62 =	vld [tilespmem:$0x99A0]  }
0x133: {  	v0 =	vld [tilespmem:$0x9980]  }
0x134: {  	v16 =	vld [tilespmem:$0x9990]  }
0x135: {  	v57 =	vld.idx.msk [tilespmem:v57+s3+$0x0], $0xffff  }
0x136: {  	v58 =	vld.idx.msk [tilespmem:v58+s3+$0x0], $0xffff  }
0x137: {  	v59 =	vld.idx.msk [tilespmem:v59+s3+$0x0], $0xffff  }
0x138: {  	v60 =	vld.idx.msk [tilespmem:v60+s3+$0x0], $0xffff  }
0x139: {  	v61 =	vld.idx.msk [tilespmem:v61+s3+$0x0], $0xffff  }
0x13a: {  	v62 =	vld.idx.msk [tilespmem:v62+s3+$0x0], $0xffff  }
0x13b: {  	v0 =	vld.idx.msk [tilespmem:v0+s3+$0x0], $0xffff  }
0x13c: {  	v56 =	vld.idx.msk [tilespmem:v56+s3+$0x0], $0xffff  }
0x13d: {  	v55 =	vld.idx.msk [tilespmem:v55+s3+$0x0], $0xffff;
	vm0 =	veq.s32 v57, v33  }
0x13e: {  	vm9 =	veq.s32 v58, v33;
	v58 =	vld.idx.msk [tilespmem:v16+s3+$0x0], $0xffff;
	v57 =	vsel vm0, $0xC0000000, v15  }
0x13f: {  	v54 =	vld.idx.msk [tilespmem:v54+s3+$0x0], $0xffff;
	vm10 =	veq.s32 v59, v33;
	v57 =	vsel vm9, v57, v63  }
0x140: {  	v53 =	vld.idx.msk [tilespmem:v53+s3+$0x0], $0xffff;
	vm11 =	veq.s32 v60, v33;
	v57 =	vsel vm10, v57, v19  }
0x141: {  	v51 =	vld.idx.msk [tilespmem:v51+s3+$0x0], $0xffff;
	vm12 =	veq.s32 v61, v33;
	v57 =	vsel vm11, v57, v10  }
0x142: {  	v50 =	vld.idx.msk [tilespmem:v50+s3+$0x0], $0xffff;
	vm13 =	veq.s32 v62, v33;
	v57 =	vsel vm12, v57, v21  }
0x143: {  	vm15 =	veq.s32 v0, v33;
	v0 =	vld.idx.msk [tilespmem:v52+s3+$0x0], $0xffff;
	vm14 =	veq.s32 v58, v33;
	v57 =	vsel vm13, v57, v1  }
0x144: {  	v49 =	vld.idx.msk [tilespmem:v49+s3+$0x0], $0xffff;
	v57 =	vsel vm14, v57, v22  }
0x145: {  	v48 =	vld.idx.msk [tilespmem:v48+s3+$0x0], $0xffff;
	vm4 =	veq.s32 v56, v33;
	v56 =	vmov v25;
	v62 =	vsel vm15, v57, v23  }
0x146: {  	v46 =	vld.idx.msk [tilespmem:v46+s3+$0x0], $0xffff;
	v25 =	vmov v14;
	vm5 =	veq.s32 v55, v33;
	v52 =	vsel vm4, v62, v56  }
0x147: {  	v45 =	vld.idx.msk [tilespmem:v45+s3+$0x0], $0xffff;
	vm6 =	veq.s32 v54, v33;
	v54 =	vmov v27;
	v52 =	vsel vm5, v52, v25  }
0x148: {  	vm7 =	veq.s32 v53, v33;
	vm8 =	veq.s32 v0, v33;
	v0 =	vld.idx.msk [tilespmem:v47+s3+$0x0], $0xffff;
	v52 =	vsel vm6, v52, v54  }
0x149: {  	v59 =	vmov v1;
	v1 =	vld [tilespmem:$0x1FFF0];
	v52 =	vsel vm7, v52, v24  }
0x14a: {  	v44 =	vld.idx.msk [tilespmem:v44+s3+$0x0], $0xffff;
	vm9 =	veq.s32 v51, v33;
	v60 =	vsel vm8, v52, v30  }
0x14b: {  	v43 =	vld.idx.msk [tilespmem:v43+s3+$0x0], $0xffff;
	vm10 =	veq.s32 v50, v33;
	v47 =	vsel vm9, v60, v26  }
0x14c: {  	v41 =	vld.idx.msk [tilespmem:v41+s3+$0x0], $0xffff;
	vm11 =	veq.s32 v49, v33;
	v47 =	vsel vm10, v47, v29  }
0x14d: {  	v40 =	vld.idx.msk [tilespmem:v40+s3+$0x0], $0xffff;
	vm12 =	veq.s32 v48, v33;
	v47 =	vsel vm11, v47, v31  }
0x14e: {  	vm13 =	veq.s32 v0, v33;
	v0 =	vld.idx.msk [tilespmem:v42+s3+$0x0], $0xffff;
	v47 =	vsel vm12, v47, v1  }
0x14f: {  	v39 =	vld.idx.msk [tilespmem:v39+s3+$0x0], $0xffff;
	vm14 =	veq.s32 v46, v33;
	v61 =	vsel vm13, v47, v2  }
0x150: {  	v38 =	vld.idx.msk [tilespmem:v38+s3+$0x0], $0xffff;
	vm15 =	veq.s32 v45, v33;
	v42 =	vsel vm14, v61, v3  }
0x151: {  	v36 =	vld.idx.msk [tilespmem:v36+s3+$0x0], $0xffff;
	vm4 =	veq.s32 v44, v33;
	v42 =	vsel vm15, v42, v4  }
0x152: {  	v35 =	vld.idx.msk [tilespmem:v35+s3+$0x0], $0xffff;
	vm5 =	veq.s32 v43, v33;
	v42 =	vsel vm4, v42, v5  }
0x153: {  	vm6 =	veq.s32 v0, v33;
	v0 =	vld.idx.msk [tilespmem:v37+s3+$0x0], $0xffff;
	v42 =	vsel vm5, v42, v6  }
0x154: {  	v34 =	vld.idx.msk [tilespmem:v34+s3+$0x0], $0xffff;
	vm7 =	veq.s32 v41, v33;
	v62 =	vsel vm6, v42, v7  }
0x155: {  	v14 =	vmovc v13;
	v13 =	vmovc v12;
	v12 =	vmov v11;
	vm8 =	veq.s32 v40, v33;
	v37 =	vsel vm7, v62, v18  }
0x156: {  	v11 =	vmovc v20;
	v20 =	vmovc v9;
	v9 =	vmov v8;
	vm9 =	veq.s32 v39, v33;
	v37 =	vsel vm8, v37, v17  }
0x157: {  	v32 =	vld.idx.msk [tilespmem:v32+s3+$0x0], $0xffff;
	vm10 =	veq.s32 v38, v33;
	v37 =	vsel vm9, v37, v9  }
0x158: {  	vm11 =	veq.s32 v0, v33;
	v37 =	vsel vm10, v37, v11  }
0x159: {  	vm12 =	veq.s32 v36, v33;
	v0 =	vsel vm11, v37, v20  }
0x15a: {  	vm13 =	veq.s32 v35, v33;
	v0 =	vsel vm12, v0, v12  }
0x15b: {  	vm14 =	veq.s32 v34, v33;
	v0 =	vsel vm13, v0, v13  }
0x15c: {  	vm15 =	veq.s32 v32, v33;
	v0 =	vsel vm14, v0, v14  }
0x15d: {  	v0 =	vsel vm15, v0, v28  }
0x15e: {  	(xrf0) =	vmin.scan.msk.u32 $0xffff, v0;
	_ =	sdelay $0x5  }
0x15f: {  	v0, _, _ =	vpop (xrf0)  }
0x160: {  	(v2sf) =	vpush v0, $0xF;
	_ =	sdelay $0xe  }
0x161: {  	s6 =	spop (v2sf)  }
0x162: {  	s6 =	sxor.u32 $0x80000000, s6  }
0x163: {  	p0 =	slt.s32 s6, $0x1FF;
	s7 =	smov.u32 s6  }
0x164: {  	s7 =	simm.s32 @!p0 $0x1FF  }
0x165: {  	v0 =	vmov s7;
	_ =	sdelay $0x4  }
0x166: {  	v0 =	vld.idx.msk [tilespmem:v0+s24+$0x0], $0xffff;
	_ =	sdelay $0x4  }
0x167: {  	v0 =	vxor.u32 $0x80000000, v0  }
0x168: {  	(xrf0) =	vmin.scan.msk.u32 $0xffff, v0;
	_ =	sdelay $0x5  }
0x169: {  	v0, _, _ =	vpop (xrf0)  }
0x16a: {  	(v2sf) =	vpush v0, $0xF;
	_ =	sdelay $0x9  }
0x16b: {  	p1 =	sgt.u32 s31, $0xDFF  }
0x16c: {  	p2 =	sgt.s32 @!p1 s6, $0x1FF  }
0x16d: {  	p1 =	por p1, !p2  }
.Ltmp6:
0x16e: {  	_ = 	snop;
	(pc) =	sbr.rel @!p1 .LBB2_8-.Ltmp6, $4  }
0x16f: {  	_ = 	snop  }
0x170: {  	s7 =	spop (v2sf)  }
0x171: {  	p0 =	slt.s32 s6, $0x200;
	s6 =	sxor.u32 $0x80000000, s7  }
0x172: {  	s31 =	sadd.s32 $0x200, s31;
	s8 =	sadd.s32 $0x40, s8;
	v8 =	vmovc v17;
	v27 =	vmovc v24;
	v50 =	vmov v29;
	v52 =	vmov v30;
	v30 =	vmov v26;
	s5 =	smov.u32 @p0 s6  }
.Ltmp7:
0x173: {  	_ = 	snop;
	(pc) =	sbr.rel .LBB2_9-.Ltmp7, $1  }
0x174: {  	_ =	sdelay $0x3  }
.LBB2_11:
0x175: {  	s1 =	simm.s32 $0xBC00  }
0x176: {  	[tilespmem:s1], [sflag:$0x1] =	stream.indirect.gather [hbm4b:s4+s25], $0x40, s12, s25, $0xb8;
	[tilespmem:$0xFD20] =	vst v63  }
0x177: {  	_ =	swait.ge [sflag:s23], $0x2000  }
0x178: {  	[sflag:s23] =	ssyncset.done $0x0  }
0x179: {  	s31 =	simm.s32 $0xDC00;
	[sflag:s23] =	ssyncadd.s32 $0xFFFFE000  }
0x17a: {  	[tilespmem:s31], [sflag:$0x1] =	stream.indirect.gather [hbm4b:s4+s25], $0x40, s15, s25, $0xb8;
	[tilespmem:$0xFD20] =	vst v63  }
0x17b: {  	_ =	swait.ge [sflag:s23], $0x2000  }
0x17c: {  	[sflag:s23] =	ssyncset.done $0x0  }
0x17d: {  	s1 =	simm.s32 $0x9C20;
	[sflag:s23] =	ssyncadd.s32 $0xFFFFE000  }
0x17e: {  	s5 =	simm.s32 $0xBC20;
	v0 =	vld [tilespmem:s1+$0xFFFFFFE0]  }
0x17f: {  	v32 =	vld [tilespmem:s5+$0xFFFFFFE0]  }
0x180: {  	v33 =	vld [tilespmem:s5+$0x0]  }
0x181: {  	v34 =	vld [tilespmem:s1+$0x0]  }
0x182: {  	v35 =	vld [tilespmem:s5+$0xFFFFFFF0]  }
0x183: {  	s8 =	simm.s32 $0xDC20;
	v36 =	vld [tilespmem:s1+$0xFFFFFFF0]  }
0x184: {  	v37 =	vld [tilespmem:s8+$0xFFFFFFF0]  }
0x185: {  	v38 =	vld [tilespmem:s8+$0xFFFFFFE0]  }
0x186: {  	v39 =	vld [tilespmem:s5+$0x10]  }
0x187: {  	v40 =	vld [tilespmem:s8+$0x0]  }
0x188: {  	v41 =	vld [tilespmem:s1+$0x10]  }
0x189: {  	v58 =	vld [tilespmem:s8+$0x10];
	_ =	sdelay $0x1  }
0x18a: {  	v33 =	vsub.f32 v34, v33;
	v32 =	vsub.f32 v0, v32  }
0x18b: {  	v35 =	vsub.f32 v36, v35;
	v36 =	vsub.f32 v36, v37  }
0x18c: {  	v0 =	vsub.f32 v0, v38;
	v34 =	vsub.f32 v34, v40  }
0x18d: {  	v59 =	vsub.f32 v41, v39;
	v37 =	vsub.f32 v41, v58  }
0x18e: {  	v35 =	vadd.f32 $9.999999970e-07, v35;
	v32 =	vadd.f32 $9.999999970e-07, v32  }
0x18f: {  	v36 =	vadd.f32 $9.999999970e-07, v36;
	v0 =	vadd.f32 $9.999999970e-07, v0  }
0x190: {  	v33 =	vadd.f32 $9.999999970e-07, v33;
	v35 =	vmul.f32 v35, v35;
	v32 =	vmul.f32 v32, v32  }
0x191: {  	v34 =	vadd.f32 $9.999999970e-07, v34;
	v36 =	vmul.f32 v36, v36;
	v0 =	vmul.f32 v0, v0  }
0x192: {  	v60 =	vadd.f32 $9.999999970e-07, v59;
	v33 =	vmul.f32 v33, v33;
	v32 =	vadd.f32 v35, v32  }
0x193: {  	v61 =	vadd.f32 $9.999999970e-07, v37;
	v34 =	vmul.f32 v34, v34;
	v0 =	vadd.f32 v36, v0  }
0x194: {  	v62 =	vmul.f32 v60, v60;
	v32 =	vadd.f32 v33, v32  }
0x195: {  	v63 =	vmul.f32 v61, v61;
	v0 =	vadd.f32 v34, v0  }
0x196: {  	v33 =	vadd.f32 v62, v32  }
0x197: {  	s9 =	simm.s32 $0x0;
	s26 =	simm.s32 $0x1;
	v32 =	vadd.f32 v63, v0  }
.LBB2_12:
0x198: {  	s1 =	sadd.s32 $0x40, s1;
	s5 =	sadd.s32 $0x40, s5;
	s8 =	sadd.s32 $0x40, s8;
	(xrf2) =	vadd.scan.msk.f32 $0xffff, v33  }
0x199: {  	p0 =	sne.s32 s26, $0x7F;
	s6 =	smov.u32 s26;
	s26 =	sadd.s32 $0x1, s26  }
0x19a: {  	_ = 	snop  }
0x19b: {  	(xrf2) =	vadd.scan.msk.f32 $0xffff, v32;
	_ =	sdelay $0x4  }
0x19c: {  	v0 =	vmov s9;
	s9 =	smov.u32 s6;
	_ =	sdelay $0x1  }
0x19d: {  	v32, _, _ =	vpop (xrf2)  }
0x19e: {  	v33 =	vbroadcast v32, $0xF;
	_ =	sdelay $0x1  }
0x19f: {  	[tilespmem:v0+s29+$0x0] =	vst.idx.msk $0x1, v33;
	v32, _, _ =	vpop (xrf2)  }
0x1a0: {  	v32 =	vbroadcast v32, $0xF;
	_ =	sdelay $0x1  }
0x1a1: {  	[tilespmem:v0+s30+$0x0] =	vst.idx.msk $0x1, v32  }
0x1a2: {  	v0 =	vld [tilespmem:s1+$0xFFFFFFE0]  }
0x1a3: {  	v32 =	vld [tilespmem:s5+$0xFFFFFFE0]  }
0x1a4: {  	v33 =	vld [tilespmem:s5+$0x0]  }
0x1a5: {  	v34 =	vld [tilespmem:s1+$0x0]  }
0x1a6: {  	v35 =	vld [tilespmem:s5+$0xFFFFFFF0]  }
0x1a7: {  	v36 =	vld [tilespmem:s1+$0xFFFFFFF0]  }
0x1a8: {  	v37 =	vld [tilespmem:s8+$0xFFFFFFF0]  }
0x1a9: {  	v38 =	vld [tilespmem:s8+$0xFFFFFFE0]  }
0x1aa: {  	v39 =	vld [tilespmem:s5+$0x10]  }
0x1ab: {  	v33 =	vsub.f32 v34, v33;
	v40 =	vld [tilespmem:s8+$0x0]  }
0x1ac: {  	v32 =	vsub.f32 v0, v32;
	v35 =	vsub.f32 v36, v35;
	v41 =	vld [tilespmem:s1+$0x10]  }
0x1ad: {  	v33 =	vadd.f32 $9.999999970e-07, v33;
	v36 =	vsub.f32 v36, v37;
	v37 =	vld [tilespmem:s8+$0x10]  }
0x1ae: {  	v0 =	vsub.f32 v0, v38;
	v35 =	vadd.f32 $9.999999970e-07, v35  }
0x1af: {  	v32 =	vadd.f32 $9.999999970e-07, v32;
	v36 =	vadd.f32 $9.999999970e-07, v36  }
0x1b0: {  	v0 =	vadd.f32 $9.999999970e-07, v0;
	v35 =	vmul.f32 v35, v35;
	v34 =	vsub.f32 v34, v40  }
0x1b1: {  	v32 =	vmul.f32 v32, v32;
	v36 =	vmul.f32 v36, v36;
	v38 =	vsub.f32 v41, v39  }
0x1b2: {  	v0 =	vmul.f32 v0, v0;
	v34 =	vadd.f32 $9.999999970e-07, v34;
	v37 =	vsub.f32 v41, v37  }
0x1b3: {  	v33 =	vmul.f32 v33, v33;
	v32 =	vadd.f32 v35, v32;
	v35 =	vadd.f32 $9.999999970e-07, v38  }
.Ltmp8:
0x1b4: {  	v0 =	vadd.f32 v36, v0;
	v34 =	vmul.f32 v34, v34;
	v36 =	vadd.f32 $9.999999970e-07, v37;
	(pc) =	sbr.rel @p0 .LBB2_12-.Ltmp8, $4  }
0x1b5: {  	v32 =	vadd.f32 v33, v32;
	v33 =	vmul.f32 v35, v35  }
0x1b6: {  	v0 =	vadd.f32 v34, v0;
	v34 =	vmul.f32 v36, v36  }
0x1b7: {  	v33 =	vadd.f32 v33, v32  }
0x1b8: {  	v32 =	vadd.f32 v34, v0  }
0x1b9: {  	(xrf2) =	vadd.scan.msk.f32 $0xffff, v33  }
0x1ba: {  	(xrf2) =	vadd.scan.msk.f32 $0xffff, v32;
	_ =	sdelay $0x6  }
0x1bb: {  	v0 =	vmov s9;
	_ =	sdelay $0x1  }
0x1bc: {  	v49, _, _ =	vpop (xrf2)  }
0x1bd: {  	v32 =	vbroadcast v49, $0xF;
	v50, _, _ =	vpop (xrf2)  }
0x1be: {  	v33 =	vbroadcast v50, $0xF  }
0x1bf: {  	[tilespmem:v0+s29+$0x0] =	vst.idx.msk $0x1, v32  }
0x1c0: {  	[tilespmem:v0+s30+$0x0] =	vst.idx.msk $0x1, v33  }
0x1c1: {  	v43 =	vld [tilespmem:$0xFC00];
	_ =	sdelay $0x4  }
0x1c2: {  	v0 =	vshrl.u32 v43, $0x1  }
0x1c3: {  	v0 =	vadd.s32 $0x1FBD1DF5, v0  }
0x1c4: {  	(erf) = vrcp.f32 v0;
	_ =	sdelay $0x8  }
0x1c5: {  	v51 =	vpop (erf)  }
0x1c6: {  	v32 =	vmul.f32 v51, v43;
	_ =	sdelay $0x1  }
0x1c7: {  	v0 =	vadd.f32 v0, v32;
	_ =	sdelay $0x1  }
0x1c8: {  	v0 =	vmul.f32 $5.000000000e-01, v0;
	_ =	sdelay $0x1  }
0x1c9: {  	(erf) = vrcp.f32 v0;
	_ =	sdelay $0x8  }
0x1ca: {  	v52 =	vpop (erf)  }
0x1cb: {  	v32 =	vmul.f32 v52, v43;
	_ =	sdelay $0x1  }
0x1cc: {  	v0 =	vadd.f32 v32, v0;
	_ =	sdelay $0x1  }
0x1cd: {  	v0 =	vmul.f32 $5.000000000e-01, v0;
	_ =	sdelay $0x1  }
0x1ce: {  	(erf) = vrcp.f32 v0;
	_ =	sdelay $0x8  }
0x1cf: {  	v53 =	vpop (erf)  }
0x1d0: {  	v39 =	vld [tilespmem:$0xFC80];
	v32 =	vmul.f32 v53, v43;
	_ =	sdelay $0x1  }
0x1d1: {  	v0 =	vadd.f32 v32, v0;
	_ =	sdelay $0x1  }
0x1d2: {  	v33 =	vmul.f32 $5.000000000e-01, v0  }
0x1d3: {  	v0 =	vshrl.u32 v39, $0x1  }
0x1d4: {  	v0 =	vadd.s32 $0x1FBD1DF5, v0;
	(erf) = vrcp.f32 v33  }
0x1d5: {  	(erf) = vrcp.f32 v0;
	_ =	sdelay $0x7  }
0x1d6: {  	v54 =	vpop (erf)  }
0x1d7: {  	v55 =	vpop (erf)  }
0x1d8: {  	v32 =	vmul.f32 v55, v39;
	_ =	sdelay $0x1  }
0x1d9: {  	v0 =	vadd.f32 v0, v32;
	_ =	sdelay $0x1  }
0x1da: {  	v0 =	vmul.f32 $5.000000000e-01, v0;
	_ =	sdelay $0x1  }
0x1db: {  	(erf) = vrcp.f32 v0;
	_ =	sdelay $0x8  }
0x1dc: {  	v56 =	vpop (erf)  }
0x1dd: {  	v32 =	vmul.f32 v56, v39;
	_ =	sdelay $0x1  }
0x1de: {  	v0 =	vadd.f32 v32, v0;
	_ =	sdelay $0x1  }
0x1df: {  	v0 =	vmul.f32 $5.000000000e-01, v0;
	_ =	sdelay $0x1  }
0x1e0: {  	(erf) = vrcp.f32 v0;
	_ =	sdelay $0x8  }
0x1e1: {  	v57 =	vpop (erf)  }
0x1e2: {  	v38 =	vld [tilespmem:$0xFC10];
	v32 =	vmul.f32 v57, v39;
	_ =	sdelay $0x1  }
0x1e3: {  	v0 =	vadd.f32 v32, v0;
	_ =	sdelay $0x1  }
0x1e4: {  	v32 =	vmul.f32 $5.000000000e-01, v0  }
0x1e5: {  	v0 =	vshrl.u32 v38, $0x1  }
0x1e6: {  	v0 =	vadd.s32 $0x1FBD1DF5, v0;
	(erf) = vrcp.f32 v32  }
0x1e7: {  	(erf) = vrcp.f32 v0;
	_ =	sdelay $0x7  }
0x1e8: {  	[tilespmem:$0x1FF10] =	vst v32;
	v32 =	vpop (erf)  }
0x1e9: {  	v58 =	vpop (erf)  }
0x1ea: {  	[tilespmem:$0x1FEE0] =	vst v32;
	v32 =	vmul.f32 v58, v38;
	_ =	sdelay $0x1  }
0x1eb: {  	v0 =	vadd.f32 v0, v32;
	_ =	sdelay $0x1  }
0x1ec: {  	v0 =	vmul.f32 $5.000000000e-01, v0;
	_ =	sdelay $0x1  }
0x1ed: {  	(erf) = vrcp.f32 v0;
	_ =	sdelay $0x8  }
0x1ee: {  	v59 =	vpop (erf)  }
0x1ef: {  	v32 =	vmul.f32 v59, v38;
	_ =	sdelay $0x1  }
0x1f0: {  	v0 =	vadd.f32 v32, v0;
	_ =	sdelay $0x1  }
0x1f1: {  	v0 =	vmul.f32 $5.000000000e-01, v0;
	_ =	sdelay $0x1  }
0x1f2: {  	(erf) = vrcp.f32 v0;
	_ =	sdelay $0x8  }
0x1f3: {  	v60 =	vpop (erf)  }
0x1f4: {  	v40 =	vld [tilespmem:$0xFC90];
	v32 =	vmul.f32 v60, v38;
	_ =	sdelay $0x1  }
0x1f5: {  	v0 =	vadd.f32 v32, v0;
	_ =	sdelay $0x1  }
0x1f6: {  	v32 =	vmul.f32 $5.000000000e-01, v0  }
0x1f7: {  	v0 =	vshrl.u32 v40, $0x1  }
0x1f8: {  	v0 =	vadd.s32 $0x1FBD1DF5, v0;
	(erf) = vrcp.f32 v32  }
0x1f9: {  	(erf) = vrcp.f32 v0;
	_ =	sdelay $0x7  }
0x1fa: {  	[tilespmem:$0x1FF20] =	vst v32;
	v32 =	vpop (erf)  }
0x1fb: {  	v61 =	vpop (erf)  }
0x1fc: {  	[tilespmem:$0x1FEF0] =	vst v32;
	v32 =	vmul.f32 v61, v40;
	_ =	sdelay $0x1  }
0x1fd: {  	v0 =	vadd.f32 v0, v32;
	_ =	sdelay $0x1  }
0x1fe: {  	v0 =	vmul.f32 $5.000000000e-01, v0;
	_ =	sdelay $0x1  }
0x1ff: {  	(erf) = vrcp.f32 v0;
	_ =	sdelay $0x8  }
0x200: {  	v62 =	vpop (erf)  }
0x201: {  	v32 =	vmul.f32 v62, v40;
	_ =	sdelay $0x1  }
0x202: {  	v0 =	vadd.f32 v32, v0;
	_ =	sdelay $0x1  }
0x203: {  	v0 =	vmul.f32 $5.000000000e-01, v0;
	_ =	sdelay $0x1  }
0x204: {  	(erf) = vrcp.f32 v0;
	_ =	sdelay $0x8  }
0x205: {  	v63 =	vpop (erf)  }
0x206: {  	v42 =	vld [tilespmem:$0xFC20];
	v32 =	vmul.f32 v63, v40;
	_ =	sdelay $0x1  }
0x207: {  	v0 =	vadd.f32 v32, v0;
	_ =	sdelay $0x1  }
0x208: {  	v32 =	vmul.f32 $5.000000000e-01, v0  }
0x209: {  	v0 =	vshrl.u32 v42, $0x1  }
0x20a: {  	v0 =	vadd.s32 $0x1FBD1DF5, v0;
	(erf) = vrcp.f32 v32  }
0x20b: {  	(erf) = vrcp.f32 v0;
	_ =	sdelay $0x7  }
0x20c: {  	[tilespmem:$0x1FF30] =	vst v32;
	v32 =	vpop (erf)  }
0x20d: {  	v36 =	vpop (erf)  }
0x20e: {  	[tilespmem:$0x1FF00] =	vst v32;
	v32 =	vmul.f32 v36, v42;
	_ =	sdelay $0x1  }
0x20f: {  	v0 =	vadd.f32 v0, v32;
	_ =	sdelay $0x1  }
0x210: {  	v0 =	vmul.f32 $5.000000000e-01, v0;
	_ =	sdelay $0x1  }
0x211: {  	(erf) = vrcp.f32 v0;
	_ =	sdelay $0x8  }
0x212: {  	v37 =	vpop (erf)  }
0x213: {  	v32 =	vmul.f32 v37, v42;
	_ =	sdelay $0x1  }
0x214: {  	v0 =	vadd.f32 v32, v0;
	_ =	sdelay $0x1  }
0x215: {  	v0 =	vmul.f32 $5.000000000e-01, v0;
	_ =	sdelay $0x1  }
0x216: {  	(erf) = vrcp.f32 v0;
	_ =	sdelay $0x8  }
0x217: {  	v41 =	vpop (erf)  }
0x218: {  	v44 =	vld [tilespmem:$0xFCA0];
	v32 =	vmul.f32 v41, v42;
	_ =	sdelay $0x1  }
0x219: {  	v0 =	vadd.f32 v32, v0;
	_ =	sdelay $0x1  }
0x21a: {  	v32 =	vmul.f32 $5.000000000e-01, v0  }
0x21b: {  	v0 =	vshrl.u32 v44, $0x1  }
0x21c: {  	v0 =	vadd.s32 $0x1FBD1DF5, v0;
	(erf) = vrcp.f32 v32  }
0x21d: {  	(erf) = vrcp.f32 v0;
	_ =	sdelay $0x7  }
0x21e: {  	[tilespmem:$0x1FF60] =	vst v32;
	v32 =	vpop (erf)  }
0x21f: {  	v45 =	vpop (erf)  }
0x220: {  	[tilespmem:$0x1FF40] =	vst v32;
	v32 =	vmul.f32 v45, v44;
	_ =	sdelay $0x1  }
0x221: {  	v0 =	vadd.f32 v0, v32;
	_ =	sdelay $0x1  }
0x222: {  	v0 =	vmul.f32 $5.000000000e-01, v0;
	_ =	sdelay $0x1  }
0x223: {  	(erf) = vrcp.f32 v0;
	_ =	sdelay $0x8  }
0x224: {  	v46 =	vpop (erf)  }
0x225: {  	v32 =	vmul.f32 v46, v44;
	_ =	sdelay $0x1  }
0x226: {  	v0 =	vadd.f32 v32, v0;
	_ =	sdelay $0x1  }
0x227: {  	v0 =	vmul.f32 $5.000000000e-01, v0;
	_ =	sdelay $0x1  }
0x228: {  	(erf) = vrcp.f32 v0;
	_ =	sdelay $0x8  }
0x229: {  	v47 =	vpop (erf)  }
0x22a: {  	v32 =	vmul.f32 v47, v44;
	v47 =	vld [tilespmem:$0xFC30];
	_ =	sdelay $0x1  }
0x22b: {  	v0 =	vadd.f32 v32, v0;
	_ =	sdelay $0x1  }
0x22c: {  	v32 =	vmul.f32 $5.000000000e-01, v0  }
0x22d: {  	v0 =	vshrl.u32 v47, $0x1  }
0x22e: {  	(erf) = vrcp.f32 v32;
	v0 =	vadd.s32 $0x1FBD1DF5, v0  }
0x22f: {  	(erf) = vrcp.f32 v0;
	_ =	sdelay $0x7  }
0x230: {  	[tilespmem:$0x1FF70] =	vst v32;
	v32 =	vpop (erf)  }
0x231: {  	v48 =	vpop (erf)  }
0x232: {  	[tilespmem:$0x1FF50] =	vst v32;
	v32 =	vmul.f32 v48, v47;
	_ =	sdelay $0x1  }
0x233: {  	v0 =	vadd.f32 v0, v32;
	_ =	sdelay $0x1  }
0x234: {  	v0 =	vmul.f32 $5.000000000e-01, v0;
	_ =	sdelay $0x1  }
0x235: {  	(erf) = vrcp.f32 v0;
	_ =	sdelay $0x8  }
0x236: {  	v49 =	vpop (erf)  }
0x237: {  	v32 =	vmul.f32 v49, v47;
	_ =	sdelay $0x1  }
0x238: {  	v0 =	vadd.f32 v32, v0;
	_ =	sdelay $0x1  }
0x239: {  	v0 =	vmul.f32 $5.000000000e-01, v0;
	_ =	sdelay $0x1  }
0x23a: {  	(erf) = vrcp.f32 v0;
	_ =	sdelay $0x8  }
0x23b: {  	v50 =	vpop (erf)  }
0x23c: {  	v52 =	vld [tilespmem:$0xFCB0];
	v32 =	vmul.f32 v50, v47;
	_ =	sdelay $0x1  }
0x23d: {  	v0 =	vadd.f32 v32, v0;
	_ =	sdelay $0x1  }
0x23e: {  	v59 =	vmul.f32 $5.000000000e-01, v0  }
0x23f: {  	v0 =	vshrl.u32 v52, $0x1  }
0x240: {  	v0 =	vadd.s32 $0x1FBD1DF5, v0;
	(erf) = vrcp.f32 v59  }
0x241: {  	(erf) = vrcp.f32 v0;
	_ =	sdelay $0x7  }
0x242: {  	v55 =	vpop (erf)  }
0x243: {  	v56 =	vpop (erf)  }
0x244: {  	v32 =	vmul.f32 v56, v52;
	_ =	sdelay $0x1  }
0x245: {  	v0 =	vadd.f32 v0, v32;
	_ =	sdelay $0x1  }
0x246: {  	v0 =	vmul.f32 $5.000000000e-01, v0;
	_ =	sdelay $0x1  }
0x247: {  	(erf) = vrcp.f32 v0;
	_ =	sdelay $0x8  }
0x248: {  	v57 =	vpop (erf)  }
0x249: {  	v32 =	vmul.f32 v57, v52;
	_ =	sdelay $0x1  }
0x24a: {  	v0 =	vadd.f32 v32, v0;
	_ =	sdelay $0x1  }
0x24b: {  	v0 =	vmul.f32 $5.000000000e-01, v0;
	_ =	sdelay $0x1  }
0x24c: {  	(erf) = vrcp.f32 v0;
	_ =	sdelay $0x8  }
0x24d: {  	v58 =	vpop (erf)  }
0x24e: {  	v50 =	vld [tilespmem:$0xFC40];
	v32 =	vmul.f32 v58, v52;
	_ =	sdelay $0x1  }
0x24f: {  	v0 =	vadd.f32 v32, v0;
	_ =	sdelay $0x1  }
0x250: {  	v57 =	vmul.f32 $5.000000000e-01, v0  }
0x251: {  	v0 =	vshrl.u32 v50, $0x1  }
0x252: {  	v0 =	vadd.s32 $0x1FBD1DF5, v0;
	(erf) = vrcp.f32 v57  }
0x253: {  	(erf) = vrcp.f32 v0;
	_ =	sdelay $0x7  }
0x254: {  	v60 =	vpop (erf)  }
0x255: {  	v61 =	vpop (erf)  }
0x256: {  	v32 =	vmul.f32 v61, v50;
	_ =	sdelay $0x1  }
0x257: {  	v0 =	vadd.f32 v0, v32;
	_ =	sdelay $0x1  }
0x258: {  	v0 =	vmul.f32 $5.000000000e-01, v0;
	_ =	sdelay $0x1  }
0x259: {  	(erf) = vrcp.f32 v0;
	_ =	sdelay $0x8  }
0x25a: {  	v62 =	vpop (erf)  }
0x25b: {  	v32 =	vmul.f32 v62, v50;
	_ =	sdelay $0x1  }
0x25c: {  	v0 =	vadd.f32 v32, v0;
	_ =	sdelay $0x1  }
0x25d: {  	v0 =	vmul.f32 $5.000000000e-01, v0;
	_ =	sdelay $0x1  }
0x25e: {  	(erf) = vrcp.f32 v0;
	_ =	sdelay $0x8  }
0x25f: {  	v63 =	vpop (erf)  }
0x260: {  	[tilespmem:$0x1FF80] =	vst v55;
	v55 =	vld [tilespmem:$0xFCC0];
	v32 =	vmul.f32 v63, v50;
	_ =	sdelay $0x1  }
0x261: {  	v0 =	vadd.f32 v32, v0;
	_ =	sdelay $0x1  }
0x262: {  	[tilespmem:$0x1FED0] =	vst v54;
	v54 =	vmul.f32 $5.000000000e-01, v0  }
0x263: {  	v0 =	vshrl.u32 v55, $0x1  }
0x264: {  	v0 =	vadd.s32 $0x1FBD1DF5, v0;
	(erf) = vrcp.f32 v54  }
0x265: {  	(erf) = vrcp.f32 v0;
	_ =	sdelay $0x7  }
0x266: {  	v36 =	vpop (erf)  }
0x267: {  	v37 =	vpop (erf)  }
0x268: {  	v32 =	vmul.f32 v37, v55;
	_ =	sdelay $0x1  }
0x269: {  	v0 =	vadd.f32 v0, v32;
	_ =	sdelay $0x1  }
0x26a: {  	v0 =	vmul.f32 $5.000000000e-01, v0;
	_ =	sdelay $0x1  }
0x26b: {  	(erf) = vrcp.f32 v0;
	_ =	sdelay $0x8  }
0x26c: {  	v41 =	vpop (erf)  }
0x26d: {  	v32 =	vmul.f32 v41, v55;
	_ =	sdelay $0x1  }
0x26e: {  	v0 =	vadd.f32 v32, v0;
	_ =	sdelay $0x1  }
0x26f: {  	v0 =	vmul.f32 $5.000000000e-01, v0;
	_ =	sdelay $0x1  }
0x270: {  	(erf) = vrcp.f32 v0;
	_ =	sdelay $0x8  }
0x271: {  	v45 =	vpop (erf)  }
0x272: {  	v58 =	vld [tilespmem:$0xFC50];
	v32 =	vmul.f32 v45, v55;
	_ =	sdelay $0x1  }
0x273: {  	v0 =	vadd.f32 v32, v0;
	_ =	sdelay $0x1  }
0x274: {  	[tilespmem:$0x1FF90] =	vst v60;
	v60 =	vmul.f32 $5.000000000e-01, v0  }
0x275: {  	v0 =	vshrl.u32 v58, $0x1  }
0x276: {  	v0 =	vadd.s32 $0x1FBD1DF5, v0;
	(erf) = vrcp.f32 v60  }
0x277: {  	(erf) = vrcp.f32 v0;
	_ =	sdelay $0x7  }
0x278: {  	v46 =	vpop (erf)  }
0x279: {  	v48 =	vpop (erf)  }
0x27a: {  	v32 =	vmul.f32 v48, v58;
	_ =	sdelay $0x1  }
0x27b: {  	v0 =	vadd.f32 v0, v32;
	_ =	sdelay $0x1  }
0x27c: {  	v0 =	vmul.f32 $5.000000000e-01, v0;
	_ =	sdelay $0x1  }
0x27d: {  	(erf) = vrcp.f32 v0;
	_ =	sdelay $0x8  }
0x27e: {  	v49 =	vpop (erf)  }
0x27f: {  	v32 =	vmul.f32 v49, v58;
	_ =	sdelay $0x1  }
0x280: {  	v0 =	vadd.f32 v32, v0;
	_ =	sdelay $0x1  }
0x281: {  	v0 =	vmul.f32 $5.000000000e-01, v0;
	_ =	sdelay $0x1  }
0x282: {  	(erf) = vrcp.f32 v0;
	_ =	sdelay $0x8  }
0x283: {  	v51 =	vpop (erf)  }
0x284: {  	v41 =	vld [tilespmem:$0xFCD0];
	v32 =	vmul.f32 v51, v58;
	_ =	sdelay $0x1  }
0x285: {  	v0 =	vadd.f32 v32, v0;
	_ =	sdelay $0x1  }
0x286: {  	v62 =	vmul.f32 $5.000000000e-01, v0  }
0x287: {  	v0 =	vshrl.u32 v41, $0x1  }
0x288: {  	v0 =	vadd.s32 $0x1FBD1DF5, v0;
	(erf) = vrcp.f32 v62  }
0x289: {  	(erf) = vrcp.f32 v0;
	_ =	sdelay $0x7  }
0x28a: {  	v53 =	vpop (erf)  }
0x28b: {  	v56 =	vpop (erf)  }
0x28c: {  	v32 =	vmul.f32 v56, v41;
	_ =	sdelay $0x1  }
0x28d: {  	v0 =	vadd.f32 v0, v32;
	_ =	sdelay $0x1  }
0x28e: {  	v0 =	vmul.f32 $5.000000000e-01, v0;
	_ =	sdelay $0x1  }
0x28f: {  	(erf) = vrcp.f32 v0;
	_ =	sdelay $0x8  }
0x290: {  	v61 =	vpop (erf)  }
0x291: {  	v32 =	vmul.f32 v61, v41;
	_ =	sdelay $0x1  }
0x292: {  	v0 =	vadd.f32 v32, v0;
	_ =	sdelay $0x1  }
0x293: {  	v0 =	vmul.f32 $5.000000000e-01, v0;
	_ =	sdelay $0x1  }
0x294: {  	(erf) = vrcp.f32 v0;
	_ =	sdelay $0x8  }
0x295: {  	v63 =	vpop (erf)  }
0x296: {  	v37 =	vld [tilespmem:$0xFC60];
	v32 =	vmul.f32 v63, v41;
	_ =	sdelay $0x1  }
0x297: {  	v0 =	vadd.f32 v32, v0;
	_ =	sdelay $0x1  }
0x298: {  	v49 =	vmul.f32 $5.000000000e-01, v0  }
0x299: {  	v0 =	vshrl.u32 v37, $0x1  }
0x29a: {  	v0 =	vadd.s32 $0x1FBD1DF5, v0;
	(erf) = vrcp.f32 v49  }
0x29b: {  	(erf) = vrcp.f32 v0;
	_ =	sdelay $0x7  }
0x29c: {  	[tilespmem:$0x1FFA0] =	vst v36;
	v36 =	vpop (erf)  }
0x29d: {  	v45 =	vpop (erf)  }
0x29e: {  	v32 =	vmul.f32 v45, v37;
	_ =	sdelay $0x1  }
0x29f: {  	v0 =	vadd.f32 v0, v32;
	_ =	sdelay $0x1  }
0x2a0: {  	v0 =	vmul.f32 $5.000000000e-01, v0;
	_ =	sdelay $0x1  }
0x2a1: {  	(erf) = vrcp.f32 v0;
	_ =	sdelay $0x8  }
0x2a2: {  	[tilespmem:$0x1FFB0] =	vst v46;
	v46 =	vpop (erf)  }
0x2a3: {  	v32 =	vmul.f32 v46, v37;
	_ =	sdelay $0x1  }
0x2a4: {  	v0 =	vadd.f32 v32, v0;
	_ =	sdelay $0x1  }
0x2a5: {  	v0 =	vmul.f32 $5.000000000e-01, v0;
	_ =	sdelay $0x1  }
0x2a6: {  	(erf) = vrcp.f32 v0;
	_ =	sdelay $0x8  }
0x2a7: {  	v48 =	vpop (erf)  }
0x2a8: {  	[tilespmem:$0x1FFD0] =	vst v36;
	v36 =	vld [tilespmem:$0xFCE0];
	v32 =	vmul.f32 v48, v37;
	_ =	sdelay $0x1  }
0x2a9: {  	v0 =	vadd.f32 v32, v0;
	_ =	sdelay $0x1  }
0x2aa: {  	v48 =	vmul.f32 $5.000000000e-01, v0  }
0x2ab: {  	v0 =	vshrl.u32 v36, $0x1  }
0x2ac: {  	v0 =	vadd.s32 $0x1FBD1DF5, v0;
	(erf) = vrcp.f32 v48  }
0x2ad: {  	(erf) = vrcp.f32 v0;
	_ =	sdelay $0x7  }
0x2ae: {  	v56 =	vpop (erf)  }
0x2af: {  	v51 =	vpop (erf)  }
0x2b0: {  	v32 =	vmul.f32 v51, v36;
	_ =	sdelay $0x1  }
0x2b1: {  	v0 =	vadd.f32 v0, v32;
	_ =	sdelay $0x1  }
0x2b2: {  	v0 =	vmul.f32 $5.000000000e-01, v0;
	_ =	sdelay $0x1  }
0x2b3: {  	(erf) = vrcp.f32 v0;
	_ =	sdelay $0x8  }
0x2b4: {  	[tilespmem:$0x1FFC0] =	vst v53;
	v53 =	vpop (erf)  }
0x2b5: {  	v32 =	vmul.f32 v53, v36;
	_ =	sdelay $0x1  }
0x2b6: {  	v0 =	vadd.f32 v32, v0;
	_ =	sdelay $0x1  }
0x2b7: {  	v0 =	vmul.f32 $5.000000000e-01, v0;
	_ =	sdelay $0x1  }
0x2b8: {  	(erf) = vrcp.f32 v0;
	_ =	sdelay $0x8  }
0x2b9: {  	v61 =	vpop (erf)  }
0x2ba: {  	v35 =	vld [tilespmem:$0xFC70];
	v32 =	vmul.f32 v61, v36;
	_ =	sdelay $0x1  }
0x2bb: {  	v0 =	vadd.f32 v32, v0;
	_ =	sdelay $0x1  }
0x2bc: {  	v46 =	vmul.f32 $5.000000000e-01, v0  }
0x2bd: {  	v63 =	vshrl.u32 v35, $0x1  }
0x2be: {  	v32 =	vadd.s32 $0x1FBD1DF5, v63;
	(erf) = vrcp.f32 v46  }
0x2bf: {  	(erf) = vrcp.f32 v32;
	_ =	sdelay $0x7  }
0x2c0: {  	v53 =	vpop (erf)  }
0x2c1: {  	v63 =	vpop (erf)  }
0x2c2: {  	v63 =	vmul.f32 v63, v35;
	_ =	sdelay $0x1  }
0x2c3: {  	v32 =	vadd.f32 v32, v63;
	_ =	sdelay $0x1  }
0x2c4: {  	v32 =	vmul.f32 $5.000000000e-01, v32;
	_ =	sdelay $0x1  }
0x2c5: {  	(erf) = vrcp.f32 v32;
	_ =	sdelay $0x8  }
0x2c6: {  	v34 =	vpop (erf)  }
0x2c7: {  	v63 =	vmul.f32 v34, v35;
	_ =	sdelay $0x1  }
0x2c8: {  	v32 =	vadd.f32 v63, v32;
	_ =	sdelay $0x1  }
0x2c9: {  	v32 =	vmul.f32 $5.000000000e-01, v32;
	_ =	sdelay $0x1  }
0x2ca: {  	(erf) = vrcp.f32 v32;
	_ =	sdelay $0x7  }
0x2cb: {  	v0 =	vld [tilespmem:$0x1FED0]  }
0x2cc: {  	v45 =	vpop (erf)  }
0x2cd: {  	v34 =	vld [tilespmem:$0xFCF0];
	v63 =	vmul.f32 v45, v35;
	_ =	sdelay $0x1  }
0x2ce: {  	v32 =	vadd.f32 v63, v32  }
0x2cf: {  	v43 =	vmul.f32 v0, v43;
	v0 =	vld [tilespmem:$0x1FEE0]  }
0x2d0: {  	v45 =	vmul.f32 $5.000000000e-01, v32  }
0x2d1: {  	v51 =	vshrl.u32 v34, $0x1  }
0x2d2: {  	v63 =	vadd.s32 $0x1FBD1DF5, v51;
	(erf) = vrcp.f32 v45  }
0x2d3: {  	(erf) = vrcp.f32 v63  }
0x2d4: {  	v39 =	vmul.f32 v0, v39;
	v0 =	vld [tilespmem:$0x1FEF0];
	_ =	sdelay $0x4  }
0x2d5: {  	v38 =	vmul.f32 v0, v38;
	v0 =	vld [tilespmem:$0x1FF00];
	_ =	sdelay $0x1  }
0x2d6: {  	v51 =	vpop (erf)  }
0x2d7: {  	v61 =	vpop (erf)  }
0x2d8: {  	v61 =	vmul.f32 v61, v34  }
0x2d9: {  	v40 =	vmul.f32 v0, v40;
	v0 =	vld [tilespmem:$0x1FF10]  }
0x2da: {  	v61 =	vadd.f32 v63, v61;
	_ =	sdelay $0x1  }
0x2db: {  	v61 =	vmul.f32 $5.000000000e-01, v61;
	_ =	sdelay $0x1  }
0x2dc: {  	v39 =	vadd.f32 v39, v0;
	v0 =	vld [tilespmem:$0x1FF20];
	(erf) = vrcp.f32 v61;
	_ =	sdelay $0x3  }
0x2dd: {  	v43 =	vadd.f32 v43, v33  }
0x2de: {  	v38 =	vadd.f32 v38, v0;
	v0 =	vld [tilespmem:$0x1FF30]  }
0x2df: {  	v43 =	vmul.f32 $5.000000000e-01, v43;
	v39 =	vmul.f32 $5.000000000e-01, v39;
	_ =	sdelay $0x1  }
0x2e0: {  	v39 =	vsub.f32 v43, v39;
	v43 =	vld [tilespmem:$0x1FF50]  }
0x2e1: {  	v32 =	vpop (erf)  }
0x2e2: {  	v40 =	vadd.f32 v40, v0;
	v0 =	vld [tilespmem:$0x1FF40];
	v63 =	vmul.f32 v32, v34  }
0x2e3: {  	v32 =	vld [tilespmem:$0x9B80]  }
0x2e4: {  	v61 =	vadd.f32 v63, v61;
	v63 =	vld [tilespmem:$0x9B00]  }
0x2e5: {  	v43 =	vmul.f32 v43, v44;
	v44 =	vld [tilespmem:$0x1FF60];
	_ =	sdelay $0x1  }
0x2e6: {  	v33 =	vld [tilespmem:$0x9B10];
	v38 =	vmul.f32 $5.000000000e-01, v38;
	v40 =	vmul.f32 $5.000000000e-01, v40  }
0x2e7: {  	v42 =	vmul.f32 v0, v42;
	v0 =	vld [tilespmem:$0x9B90];
	v61 =	vmul.f32 $5.000000000e-01, v61  }
0x2e8: {  	v32 =	vmul.u32 v63, v32;
	v63 =	vld [tilespmem:$0x1FF70]  }
0x2e9: {  	v38 =	vsub.f32 v38, v40;
	v40 =	vadd.f32 v42, v44;
	v44 =	vld [tilespmem:$0x1FF80];
	(erf) = vrcp.f32 v61;
	_ =	sdelay $0x2  }
0x2ea: {  	v37 =	vmul.f32 v56, v37  }
0x2eb: {  	v42 =	vadd.f32 v43, v63;
	v63 =	vld [tilespmem:$0x1FF90]  }
0x2ec: {  	v37 =	vadd.f32 v37, v48;
	v0 =	vmul.u32 v33, v0;
	v33 =	vmul.f32 v44, v47;
	v44 =	vld [tilespmem:$0x9BA0]  }
0x2ed: {  	v36 =	vmul.f32 v53, v36;
	v39 =	vadd.f32 $1.000000000e+00, v39;
	v43 =	vld [tilespmem:$0x9B20]  }
0x2ee: {  	v37 =	vmul.f32 $5.000000000e-01, v37  }
0x2ef: {  	v36 =	vadd.f32 v36, v46;
	v39 =	vmax.f32 v39, $0.0e+00;
	v40 =	vmul.f32 $5.000000000e-01, v40  }
0x2f0: {  	v38 =	vadd.f32 $1.000000000e+00, v38;
	v42 =	vmul.f32 $5.000000000e-01, v42;
	v47 =	vmul.f32 v63, v52;
	v63 =	vpop (erf)  }
0x2f1: {  	v0 =	vcvt.s32.f32 v0;
	v33 =	vadd.f32 v33, v59;
	v59 =	vld [tilespmem:$0x1FFA0];
	v52 =	vmul.f32 v63, v34  }
0x2f2: {  	v32 =	vcvt.s32.f32 v32;
	v40 =	vsub.f32 v40, v42;
	v42 =	vld [tilespmem:$0x9B30];
	v43 =	vmul.u32 v43, v44  }
0x2f3: {  	v33 =	vmul.f32 $5.000000000e-01, v33;
	v47 =	vadd.f32 v47, v57;
	v57 =	vld [tilespmem:$0x9BB0];
	v63 =	vadd.f32 v52, v61  }
0x2f4: {  	v39 =	vmul.f32 v32, v39;
	v52 =	vadd.f32 $1.000000000e+00, v40;
	v40 =	vcvt.s32.f32 v43  }
0x2f5: {  	v38 =	vmax.f32 v38, $0.0e+00;
	v61 =	vld [tilespmem:$0x1FFB0];
	v47 =	vmul.f32 $5.000000000e-01, v47;
	v43 =	vmul.f32 $5.000000000e-01, v63  }
0x2f6: {  	v36 =	vmul.f32 $5.000000000e-01, v36;
	v38 =	vmul.f32 v0, v38;
	v39 =	vadd.f32 $0.0e+00, v39  }
0x2f7: {  	v44 =	vmul.f32 v59, v50;
	v59 =	vld [tilespmem:$0x1FFD0];
	v33 =	vsub.f32 v33, v47;
	(erf) = vrcp.f32 v43  }
0x2f8: {  	v38 =	vadd.f32 v38, v39;
	v39 =	vmax.f32 v52, $0.0e+00;
	v42 =	vmul.u32 v42, v57;
	v57 =	vld [tilespmem:$0x1FFC0]  }
0x2f9: {  	v36 =	vsub.f32 v37, v36;
	v39 =	vmul.f32 v40, v39;
	v33 =	vadd.f32 $1.000000000e+00, v33  }
0x2fa: {  	v0 =	vadd.f32 v0, v32;
	v50 =	vld [tilespmem:$0x9BD0];
	v47 =	vmul.f32 v61, v55;
	v42 =	vcvt.s32.f32 v42  }
0x2fb: {  	v52 =	vadd.f32 v44, v54;
	v63 =	vadd.f32 v39, v38;
	v38 =	vld [tilespmem:$0x9B40];
	v33 =	vmax.f32 v33, $0.0e+00  }
0x2fc: {  	v41 =	vmul.f32 v59, v41;
	v55 =	vld [tilespmem:$0x9BC0];
	v54 =	vadd.f32 v47, v60;
	v33 =	vmul.f32 v42, v33  }
0x2fd: {  	v0 =	vadd.f32 v40, v0;
	v60 =	vmul.f32 $5.000000000e-01, v52;
	v52 =	vld [tilespmem:$0x9B60];
	v40 =	vmul.f32 v57, v58  }
0x2fe: {  	v61 =	vmul.f32 $5.000000000e-01, v54;
	v54 =	vld [tilespmem:$0x9BE0];
	v32 =	vadd.f32 v33, v63;
	v63 =	vadd.f32 v41, v49  }
0x2ff: {  	v35 =	vmul.f32 v51, v35;
	v49 =	vld [tilespmem:$0x9B50];
	v40 =	vadd.f32 v40, v62  }
0x300: {  	v36 =	vadd.f32 $1.000000000e+00, v36;
	v33 =	vsub.f32 v60, v61;
	v39 =	vmul.f32 $5.000000000e-01, v63;
	v53 =	vpop (erf)  }
0x301: {  	v56 =	vld [tilespmem:$0x9BF0];
	v35 =	vadd.f32 v35, v45;
	v40 =	vmul.f32 $5.000000000e-01, v40;
	v34 =	vmul.f32 v53, v34  }
0x302: {  	v0 =	vadd.f32 v42, v0;
	v38 =	vmul.u32 v38, v55;
	v55 =	vld [tilespmem:$0x9B70];
	v33 =	vadd.f32 $1.000000000e+00, v33  }
0x303: {  	v35 =	vmul.f32 $5.000000000e-01, v35;
	v39 =	vsub.f32 v40, v39;
	v34 =	vadd.f32 v34, v43  }
0x304: {  	v38 =	vcvt.s32.f32 v38;
	v58 =	vmul.u32 v52, v54;
	v41 =	vmul.u32 v49, v50  }
0x305: {  	v33 =	vmax.f32 v33, $0.0e+00;
	v57 =	vadd.f32 $1.000000000e+00, v39;
	v34 =	vmul.f32 $5.000000000e-01, v34  }
0x306: {  	v0 =	vadd.f32 v38, v0;
	v33 =	vmul.f32 v38, v33;
	v59 =	vcvt.s32.f32 v41  }
0x307: {  	v61 =	vmul.u32 v55, v56;
	v60 =	vmax.f32 v57, $0.0e+00;
	v34 =	vsub.f32 v35, v34  }
0x308: {  	v32 =	vadd.f32 v33, v32;
	v33 =	vcvt.s32.f32 v58;
	v35 =	vmul.f32 v59, v60  }
0x309: {  	v36 =	vmax.f32 v36, $0.0e+00;
	v0 =	vadd.f32 v59, v0;
	v34 =	vadd.f32 $1.000000000e+00, v34  }
0x30a: {  	v63 =	vcvt.s32.f32 v61;
	v62 =	vmul.f32 v33, v36;
	v32 =	vadd.f32 v35, v32  }
0x30b: {  	v0 =	vadd.f32 v33, v0;
	v34 =	vmax.f32 v34, $0.0e+00  }
0x30c: {  	v32 =	vadd.f32 v62, v32;
	v34 =	vmul.f32 v63, v34  }
0x30d: {  	v0 =	vadd.f32 v63, v0  }
0x30e: {  	v32 =	vadd.f32 v34, v32  }
0x30f: {  	[tilespmem:$0xFD10] =	vst v0  }
0x310: {  	s1 =	rddreg [dreg:$0x4];
	s5 =	simm.s32 $0xFD00;
	[tilespmem:$0xFD00] =	vst v32  }
0x311: {  	[hbm4b:s1+s3] =	stream.linear.scatter [tilespmem:s5], [sflag:$0x2], $0x10, $0x38;
	[tilespmem:$0xFD20] =	vst v63  }
0x312: {  	s2 =	sadd.s32 $0x1, s2;
	_ =	swait.ge [sflag:s22], $0x10  }
0x313: {  	s31 =	simm.s32 $0xFD10;
	p0 =	sne.s32 s2, s20;
	[sflag:s22] =	ssyncset.done $0x0  }
.Ltmp9:
0x314: {  	s28 =	rddreg [dreg:$0x5];
	[sflag:s22] =	ssyncadd.s32 $0xFFFFFFF0;
	(pc) =	sbr.rel @p0 .LBB2_1-.Ltmp9, $4  }
0x315: {  	[hbm4b:s28+s3] =	stream.linear.scatter [tilespmem:s31], [sflag:$0x2], $0x10, $0x38;
	[tilespmem:$0xFD20] =	vst v63  }
0x316: {  	_ =	swait.ge [sflag:s22], $0x10  }
0x317: {  	[sflag:s22] =	ssyncset.done $0x0  }
0x318: {  	v0 =	vld [tilespmem:$0x1FFF0];
	[sflag:s22] =	ssyncadd.s32 $0xFFFFFFF0  }
0x319: {  	_ =	sfence.sel $0x180000  }
0x31a: {  	[bflag:$0x0] =	sbarrier.arrive $0xFFFF  }
0x31b: {  	_ =	strace $0x90000047  }
0x31c: {  	s0 =	stileid.u32;
	[bflag:$0x2] =	sbarrier.arrive $0xFFFF  }
0x31d: {  	p0 =	sne.s32 s0, $0x0;
	s0 =	rddreg [dreg:$0x2]  }
0x31e: {  	s0 =	sadd.s32 @!p0 $0x100000, s0  }
0x31f: {  	[sflag:s0] =	ssyncadd.tile.s32 @!p0 $0x1;
	_ =	shalt  }
.Lfunc_end2:
_tile_overlayer_lowered:
.L_overlay_start_2:
0x320: {  	(tag) =	ssettag $0x2  }
0x321: {  	s0 =	rddreg [dreg:$0x0];
	s2 =	stileid.u32  }
0x322: {  	s1 =	rddreg [dreg:$0x1];
	p0 =	sne.s32 s2, $0x0  }
0x323: {  	s3 =	rddreg [dreg:$0x2];
	[bflag:$0x3] =	sbarrier.arrive $0xFFFF;
	s2 =	simm.s32 @!p0 $0x1C02  }
0x324: {  	[timem:s3], [sflag:s2] =	dma.local @!p0 [hbm:s0], s1  }
0x325: {  	s0 =	simm.s32 @!p0 $0x2  }
0x326: {  	_ =	swait.ge @!p0 [sflag:s0], s1  }
0x327: {  	s1 =	ssub.s32 @!p0 $0x0, s1;
	[sflag:s0] =	ssyncset.done @!p0 $0x0  }
0x328: {  	[sflag:s0] =	ssyncadd.s32 @!p0 s1  }
0x329: {  	[bflag:$0x3] =	sbarrier.arrive $0xFFFF  }
0x32a: {  	_ =	shalt  }

</sc_bundles>
